<compile_context>
chip_gen: v7x
topology: tpu7x:2x2x1
jax: 0.10.2.dev20260603
libtpu: 0.0.44.dev20260713+nightly
codegen_flags: <defaults>
</compile_context>

<pallas_src>
import functools

import jax
import jax.numpy as jnp
from jax import lax
from jax.experimental import pallas as pl
from jax.experimental.pallas import tpu as pltpu
from jax.experimental.pallas import tpu_sc as plsc

B, T = 4096, 50
NTOK = B * T
FINAL = 192

NW = 32
BPW = NTOK // NW
CHUNK = 256
NCHUNK = BPW // CHUNK
SUB = 128
NSUB = CHUNK // SUB

BB = 2048
NB = B // BB


def _sc_gather_rows(table2, idx):
    mesh = plsc.VectorSubcoreMesh(core_axis_name="c", subcore_axis_name="s")

    @functools.partial(
        pl.kernel,
        mesh=mesh,
        out_type=jax.ShapeDtypeStruct((NTOK, 128), jnp.float32),
        scratch_types=[
            pltpu.VMEM((BPW,), jnp.int32),
            pltpu.VMEM((CHUNK, 128), jnp.float32),
            pltpu.VMEM((CHUNK, 128), jnp.float32),
            pltpu.SemaphoreType.DMA,
            pltpu.SemaphoreType.DMA,
            pltpu.SemaphoreType.DMA,
            pltpu.SemaphoreType.DMA,
        ],
    )
    def gather_kernel(table_hbm, idx_hbm, out_hbm, idx_v, rows0, rows1,
                      g0, g1, w0, w1, ):
        wid = lax.axis_index("s") * 2 + lax.axis_index("c")
        base0 = wid * BPW
        rows = (rows0, rows1)
        gsem = (g0, g1)
        wsem = (w0, w1)
        pltpu.sync_copy(idx_hbm.at[pl.ds(base0, BPW)], idx_v)

        def fire(j, b):
            return [
                pltpu.async_copy(
                    table_hbm.at[idx_v.at[pl.ds(j * CHUNK + k * SUB, SUB)]],
                    rows[b].at[pl.ds(k * SUB, SUB)],
                    gsem[b],
                )
                for k in range(NSUB)
            ]

        ga = [fire(0, 0), None]
        wb = [None, None]
        for j in range(NCHUNK):
            b = j % 2
            nb = (j + 1) % 2
            if j + 1 < NCHUNK:
                if wb[nb] is not None:
                    wb[nb].wait()
                    wb[nb] = None
                ga[nb] = fire(j + 1, nb)
            for c in ga[b]:
                c.wait()
            if wb[b] is not None:
                wb[b].wait()
            wb[b] = pltpu.async_copy(
                rows[b], out_hbm.at[pl.ds(base0 + j * CHUNK, CHUNK)],
                wsem[b])
        for b in (0, 1):
            if wb[b] is not None:
                wb[b].wait()

    return gather_kernel(table2, idx)


NLOC = 1000000
TBLK = 16384
TGRID = (NLOC + TBLK - 1) // TBLK


def _tpad_body(wt_ref, out_ref):
    tr = lax.transpose(wt_ref[...], (1, 0))
    out_ref[...] = jnp.concatenate(
        [tr, jnp.zeros((TBLK, 64), jnp.float32)], axis=1)


def _transpose_pad(W_loc):
    wt = lax.transpose(W_loc, (1, 0))
    return pl.pallas_call(
        _tpad_body,
        grid=(TGRID,),
        in_specs=[pl.BlockSpec((64, TBLK), lambda i: (0, i))],
        out_specs=pl.BlockSpec((TBLK, 128), lambda i: (i, 0)),
        out_shape=jax.ShapeDtypeStruct((NLOC, 128), jnp.float32),
    )(wt)


def _tc_body(day_ref, time_ref, dow_ref, wd_ref, locidx_ref, loc3_ref,
             wct_ref, g_ref, b_ref, out_ref):
    t = pl.program_id(1)
    d = day_ref[pl.ds(t, 1), :]
    tt = time_ref[pl.ds(t, 1), :] + 75
    dw = dow_ref[pl.ds(t, 1), :] + 123
    wd = wd_ref[pl.ds(t, 1), :] + 130
    iot = lax.broadcasted_iota(jnp.int32, (132, BB), 0)
    oh = ((iot == d) | (iot == tt) | (iot == dw) | (iot == wd)).astype(
        jnp.bfloat16)
    wct = wct_ref[...]
    wct_hi = wct.astype(jnp.bfloat16)
    wct_lo = (wct - wct_hi.astype(jnp.float32)).astype(jnp.bfloat16)
    small = (jnp.dot(wct_hi, oh, preferred_element_type=jnp.float32) +
             jnp.dot(wct_lo, oh, preferred_element_type=jnp.float32))

    locrows = loc3_ref[0, :, 0:64]
    locsel = lax.transpose(locrows, (1, 0))

    h = jnp.concatenate([small, locsel], axis=0)
    mean = jnp.mean(h, axis=0, keepdims=True)
    hc = h - mean
    var = jnp.mean(hc * hc, axis=0, keepdims=True)
    inv = lax.rsqrt(var + 1e-5)
    out_ref[0] = hc * inv * g_ref[...] + b_ref[...]


def kernel(day, time, dow, weekday, location, W_day, W_time, W_dow,
           W_weekday, W_loc, ln_gamma, ln_beta):
    table2 = _transpose_pad(W_loc)

    day_t = lax.transpose(day.astype(jnp.int32), (1, 0))
    time_t = lax.transpose(time.astype(jnp.int32), (1, 0))
    dow_t = lax.transpose(dow.astype(jnp.int32), (1, 0))
    wd_t = lax.transpose(weekday.astype(jnp.int32), (1, 0))
    loc_t = lax.transpose(location.astype(jnp.int32), (1, 0))

    loc_flat = loc_t.reshape(NTOK)
    loc3 = _sc_gather_rows(table2, loc_flat).reshape(T, B, 128)

    wct = jnp.zeros((128, 132), jnp.float32)
    wct = wct.at[0:32, 0:75].set(W_day.T)
    wct = wct.at[32:64, 75:123].set(W_time.T)
    wct = wct.at[64:96, 123:130].set(W_dow.T)
    wct = wct.at[96:128, 130:132].set(W_weekday.T)

    out_t = pl.pallas_call(
        _tc_body,
        grid=(NB, T),
        in_specs=[
            pl.BlockSpec((T, BB), lambda i, t: (0, i)),
            pl.BlockSpec((T, BB), lambda i, t: (0, i)),
            pl.BlockSpec((T, BB), lambda i, t: (0, i)),
            pl.BlockSpec((T, BB), lambda i, t: (0, i)),
            pl.BlockSpec((T, BB), lambda i, t: (0, i)),
            pl.BlockSpec((1, BB, 128), lambda i, t: (t, i, 0)),
            pl.BlockSpec((128, 132), lambda i, t: (0, 0)),
            pl.BlockSpec((FINAL, 1), lambda i, t: (0, 0)),
            pl.BlockSpec((FINAL, 1), lambda i, t: (0, 0)),
        ],
        out_specs=pl.BlockSpec((1, FINAL, BB), lambda i, t: (t, 0, i)),
        out_shape=jax.ShapeDtypeStruct((T, FINAL, B), jnp.float32),
    )(day_t, time_t, dow_t, wd_t, loc_t, loc3, wct,
      ln_gamma.reshape(FINAL, 1), ln_beta.reshape(FINAL, 1))

    return lax.transpose(out_t, (2, 0, 1))

# --- scband reference (transcript-rebuilt; emitter-appended) ---
"""Pipeline reference for scband-embedding-layer-58067957842699 (READ-ONLY COPY).

The authoritative reference and input builder live on the scoring server;
editing this copy changes nothing except your own understanding.
"""

import jax, jax.numpy as jnp
import numpy as np

B, T = 4096, 50
NUM_LOC = 1000000
D_DAY, D_TIME, D_DOW, D_WD, D_LOC = 32, 32, 32, 32, 64
FINAL_DIM = D_DAY + D_TIME + D_DOW + D_WD + D_LOC


def setup_inputs(seed: int = 0) -> dict:
    key = jax.random.key(seed)
    ks = jax.random.split(key, 12)
    inp = {}
    inp["day"] = jax.random.randint(ks[0], (B, T), 0, 75, dtype=jnp.int64 if jax.config.jax_enable_x64 else jnp.int32)
    inp["time"] = jax.random.randint(ks[1], (B, T), 0, 48)
    inp["dow"] = jax.random.randint(ks[2], (B, T), 0, 7)
    inp["weekday"] = jax.random.randint(ks[3], (B, T), 0, 2)
    inp["location"] = jax.random.randint(ks[4], (B, T), 0, NUM_LOC)
    # learned parameters (embedding tables + LayerNorm affine)
    inp["W_day"] = jax.random.normal(ks[5], (75, D_DAY), dtype=jnp.float32)
    inp["W_time"] = jax.random.normal(ks[6], (48, D_TIME), dtype=jnp.float32)
    inp["W_dow"] = jax.random.normal(ks[7], (7, D_DOW), dtype=jnp.float32)
    inp["W_weekday"] = jax.random.normal(ks[8], (2, D_WD), dtype=jnp.float32)
    inp["W_loc"] = jax.random.normal(ks[9], (NUM_LOC, D_LOC), dtype=jnp.float32)
    inp["ln_gamma"] = jnp.ones((FINAL_DIM,), dtype=jnp.float32)
    inp["ln_beta"] = jnp.zeros((FINAL_DIM,), dtype=jnp.float32)
    return inp


def _layer_norm(h, gamma, beta, eps=1e-5):
    mean = jnp.mean(h, axis=-1, keepdims=True)
    var = jnp.var(h, axis=-1, keepdims=True)
    return (h - mean) / jnp.sqrt(var + eps) * gamma + beta


def reference(day, time, dow, weekday, location, W_day, W_time, W_dow, W_weekday, W_loc, ln_gamma, ln_beta):
    # Each FeatureBlock in 'categorical'-only mode is a plain embedding lookup.
    outs = [
        jnp.take(W_day, day, axis=0),
        jnp.take(W_time, time, axis=0),
        jnp.take(W_dow, dow, axis=0),
        jnp.take(W_weekday, weekday, axis=0),
        jnp.take(W_loc, location, axis=0),
    ]
    # outer combine_mode='cat' -> concat along feature dim, then LayerNorm
    h = jnp.concatenate(outs, axis=-1)  # (B, T, FINAL_DIM)
    h = _layer_norm(h, ln_gamma, ln_beta)
    # dropout=0.0 (eval / p=0) -> identity
    return h

if __name__ == "__main__":
    import jax
    _d = setup_inputs()
    print(jax.jit(kernel)(*tuple(_d.values())))

</pallas_src>

<mosaic_0001>
#map = affine_map<(d0, d1) -> (0, 0)>
#map1 = affine_map<(d0, d1) -> (0)>
module attributes {stable_mosaic.version = 14 : i64} {
  func.func @gather_kernel(%arg0: i32, %arg1: i32, %arg2: memref<1000000x128xf32, #tpu.memory_space<hbm>>, %arg3: memref<204800xi32, #tpu.memory_space<hbm>>, %arg4: memref<204800x128xf32, #tpu.memory_space<hbm>>, %arg5: memref<6400xi32, #tpu.memory_space<vmem>>, %arg6: memref<256x128xf32, #tpu.memory_space<vmem>>, %arg7: memref<256x128xf32, #tpu.memory_space<vmem>>, %arg8: memref<!tpu.dma_semaphore, #tpu.memory_space<semaphore_mem>>, %arg9: memref<!tpu.dma_semaphore, #tpu.memory_space<semaphore_mem>>, %arg10: memref<!tpu.dma_semaphore, #tpu.memory_space<semaphore_mem>>, %arg11: memref<!tpu.dma_semaphore, #tpu.memory_space<semaphore_mem>>) attributes {dimension_semantics = [#tpu.dimension_semantics<core_parallel>, #tpu.dimension_semantics<subcore_parallel>], iteration_bounds = array<i64: 2, 16>, scalar_prefetch = 0 : i64, scratch_operands = 7 : i64, tpu.core_type = #tpu.core_type<sc_vector_subcore>, window_params = [{transform_indices = #map}, {transform_indices = #map1}, {transform_indices = #map}]} {
    %mul3A = arith.constant 2 : i32
    %mul3A_0 = arith.muli %arg1, %mul3A : i32
    %add3A = arith.addi %mul3A_0, %arg0 : i32
    %mul3A_1 = arith.constant 6400 : i32
    %mul3A_2 = arith.muli %add3A, %mul3A_1 : i32
    "tpu.region"() ({
      %run_scoped3A = tpu.sem_alloc : memref<!tpu.dma_semaphore, #tpu.memory_space<semaphore_mem>>
      %dma_start3A_1051 = tpu.memref_slice %arg3[%mul3A_2] : memref<204800xi32, #tpu.memory_space<hbm>> -> memref<6400xi32, #tpu.memory_space<hbm>>
      %dma_start3A_1052 = tpu.memref_slice %arg3[%mul3A_2] : memref<204800xi32, #tpu.memory_space<hbm>> -> memref<6400xi32, #tpu.memory_space<hbm>>
      tpu.enqueue_dma source(%dma_start3A_1052 : memref<6400xi32, #tpu.memory_space<hbm>>) target(%arg5 : memref<6400xi32, #tpu.memory_space<vmem>>) target_semaphore(%run_scoped3A : memref<!tpu.dma_semaphore, #tpu.memory_space<semaphore_mem>>)
      %dma_wait3A_1053 = tpu.memref_slice %arg3[%mul3A_2] : memref<204800xi32, #tpu.memory_space<hbm>> -> memref<6400xi32, #tpu.memory_space<hbm>>
      %dma_wait3A_1054 = tpu.memref_slice %arg3[%mul3A_2] : memref<204800xi32, #tpu.memory_space<hbm>> -> memref<6400xi32, #tpu.memory_space<hbm>>
      tpu.wait_dma2 semaphore(%run_scoped3A : memref<!tpu.dma_semaphore, #tpu.memory_space<semaphore_mem>>) src(%dma_wait3A_1054 : memref<6400xi32, #tpu.memory_space<hbm>>) dst(%arg5 : memref<6400xi32, #tpu.memory_space<vmem>>)
      tpu.yield
    }) : () -> ()
    %dma_start3A = arith.constant 0 : i32
    %dma_start3A_3 = arith.constant 0 : i32
    %dma_start3A_4 = tpu.memref_slice %arg6[%dma_start3A, %dma_start3A_3] : memref<256x128xf32, #tpu.memory_space<vmem>> -> memref<128x128xf32, #tpu.memory_space<vmem>>
    %dma_start3A_5 = arith.constant 0 : i32
    %dma_start3A_6 = tpu.memref_slice %arg5[%dma_start3A_5] : memref<6400xi32, #tpu.memory_space<vmem>> -> memref<128xi32, #tpu.memory_space<vmem>>
    %dma_start3A_7 = arith.constant 0 : i32
    %dma_start3A_8 = arith.constant 0 : i32
    %dma_start3A_9 = tpu.memref_slice %arg2[%dma_start3A_7, %dma_start3A_8] : memref<1000000x128xf32, #tpu.memory_space<hbm>> -> memref<1000000x128xf32, #tpu.memory_space<hbm>>
    tpu.enqueue_indirect_dma source(%dma_start3A_9 : memref<1000000x128xf32, #tpu.memory_space<hbm>>) target(%dma_start3A_4 : memref<128x128xf32, #tpu.memory_space<vmem>>) offsets(%dma_start3A_6 : memref<128xi32, #tpu.memory_space<vmem>>) semaphore(%arg8 : memref<!tpu.dma_semaphore, #tpu.memory_space<semaphore_mem>>)
    %dma_start3A_10 = arith.constant 128 : i32
    %dma_start3A_11 = arith.constant 0 : i32
    %dma_start3A_12 = tpu.memref_slice %arg6[%dma_start3A_10, %dma_start3A_11] : memref<256x128xf32, #tpu.memory_space<vmem>> -> memref<128x128xf32, #tpu.memory_space<vmem>>
    %dma_start3A_13 = arith.constant 128 : i32
    %dma_start3A_14 = tpu.memref_slice %arg5[%dma_start3A_13] : memref<6400xi32, #tpu.memory_space<vmem>> -> memref<128xi32, #tpu.memory_space<vmem>>
    %dma_start3A_15 = arith.constant 0 : i32
    %dma_start3A_16 = arith.constant 0 : i32
    %dma_start3A_17 = tpu.memref_slice %arg2[%dma_start3A_15, %dma_start3A_16] : memref<1000000x128xf32, #tpu.memory_space<hbm>> -> memref<1000000x128xf32, #tpu.memory_space<hbm>>
    tpu.enqueue_indirect_dma source(%dma_start3A_17 : memref<1000000x128xf32, #tpu.memory_space<hbm>>) target(%dma_start3A_12 : memref<128x128xf32, #tpu.memory_space<vmem>>) offsets(%dma_start3A_14 : memref<128xi32, #tpu.memory_space<vmem>>) semaphore(%arg8 : memref<!tpu.dma_semaphore, #tpu.memory_space<semaphore_mem>>)
    %dma_start3A_18 = arith.constant 0 : i32
    %dma_start3A_19 = arith.constant 0 : i32
    %dma_start3A_20 = tpu.memref_slice %arg7[%dma_start3A_18, %dma_start3A_19] : memref<256x128xf32, #tpu.memory_space<vmem>> -> memref<128x128xf32, #tpu.memory_space<vmem>>
    %dma_start3A_21 = arith.constant 256 : i32
    %dma_start3A_22 = tpu.memref_slice %arg5[%dma_start3A_21] : memref<6400xi32, #tpu.memory_space<vmem>> -> memref<128xi32, #tpu.memory_space<vmem>>
    %dma_start3A_23 = arith.constant 0 : i32
    %dma_start3A_24 = arith.constant 0 : i32
    %dma_start3A_25 = tpu.memref_slice %arg2[%dma_start3A_23, %dma_start3A_24] : memref<1000000x128xf32, #tpu.memory_space<hbm>> -> memref<1000000x128xf32, #tpu.memory_space<hbm>>
    tpu.enqueue_indirect_dma source(%dma_start3A_25 : memref<1000000x128xf32, #tpu.memory_space<hbm>>) target(%dma_start3A_20 : memref<128x128xf32, #tpu.memory_space<vmem>>) offsets(%dma_start3A_22 : memref<128xi32, #tpu.memory_space<vmem>>) semaphore(%arg9 : memref<!tpu.dma_semaphore, #tpu.memory_space<semaphore_mem>>)
    %dma_start3A_26 = arith.constant 128 : i32
    %dma_start3A_27 = arith.constant 0 : i32
    %dma_start3A_28 = tpu.memref_slice %arg7[%dma_start3A_26, %dma_start3A_27] : memref<256x128xf32, #tpu.memory_space<vmem>> -> memref<128x128xf32, #tpu.memory_space<vmem>>
    %dma_start3A_29 = arith.constant 384 : i32
    %dma_start3A_30 = tpu.memref_slice %arg5[%dma_start3A_29] : memref<6400xi32, #tpu.memory_space<vmem>> -> memref<128xi32, #tpu.memory_space<vmem>>
    %dma_start3A_31 = arith.constant 0 : i32
    %dma_start3A_32 = arith.constant 0 : i32
    %dma_start3A_33 = tpu.memref_slice %arg2[%dma_start3A_31, %dma_start3A_32] : memref<1000000x128xf32, #tpu.memory_space<hbm>> -> memref<1000000x128xf32, #tpu.memory_space<hbm>>
    tpu.enqueue_indirect_dma source(%dma_start3A_33 : memref<1000000x128xf32, #tpu.memory_space<hbm>>) target(%dma_start3A_28 : memref<128x128xf32, #tpu.memory_space<vmem>>) offsets(%dma_start3A_30 : memref<128xi32, #tpu.memory_space<vmem>>) semaphore(%arg9 : memref<!tpu.dma_semaphore, #tpu.memory_space<semaphore_mem>>)
    %dma_wait3A = arith.constant 0 : i32
    %dma_wait3A_34 = arith.constant 0 : i32
    %dma_wait3A_35 = tpu.memref_slice %arg6[%dma_wait3A, %dma_wait3A_34] : memref<256x128xf32, #tpu.memory_space<vmem>> -> memref<128x128xf32, #tpu.memory_space<vmem>>
    %dma_wait3A_36 = arith.constant 0 : i32
    %dma_wait3A_37 = tpu.memref_slice %arg5[%dma_wait3A_36] : memref<6400xi32, #tpu.memory_space<vmem>> -> memref<128xi32, #tpu.memory_space<vmem>>
    %dma_wait3A_38 = arith.constant 0 : i32
    %dma_wait3A_39 = arith.constant 0 : i32
    %dma_wait3A_40 = tpu.memref_slice %arg2[%dma_wait3A_38, %dma_wait3A_39] : memref<1000000x128xf32, #tpu.memory_space<hbm>> -> memref<1000000x128xf32, #tpu.memory_space<hbm>>
    tpu.wait_indirect_dma semaphore(%arg8 : memref<!tpu.dma_semaphore, #tpu.memory_space<semaphore_mem>>) src(%dma_wait3A_40 : memref<1000000x128xf32, #tpu.memory_space<hbm>>) dst(%dma_wait3A_35 : memref<128x128xf32, #tpu.memory_space<vmem>>)
    %dma_wait3A_41 = arith.constant 128 : i32
    %dma_wait3A_42 = arith.constant 0 : i32
    %dma_wait3A_43 = tpu.memref_slice %arg6[%dma_wait3A_41, %dma_wait3A_42] : memref<256x128xf32, #tpu.memory_space<vmem>> -> memref<128x128xf32, #tpu.memory_space<vmem>>
    %dma_wait3A_44 = arith.constant 128 : i32
    %dma_wait3A_45 = tpu.memref_slice %arg5[%dma_wait3A_44] : memref<6400xi32, #tpu.memory_space<vmem>> -> memref<128xi32, #tpu.memory_space<vmem>>
    %dma_wait3A_46 = arith.constant 0 : i32
    %dma_wait3A_47 = arith.constant 0 : i32
    %dma_wait3A_48 = tpu.memref_slice %arg2[%dma_wait3A_46, %dma_wait3A_47] : memref<1000000x128xf32, #tpu.memory_space<hbm>> -> memref<1000000x128xf32, #tpu.memory_space<hbm>>
    tpu.wait_indirect_dma semaphore(%arg8 : memref<!tpu.dma_semaphore, #tpu.memory_space<semaphore_mem>>) src(%dma_wait3A_48 : memref<1000000x128xf32, #tpu.memory_space<hbm>>) dst(%dma_wait3A_43 : memref<128x128xf32, #tpu.memory_space<vmem>>)
    %add3A_49 = arith.constant 0 : i32
    %add3A_50 = arith.addi %mul3A_2, %add3A_49 : i32
    %dma_start3A_51 = arith.constant 0 : i32
    %dma_start3A_52 = tpu.memref_slice %arg4[%add3A_50, %dma_start3A_51] : memref<204800x128xf32, #tpu.memory_space<hbm>> -> memref<256x128xf32, #tpu.memory_space<hbm>>
    %dma_start3A_53 = arith.constant 0 : i32
    %dma_start3A_54 = tpu.memref_slice %arg4[%add3A_50, %dma_start3A_53] : memref<204800x128xf32, #tpu.memory_space<hbm>> -> memref<256x128xf32, #tpu.memory_space<hbm>>
    tpu.enqueue_dma source(%arg6 : memref<256x128xf32, #tpu.memory_space<vmem>>) target(%dma_start3A_54 : memref<256x128xf32, #tpu.memory_space<hbm>>) target_semaphore(%arg10 : memref<!tpu.dma_semaphore, #tpu.memory_space<semaphore_mem>>)
    %dma_wait3A_55 = arith.constant 0 : i32
    %dma_wait3A_56 = tpu.memref_slice %arg4[%add3A_50, %dma_wait3A_55] : memref<204800x128xf32, #tpu.memory_space<hbm>> -> memref<256x128xf32, #tpu.memory_space<hbm>>
    %dma_wait3A_57 = arith.constant 0 : i32
    %dma_wait3A_58 = tpu.memref_slice %arg4[%add3A_50, %dma_wait3A_57] : memref<204800x128xf32, #tpu.memory_space<hbm>> -> memref<256x128xf32, #tpu.memory_space<hbm>>
    tpu.wait_dma2 semaphore(%arg10 : memref<!tpu.dma_semaphore, #tpu.memory_space<semaphore_mem>>) src(%arg6 : memref<256x128xf32, #tpu.memory_space<vmem>>) dst(%dma_wait3A_58 : memref<256x128xf32, #tpu.memory_space<hbm>>)
    %dma_start3A_59 = arith.constant 0 : i32
    %dma_start3A_60 = arith.constant 0 : i32
    %dma_start3A_61 = tpu.memref_slice %arg6[%dma_start3A_59, %dma_start3A_60] : memref<256x128xf32, #tpu.memory_space<vmem>> -> memref<128x128xf32, #tpu.memory_space<vmem>>
    %dma_start3A_62 = arith.constant 512 : i32
    %dma_start3A_63 = tpu.memref_slice %arg5[%dma_start3A_62] : memref<6400xi32, #tpu.memory_space<vmem>> -> memref<128xi32, #tpu.memory_space<vmem>>
    %dma_start3A_64 = arith.constant 0 : i32
    %dma_start3A_65 = arith.constant 0 : i32
    %dma_start3A_66 = tpu.memref_slice %arg2[%dma_start3A_64, %dma_start3A_65] : memref<1000000x128xf32, #tpu.memory_space<hbm>> -> memref<1000000x128xf32, #tpu.memory_space<hbm>>
    tpu.enqueue_indirect_dma source(%dma_start3A_66 : memref<1000000x128xf32, #tpu.memory_space<hbm>>) target(%dma_start3A_61 : memref<128x128xf32, #tpu.memory_space<vmem>>) offsets(%dma_start3A_63 : memref<128xi32, #tpu.memory_space<vmem>>) semaphore(%arg8 : memref<!tpu.dma_semaphore, #tpu.memory_space<semaphore_mem>>)
    %dma_start3A_67 = arith.constant 128 : i32
    %dma_start3A_68 = arith.constant 0 : i32
    %dma_start3A_69 = tpu.memref_slice %arg6[%dma_start3A_67, %dma_start3A_68] : memref<256x128xf32, #tpu.memory_space<vmem>> -> memref<128x128xf32, #tpu.memory_space<vmem>>
    %dma_start3A_70 = arith.constant 640 : i32
    %dma_start3A_71 = tpu.memref_slice %arg5[%dma_start3A_70] : memref<6400xi32, #tpu.memory_space<vmem>> -> memref<128xi32, #tpu.memory_space<vmem>>
    %dma_start3A_72 = arith.constant 0 : i32
    %dma_start3A_73 = arith.constant 0 : i32
    %dma_start3A_74 = tpu.memref_slice %arg2[%dma_start3A_72, %dma_start3A_73] : memref<1000000x128xf32, #tpu.memory_space<hbm>> -> memref<1000000x128xf32, #tpu.memory_space<hbm>>
    tpu.enqueue_indirect_dma source(%dma_start3A_74 : memref<1000000x128xf32, #tpu.memory_space<hbm>>) target(%dma_start3A_69 : memref<128x128xf32, #tpu.memory_space<vmem>>) offsets(%dma_start3A_71 : memref<128xi32, #tpu.memory_space<vmem>>) semaphore(%arg8 : memref<!tpu.dma_semaphore, #tpu.memory_space<semaphore_mem>>)
    %dma_wait3A_75 = arith.constant 0 : i32
    %dma_wait3A_76 = arith.constant 0 : i32
    %dma_wait3A_77 = tpu.memref_slice %arg7[%dma_wait3A_75, %dma_wait3A_76] : memref<256x128xf32, #tpu.memory_space<vmem>> -> memref<128x128xf32, #tpu.memory_space<vmem>>
    %dma_wait3A_78 = arith.constant 256 : i32
    %dma_wait3A_79 = tpu.memref_slice %arg5[%dma_wait3A_78] : memref<6400xi32, #tpu.memory_space<vmem>> -> memref<128xi32, #tpu.memory_space<vmem>>
    %dma_wait3A_80 = arith.constant 0 : i32
    %dma_wait3A_81 = arith.constant 0 : i32
    %dma_wait3A_82 = tpu.memref_slice %arg2[%dma_wait3A_80, %dma_wait3A_81] : memref<1000000x128xf32, #tpu.memory_space<hbm>> -> memref<1000000x128xf32, #tpu.memory_space<hbm>>
    tpu.wait_indirect_dma semaphore(%arg9 : memref<!tpu.dma_semaphore, #tpu.memory_space<semaphore_mem>>) src(%dma_wait3A_82 : memref<1000000x128xf32, #tpu.memory_space<hbm>>) dst(%dma_wait3A_77 : memref<128x128xf32, #tpu.memory_space<vmem>>)
    %dma_wait3A_83 = arith.constant 128 : i32
    %dma_wait3A_84 = arith.constant 0 : i32
    %dma_wait3A_85 = tpu.memref_slice %arg7[%dma_wait3A_83, %dma_wait3A_84] : memref<256x128xf32, #tpu.memory_space<vmem>> -> memref<128x128xf32, #tpu.memory_space<vmem>>
    %dma_wait3A_86 = arith.constant 384 : i32
    %dma_wait3A_87 = tpu.memref_slice %arg5[%dma_wait3A_86] : memref<6400xi32, #tpu.memory_space<vmem>> -> memref<128xi32, #tpu.memory_space<vmem>>
    %dma_wait3A_88 = arith.constant 0 : i32
    %dma_wait3A_89 = arith.constant 0 : i32
    %dma_wait3A_90 = tpu.memref_slice %arg2[%dma_wait3A_88, %dma_wait3A_89] : memref<1000000x128xf32, #tpu.memory_space<hbm>> -> memref<1000000x128xf32, #tpu.memory_space<hbm>>
    tpu.wait_indirect_dma semaphore(%arg9 : memref<!tpu.dma_semaphore, #tpu.memory_space<semaphore_mem>>) src(%dma_wait3A_90 : memref<1000000x128xf32, #tpu.memory_space<hbm>>) dst(%dma_wait3A_85 : memref<128x128xf32, #tpu.memory_space<vmem>>)
    %add3A_91 = arith.constant 256 : i32
    %add3A_92 = arith.addi %mul3A_2, %add3A_91 : i32
    %dma_start3A_93 = arith.constant 0 : i32
    %dma_start3A_94 = tpu.memref_slice %arg4[%add3A_92, %dma_start3A_93] : memref<204800x128xf32, #tpu.memory_space<hbm>> -> memref<256x128xf32, #tpu.memory_space<hbm>>
    %dma_start3A_95 = arith.constant 0 : i32
    %dma_start3A_96 = tpu.memref_slice %arg4[%add3A_92, %dma_start3A_95] : memref<204800x128xf32, #tpu.memory_space<hbm>> -> memref<256x128xf32, #tpu.memory_space<hbm>>
    tpu.enqueue_dma source(%arg7 : memref<256x128xf32, #tpu.memory_space<vmem>>) target(%dma_start3A_96 : memref<256x128xf32, #tpu.memory_space<hbm>>) target_semaphore(%arg11 : memref<!tpu.dma_semaphore, #tpu.memory_space<semaphore_mem>>)
    %dma_wait3A_97 = arith.constant 0 : i32
    %dma_wait3A_98 = tpu.memref_slice %arg4[%add3A_92, %dma_wait3A_97] : memref<204800x128xf32, #tpu.memory_space<hbm>> -> memref<256x128xf32, #tpu.memory_space<hbm>>
    %dma_wait3A_99 = arith.constant 0 : i32
    %dma_wait3A_100 = tpu.memref_slice %arg4[%add3A_92, %dma_wait3A_99] : memref<204800x128xf32, #tpu.memory_space<hbm>> -> memref<256x128xf32, #tpu.memory_space<hbm>>
    tpu.wait_dma2 semaphore(%arg11 : memref<!tpu.dma_semaphore, #tpu.memory_space<semaphore_mem>>) src(%arg7 : memref<256x128xf32, #tpu.memory_space<vmem>>) dst(%dma_wait3A_100 : memref<256x128xf32, #tpu.memory_space<hbm>>)
    %dma_start3A_101 = arith.constant 0 : i32
    %dma_start3A_102 = arith.constant 0 : i32
    %dma_start3A_103 = tpu.memref_slice %arg7[%dma_start3A_101, %dma_start3A_102] : memref<256x128xf32, #tpu.memory_space<vmem>> -> memref<128x128xf32, #tpu.memory_space<vmem>>
    %dma_start3A_104 = arith.constant 768 : i32
    %dma_start3A_105 = tpu.memref_slice %arg5[%dma_start3A_104] : memref<6400xi32, #tpu.memory_space<vmem>> -> memref<128xi32, #tpu.memory_space<vmem>>
    %dma_start3A_106 = arith.constant 0 : i32
    %dma_start3A_107 = arith.constant 0 : i32
    %dma_start3A_108 = tpu.memref_slice %arg2[%dma_start3A_106, %dma_start3A_107] : memref<1000000x128xf32, #tpu.memory_space<hbm>> -> memref<1000000x128xf32, #tpu.memory_space<hbm>>
    tpu.enqueue_indirect_dma source(%dma_start3A_108 : memref<1000000x128xf32, #tpu.memory_space<hbm>>) target(%dma_start3A_103 : memref<128x128xf32, #tpu.memory_space<vmem>>) offsets(%dma_start3A_105 : memref<128xi32, #tpu.memory_space<vmem>>) semaphore(%arg9 : memref<!tpu.dma_semaphore, #tpu.memory_space<semaphore_mem>>)
    %dma_start3A_109 = arith.constant 128 : i32
    %dma_start3A_110 = arith.constant 0 : i32
    %dma_start3A_111 = tpu.memref_slice %arg7[%dma_start3A_109, %dma_start3A_110] : memref<256x128xf32, #tpu.memory_space<vmem>> -> memref<128x128xf32, #tpu.memory_space<vmem>>
    %dma_start3A_112 = arith.constant 896 : i32
    %dma_start3A_113 = tpu.memref_slice %arg5[%dma_start3A_112] : memref<6400xi32, #tpu.memory_space<vmem>> -> memref<128xi32, #tpu.memory_space<vmem>>
    %dma_start3A_114 = arith.constant 0 : i32
    %dma_start3A_115 = arith.constant 0 : i32
    %dma_start3A_116 = tpu.memref_slice %arg2[%dma_start3A_114, %dma_start3A_115] : memref<1000000x128xf32, #tpu.memory_space<hbm>> -> memref<1000000x128xf32, #tpu.memory_space<hbm>>
    tpu.enqueue_indirect_dma source(%dma_start3A_116 : memref<1000000x128xf32, #tpu.memory_space<hbm>>) target(%dma_start3A_111 : memref<128x128xf32, #tpu.memory_space<vmem>>) offsets(%dma_start3A_113 : memref<128xi32, #tpu.memory_space<vmem>>) semaphore(%arg9 : memref<!tpu.dma_semaphore, #tpu.memory_space<semaphore_mem>>)
    %dma_wait3A_117 = arith.constant 0 : i32
    %dma_wait3A_118 = arith.constant 0 : i32
    %dma_wait3A_119 = tpu.memref_slice %arg6[%dma_wait3A_117, %dma_wait3A_118] : memref<256x128xf32, #tpu.memory_space<vmem>> -> memref<128x128xf32, #tpu.memory_space<vmem>>
    %dma_wait3A_120 = arith.constant 512 : i32
    %dma_wait3A_121 = tpu.memref_slice %arg5[%dma_wait3A_120] : memref<6400xi32, #tpu.memory_space<vmem>> -> memref<128xi32, #tpu.memory_space<vmem>>
    %dma_wait3A_122 = arith.constant 0 : i32
    %dma_wait3A_123 = arith.constant 0 : i32
    %dma_wait3A_124 = tpu.memref_slice %arg2[%dma_wait3A_122, %dma_wait3A_123] : memref<1000000x128xf32, #tpu.memory_space<hbm>> -> memref<1000000x128xf32, #tpu.memory_space<hbm>>
    tpu.wait_indirect_dma semaphore(%arg8 : memref<!tpu.dma_semaphore, #tpu.memory_space<semaphore_mem>>) src(%dma_wait3A_124 : memref<1000000x128xf32, #tpu.memory_space<hbm>>) dst(%dma_wait3A_119 : memref<128x128xf32, #tpu.memory_space<vmem>>)
    %dma_wait3A_125 = arith.constant 128 : i32
    %dma_wait3A_126 = arith.constant 0 : i32
    %dma_wait3A_127 = tpu.memref_slice %arg6[%dma_wait3A_125, %dma_wait3A_126] : memref<256x128xf32, #tpu.memory_space<vmem>> -> memref<128x128xf32, #tpu.memory_space<vmem>>
    %dma_wait3A_128 = arith.constant 640 : i32
    %dma_wait3A_129 = tpu.memref_slice %arg5[%dma_wait3A_128] : memref<6400xi32, #tpu.memory_space<vmem>> -> memref<128xi32, #tpu.memory_space<vmem>>
    %dma_wait3A_130 = arith.constant 0 : i32
    %dma_wait3A_131 = arith.constant 0 : i32
    %dma_wait3A_132 = tpu.memref_slice %arg2[%dma_wait3A_130, %dma_wait3A_131] : memref<1000000x128xf32, #tpu.memory_space<hbm>> -> memref<1000000x128xf32, #tpu.memory_space<hbm>>
    tpu.wait_indirect_dma semaphore(%arg8 : memref<!tpu.dma_semaphore, #tpu.memory_space<semaphore_mem>>) src(%dma_wait3A_132 : memref<1000000x128xf32, #tpu.memory_space<hbm>>) dst(%dma_wait3A_127 : memref<128x128xf32, #tpu.memory_space<vmem>>)
    %add3A_133 = arith.constant 512 : i32
    %add3A_134 = arith.addi %mul3A_2, %add3A_133 : i32
    %dma_start3A_135 = arith.constant 0 : i32
    %dma_start3A_136 = tpu.memref_slice %arg4[%add3A_134, %dma_start3A_135] : memref<204800x128xf32, #tpu.memory_space<hbm>> -> memref<256x128xf32, #tpu.memory_space<hbm>>
    %dma_start3A_137 = arith.constant 0 : i32
    %dma_start3A_138 = tpu.memref_slice %arg4[%add3A_134, %dma_start3A_137] : memref<204800x128xf32, #tpu.memory_space<hbm>> -> memref<256x128xf32, #tpu.memory_space<hbm>>
    tpu.enqueue_dma source(%arg6 : memref<256x128xf32, #tpu.memory_space<vmem>>) target(%dma_start3A_138 : memref<256x128xf32, #tpu.memory_space<hbm>>) target_semaphore(%arg10 : memref<!tpu.dma_semaphore, #tpu.memory_space<semaphore_mem>>)
    %dma_wait3A_139 = arith.constant 0 : i32
    %dma_wait3A_140 = tpu.memref_slice %arg4[%add3A_134, %dma_wait3A_139] : memref<204800x128xf32, #tpu.memory_space<hbm>> -> memref<256x128xf32, #tpu.memory_space<hbm>>
    %dma_wait3A_141 = arith.constant 0 : i32
    %dma_wait3A_142 = tpu.memref_slice %arg4[%add3A_134, %dma_wait3A_141] : memref<204800x128xf32, #tpu.memory_space<hbm>> -> memref<256x128xf32, #tpu.memory_space<hbm>>
    tpu.wait_dma2 semaphore(%arg10 : memref<!tpu.dma_semaphore, #tpu.memory_space<semaphore_mem>>) src(%arg6 : memref<256x128xf32, #tpu.memory_space<vmem>>) dst(%dma_wait3A_142 : memref<256x128xf32, #tpu.memory_space<hbm>>)
    %dma_start3A_143 = arith.constant 0 : i32
    %dma_start3A_144 = arith.constant 0 : i32
    %dma_start3A_145 = tpu.memref_slice %arg6[%dma_start3A_143, %dma_start3A_144] : memref<256x128xf32, #tpu.memory_space<vmem>> -> memref<128x128xf32, #tpu.memory_space<vmem>>
    %dma_start3A_146 = arith.constant 1024 : i32
    %dma_start3A_147 = tpu.memref_slice %arg5[%dma_start3A_146] : memref<6400xi32, #tpu.memory_space<vmem>> -> memref<128xi32, #tpu.memory_space<vmem>>
    %dma_start3A_148 = arith.constant 0 : i32
    %dma_start3A_149 = arith.constant 0 : i32
    %dma_start3A_150 = tpu.memref_slice %arg2[%dma_start3A_148, %dma_start3A_149] : memref<1000000x128xf32, #tpu.memory_space<hbm>> -> memref<1000000x128xf32, #tpu.memory_space<hbm>>
    tpu.enqueue_indirect_dma source(%dma_start3A_150 : memref<1000000x128xf32, #tpu.memory_space<hbm>>) target(%dma_start3A_145 : memref<128x128xf32, #tpu.memory_space<vmem>>) offsets(%dma_start3A_147 : memref<128xi32, #tpu.memory_space<vmem>>) semaphore(%arg8 : memref<!tpu.dma_semaphore, #tpu.memory_space<semaphore_mem>>)
    %dma_start3A_151 = arith.constant 128 : i32
    %dma_start3A_152 = arith.constant 0 : i32
    %dma_start3A_153 = tpu.memref_slice %arg6[%dma_start3A_151, %dma_start3A_152] : memref<256x128xf32, #tpu.memory_space<vmem>> -> memref<128x128xf32, #tpu.memory_space<vmem>>
    %dma_start3A_154 = arith.constant 1152 : i32
    %dma_start3A_155 = tpu.memref_slice %arg5[%dma_start3A_154] : memref<6400xi32, #tpu.memory_space<vmem>> -> memref<128xi32, #tpu.memory_space<vmem>>
    %dma_start3A_156 = arith.constant 0 : i32
    %dma_start3A_157 = arith.constant 0 : i32
    %dma_start3A_158 = tpu.memref_slice %arg2[%dma_start3A_156, %dma_start3A_157] : memref<1000000x128xf32, #tpu.memory_space<hbm>> -> memref<1000000x128xf32, #tpu.memory_space<hbm>>
    tpu.enqueue_indirect_dma source(%dma_start3A_158 : memref<1000000x128xf32, #tpu.memory_space<hbm>>) target(%dma_start3A_153 : memref<128x128xf32, #tpu.memory_space<vmem>>) offsets(%dma_start3A_155 : memref<128xi32, #tpu.memory_space<vmem>>) semaphore(%arg8 : memref<!tpu.dma_semaphore, #tpu.memory_space<semaphore_mem>>)
    %dma_wait3A_159 = arith.constant 0 : i32
    %dma_wait3A_160 = arith.constant 0 : i32
    %dma_wait3A_161 = tpu.memref_slice %arg7[%dma_wait3A_159, %dma_wait3A_160] : memref<256x128xf32, #tpu.memory_space<vmem>> -> memref<128x128xf32, #tpu.memory_space<vmem>>
    %dma_wait3A_162 = arith.constant 768 : i32
    %dma_wait3A_163 = tpu.memref_slice %arg5[%dma_wait3A_162] : memref<6400xi32, #tpu.memory_space<vmem>> -> memref<128xi32, #tpu.memory_space<vmem>>
    %dma_wait3A_164 = arith.constant 0 : i32
    %dma_wait3A_165 = arith.constant 0 : i32
    %dma_wait3A_166 = tpu.memref_slice %arg2[%dma_wait3A_164, %dma_wait3A_165] : memref<1000000x128xf32, #tpu.memory_space<hbm>> -> memref<1000000x128xf32, #tpu.memory_space<hbm>>
    tpu.wait_indirect_dma semaphore(%arg9 : memref<!tpu.dma_semaphore, #tpu.memory_space<semaphore_mem>>) src(%dma_wait3A_166 : memref<1000000x128xf32, #tpu.memory_space<hbm>>) dst(%dma_wait3A_161 : memref<128x128xf32, #tpu.memory_space<vmem>>)
    %dma_wait3A_167 = arith.constant 128 : i32
    %dma_wait3A_168 = arith.constant 0 : i32
    %dma_wait3A_169 = tpu.memref_slice %arg7[%dma_wait3A_167, %dma_wait3A_168] : memref<256x128xf32, #tpu.memory_space<vmem>> -> memref<128x128xf32, #tpu.memory_space<vmem>>
    %dma_wait3A_170 = arith.constant 896 : i32
    %dma_wait3A_171 = tpu.memref_slice %arg5[%dma_wait3A_170] : memref<6400xi32, #tpu.memory_space<vmem>> -> memref<128xi32, #tpu.memory_space<vmem>>
    %dma_wait3A_172 = arith.constant 0 : i32
    %dma_wait3A_173 = arith.constant 0 : i32
    %dma_wait3A_174 = tpu.memref_slice %arg2[%dma_wait3A_172, %dma_wait3A_173] : memref<1000000x128xf32, #tpu.memory_space<hbm>> -> memref<1000000x128xf32, #tpu.memory_space<hbm>>
    tpu.wait_indirect_dma semaphore(%arg9 : memref<!tpu.dma_semaphore, #tpu.memory_space<semaphore_mem>>) src(%dma_wait3A_174 : memref<1000000x128xf32, #tpu.memory_space<hbm>>) dst(%dma_wait3A_169 : memref<128x128xf32, #tpu.memory_space<vmem>>)
    %add3A_175 = arith.constant 768 : i32
    %add3A_176 = arith.addi %mul3A_2, %add3A_175 : i32
    %dma_start3A_177 = arith.constant 0 : i32
    %dma_start3A_178 = tpu.memref_slice %arg4[%add3A_176, %dma_start3A_177] : memref<204800x128xf32, #tpu.memory_space<hbm>> -> memref<256x128xf32, #tpu.memory_space<hbm>>
    %dma_start3A_179 = arith.constant 0 : i32
    %dma_start3A_180 = tpu.memref_slice %arg4[%add3A_176, %dma_start3A_179] : memref<204800x128xf32, #tpu.memory_space<hbm>> -> memref<256x128xf32, #tpu.memory_space<hbm>>
    tpu.enqueue_dma source(%arg7 : memref<256x128xf32, #tpu.memory_space<vmem>>) target(%dma_start3A_180 : memref<256x128xf32, #tpu.memory_space<hbm>>) target_semaphore(%arg11 : memref<!tpu.dma_semaphore, #tpu.memory_space<semaphore_mem>>)
    %dma_wait3A_181 = arith.constant 0 : i32
    %dma_wait3A_182 = tpu.memref_slice %arg4[%add3A_176, %dma_wait3A_181] : memref<204800x128xf32, #tpu.memory_space<hbm>> -> memref<256x128xf32, #tpu.memory_space<hbm>>
    %dma_wait3A_183 = arith.constant 0 : i32
    %dma_wait3A_184 = tpu.memref_slice %arg4[%add3A_176, %dma_wait3A_183] : memref<204800x128xf32, #tpu.memory_space<hbm>> -> memref<256x128xf32, #tpu.memory_space<hbm>>
    tpu.wait_dma2 semaphore(%arg11 : memref<!tpu.dma_semaphore, #tpu.memory_space<semaphore_mem>>) src(%arg7 : memref<256x128xf32, #tpu.memory_space<vmem>>) dst(%dma_wait3A_184 : memref<256x128xf32, #tpu.memory_space<hbm>>)
    %dma_start3A_185 = arith.constant 0 : i32
    %dma_start3A_186 = arith.constant 0 : i32
    %dma_start3A_187 = tpu.memref_slice %arg7[%dma_start3A_185, %dma_start3A_186] : memref<256x128xf32, #tpu.memory_space<vmem>> -> memref<128x128xf32, #tpu.memory_space<vmem>>
    %dma_start3A_188 = arith.constant 1280 : i32
    %dma_start3A_189 = tpu.memref_slice %arg5[%dma_start3A_188] : memref<6400xi32, #tpu.memory_space<vmem>> -> memref<128xi32, #tpu.memory_space<vmem>>
    %dma_start3A_190 = arith.constant 0 : i32
    %dma_start3A_191 = arith.constant 0 : i32
    %dma_start3A_192 = tpu.memref_slice %arg2[%dma_start3A_190, %dma_start3A_191] : memref<1000000x128xf32, #tpu.memory_space<hbm>> -> memref<1000000x128xf32, #tpu.memory_space<hbm>>
    tpu.enqueue_indirect_dma source(%dma_start3A_192 : memref<1000000x128xf32, #tpu.memory_space<hbm>>) target(%dma_start3A_187 : memref<128x128xf32, #tpu.memory_space<vmem>>) offsets(%dma_start3A_189 : memref<128xi32, #tpu.memory_space<vmem>>) semaphore(%arg9 : memref<!tpu.dma_semaphore, #tpu.memory_space<semaphore_mem>>)
    %dma_start3A_193 = arith.constant 128 : i32
    %dma_start3A_194 = arith.constant 0 : i32
    %dma_start3A_195 = tpu.memref_slice %arg7[%dma_start3A_193, %dma_start3A_194] : memref<256x128xf32, #tpu.memory_space<vmem>> -> memref<128x128xf32, #tpu.memory_space<vmem>>
    %dma_start3A_196 = arith.constant 1408 : i32
    %dma_start3A_197 = tpu.memref_slice %arg5[%dma_start3A_196] : memref<6400xi32, #tpu.memory_space<vmem>> -> memref<128xi32, #tpu.memory_space<vmem>>
    %dma_start3A_198 = arith.constant 0 : i32
    %dma_start3A_199 = arith.constant 0 : i32
    %dma_start3A_200 = tpu.memref_slice %arg2[%dma_start3A_198, %dma_start3A_199] : memref<1000000x128xf32, #tpu.memory_space<hbm>> -> memref<1000000x128xf32, #tpu.memory_space<hbm>>
    tpu.enqueue_indirect_dma source(%dma_start3A_200 : memref<1000000x128xf32, #tpu.memory_space<hbm>>) target(%dma_start3A_195 : memref<128x128xf32, #tpu.memory_space<vmem>>) offsets(%dma_start3A_197 : memref<128xi32, #tpu.memory_space<vmem>>) semaphore(%arg9 : memref<!tpu.dma_semaphore, #tpu.memory_space<semaphore_mem>>)
    %dma_wait3A_201 = arith.constant 0 : i32
    %dma_wait3A_202 = arith.constant 0 : i32
    %dma_wait3A_203 = tpu.memref_slice %arg6[%dma_wait3A_201, %dma_wait3A_202] : memref<256x128xf32, #tpu.memory_space<vmem>> -> memref<128x128xf32, #tpu.memory_space<vmem>>
    %dma_wait3A_204 = arith.constant 1024 : i32
    %dma_wait3A_205 = tpu.memref_slice %arg5[%dma_wait3A_204] : memref<6400xi32, #tpu.memory_space<vmem>> -> memref<128xi32, #tpu.memory_space<vmem>>
    %dma_wait3A_206 = arith.constant 0 : i32
    %dma_wait3A_207 = arith.constant 0 : i32
    %dma_wait3A_208 = tpu.memref_slice %arg2[%dma_wait3A_206, %dma_wait3A_207] : memref<1000000x128xf32, #tpu.memory_space<hbm>> -> memref<1000000x128xf32, #tpu.memory_space<hbm>>
    tpu.wait_indirect_dma semaphore(%arg8 : memref<!tpu.dma_semaphore, #tpu.memory_space<semaphore_mem>>) src(%dma_wait3A_208 : memref<1000000x128xf32, #tpu.memory_space<hbm>>) dst(%dma_wait3A_203 : memref<128x128xf32, #tpu.memory_space<vmem>>)
    %dma_wait3A_209 = arith.constant 128 : i32
    %dma_wait3A_210 = arith.constant 0 : i32
    %dma_wait3A_211 = tpu.memref_slice %arg6[%dma_wait3A_209, %dma_wait3A_210] : memref<256x128xf32, #tpu.memory_space<vmem>> -> memref<128x128xf32, #tpu.memory_space<vmem>>
    %dma_wait3A_212 = arith.constant 1152 : i32
    %dma_wait3A_213 = tpu.memref_slice %arg5[%dma_wait3A_212] : memref<6400xi32, #tpu.memory_space<vmem>> -> memref<128xi32, #tpu.memory_space<vmem>>
    %dma_wait3A_214 = arith.constant 0 : i32
    %dma_wait3A_215 = arith.constant 0 : i32
    %dma_wait3A_216 = tpu.memref_slice %arg2[%dma_wait3A_214, %dma_wait3A_215] : memref<1000000x128xf32, #tpu.memory_space<hbm>> -> memref<1000000x128xf32, #tpu.memory_space<hbm>>
    tpu.wait_indirect_dma semaphore(%arg8 : memref<!tpu.dma_semaphore, #tpu.memory_space<semaphore_mem>>) src(%dma_wait3A_216 : memref<1000000x128xf32, #tpu.memory_space<hbm>>) dst(%dma_wait3A_211 : memref<128x128xf32, #tpu.memory_space<vmem>>)
    %add3A_217 = arith.constant 1024 : i32
    %add3A_218 = arith.addi %mul3A_2, %add3A_217 : i32
    %dma_start3A_219 = arith.constant 0 : i32
    %dma_start3A_220 = tpu.memref_slice %arg4[%add3A_218, %dma_start3A_219] : memref<204800x128xf32, #tpu.memory_space<hbm>> -> memref<256x128xf32, #tpu.memory_space<hbm>>
    %dma_start3A_221 = arith.constant 0 : i32
    %dma_start3A_222 = tpu.memref_slice %arg4[%add3A_218, %dma_start3A_221] : memref<204800x128xf32, #tpu.memory_space<hbm>> -> memref<256x128xf32, #tpu.memory_space<hbm>>
    tpu.enqueue_dma source(%arg6 : memref<256x128xf32, #tpu.memory_space<vmem>>) target(%dma_start3A_222 : memref<256x128xf32, #tpu.memory_space<hbm>>) target_semaphore(%arg10 : memref<!tpu.dma_semaphore, #tpu.memory_space<semaphore_mem>>)
    %dma_wait3A_223 = arith.constant 0 : i32
    %dma_wait3A_224 = tpu.memref_slice %arg4[%add3A_218, %dma_wait3A_223] : memref<204800x128xf32, #tpu.memory_space<hbm>> -> memref<256x128xf32, #tpu.memory_space<hbm>>
    %dma_wait3A_225 = arith.constant 0 : i32
    %dma_wait3A_226 = tpu.memref_slice %arg4[%add3A_218, %dma_wait3A_225] : memref<204800x128xf32, #tpu.memory_space<hbm>> -> memref<256x128xf32, #tpu.memory_space<hbm>>
    tpu.wait_dma2 semaphore(%arg10 : memref<!tpu.dma_semaphore, #tpu.memory_space<semaphore_mem>>) src(%arg6 : memref<256x128xf32, #tpu.memory_space<vmem>>) dst(%dma_wait3A_226 : memref<256x128xf32, #tpu.memory_space<hbm>>)
    %dma_start3A_227 = arith.constant 0 : i32
    %dma_start3A_228 = arith.constant 0 : i32
    %dma_start3A_229 = tpu.memref_slice %arg6[%dma_start3A_227, %dma_start3A_228] : memref<256x128xf32, #tpu.memory_space<vmem>> -> memref<128x128xf32, #tpu.memory_space<vmem>>
    %dma_start3A_230 = arith.constant 1536 : i32
    %dma_start3A_231 = tpu.memref_slice %arg5[%dma_start3A_230] : memref<6400xi32, #tpu.memory_space<vmem>> -> memref<128xi32, #tpu.memory_space<vmem>>
    %dma_start3A_232 = arith.constant 0 : i32
    %dma_start3A_233 = arith.constant 0 : i32
    %dma_start3A_234 = tpu.memref_slice %arg2[%dma_start3A_232, %dma_start3A_233] : memref<1000000x128xf32, #tpu.memory_space<hbm>> -> memref<1000000x128xf32, #tpu.memory_space<hbm>>
    tpu.enqueue_indirect_dma source(%dma_start3A_234 : memref<1000000x128xf32, #tpu.memory_space<hbm>>) target(%dma_start3A_229 : memref<128x128xf32, #tpu.memory_space<vmem>>) offsets(%dma_start3A_231 : memref<128xi32, #tpu.memory_space<vmem>>) semaphore(%arg8 : memref<!tpu.dma_semaphore, #tpu.memory_space<semaphore_mem>>)
    %dma_start3A_235 = arith.constant 128 : i32
    %dma_start3A_236 = arith.constant 0 : i32
    %dma_start3A_237 = tpu.memref_slice %arg6[%dma_start3A_235, %dma_start3A_236] : memref<256x128xf32, #tpu.memory_space<vmem>> -> memref<128x128xf32, #tpu.memory_space<vmem>>
    %dma_start3A_238 = arith.constant 1664 : i32
    %dma_start3A_239 = tpu.memref_slice %arg5[%dma_start3A_238] : memref<6400xi32, #tpu.memory_space<vmem>> -> memref<128xi32, #tpu.memory_space<vmem>>
    %dma_start3A_240 = arith.constant 0 : i32
    %dma_start3A_241 = arith.constant 0 : i32
    %dma_start3A_242 = tpu.memref_slice %arg2[%dma_start3A_240, %dma_start3A_241] : memref<1000000x128xf32, #tpu.memory_space<hbm>> -> memref<1000000x128xf32, #tpu.memory_space<hbm>>
    tpu.enqueue_indirect_dma source(%dma_start3A_242 : memref<1000000x128xf32, #tpu.memory_space<hbm>>) target(%dma_start3A_237 : memref<128x128xf32, #tpu.memory_space<vmem>>) offsets(%dma_start3A_239 : memref<128xi32, #tpu.memory_space<vmem>>) semaphore(%arg8 : memref<!tpu.dma_semaphore, #tpu.memory_space<semaphore_mem>>)
    %dma_wait3A_243 = arith.constant 0 : i32
    %dma_wait3A_244 = arith.constant 0 : i32
    %dma_wait3A_245 = tpu.memref_slice %arg7[%dma_wait3A_243, %dma_wait3A_244] : memref<256x128xf32, #tpu.memory_space<vmem>> -> memref<128x128xf32, #tpu.memory_space<vmem>>
    %dma_wait3A_246 = arith.constant 1280 : i32
    %dma_wait3A_247 = tpu.memref_slice %arg5[%dma_wait3A_246] : memref<6400xi32, #tpu.memory_space<vmem>> -> memref<128xi32, #tpu.memory_space<vmem>>
    %dma_wait3A_248 = arith.constant 0 : i32
    %dma_wait3A_249 = arith.constant 0 : i32
    %dma_wait3A_250 = tpu.memref_slice %arg2[%dma_wait3A_248, %dma_wait3A_249] : memref<1000000x128xf32, #tpu.memory_space<hbm>> -> memref<1000000x128xf32, #tpu.memory_space<hbm>>
    tpu.wait_indirect_dma semaphore(%arg9 : memref<!tpu.dma_semaphore, #tpu.memory_space<semaphore_mem>>) src(%dma_wait3A_250 : memref<1000000x128xf32, #tpu.memory_space<hbm>>) dst(%dma_wait3A_245 : memref<128x128xf32, #tpu.memory_space<vmem>>)
    %dma_wait3A_251 = arith.constant 128 : i32
    %dma_wait3A_252 = arith.constant 0 : i32
    %dma_wait3A_253 = tpu.memref_slice %arg7[%dma_wait3A_251, %dma_wait3A_252] : memref<256x128xf32, #tpu.memory_space<vmem>> -> memref<128x128xf32, #tpu.memory_space<vmem>>
    %dma_wait3A_254 = arith.constant 1408 : i32
    %dma_wait3A_255 = tpu.memref_slice %arg5[%dma_wait3A_254] : memref<6400xi32, #tpu.memory_space<vmem>> -> memref<128xi32, #tpu.memory_space<vmem>>
    %dma_wait3A_256 = arith.constant 0 : i32
    %dma_wait3A_257 = arith.constant 0 : i32
    %dma_wait3A_258 = tpu.memref_slice %arg2[%dma_wait3A_256, %dma_wait3A_257] : memref<1000000x128xf32, #tpu.memory_space<hbm>> -> memref<1000000x128xf32, #tpu.memory_space<hbm>>
    tpu.wait_indirect_dma semaphore(%arg9 : memref<!tpu.dma_semaphore, #tpu.memory_space<semaphore_mem>>) src(%dma_wait3A_258 : memref<1000000x128xf32, #tpu.memory_space<hbm>>) dst(%dma_wait3A_253 : memref<128x128xf32, #tpu.memory_space<vmem>>)
    %add3A_259 = arith.constant 1280 : i32
    %add3A_260 = arith.addi %mul3A_2, %add3A_259 : i32
    %dma_start3A_261 = arith.constant 0 : i32
    %dma_start3A_262 = tpu.memref_slice %arg4[%add3A_260, %dma_start3A_261] : memref<204800x128xf32, #tpu.memory_space<hbm>> -> memref<256x128xf32, #tpu.memory_space<hbm>>
    %dma_start3A_263 = arith.constant 0 : i32
    %dma_start3A_264 = tpu.memref_slice %arg4[%add3A_260, %dma_start3A_263] : memref<204800x128xf32, #tpu.memory_space<hbm>> -> memref<256x128xf32, #tpu.memory_space<hbm>>
    tpu.enqueue_dma source(%arg7 : memref<256x128xf32, #tpu.memory_space<vmem>>) target(%dma_start3A_264 : memref<256x128xf32, #tpu.memory_space<hbm>>) target_semaphore(%arg11 : memref<!tpu.dma_semaphore, #tpu.memory_space<semaphore_mem>>)
    %dma_wait3A_265 = arith.constant 0 : i32
    %dma_wait3A_266 = tpu.memref_slice %arg4[%add3A_260, %dma_wait3A_265] : memref<204800x128xf32, #tpu.memory_space<hbm>> -> memref<256x128xf32, #tpu.memory_space<hbm>>
    %dma_wait3A_267 = arith.constant 0 : i32
    %dma_wait3A_268 = tpu.memref_slice %arg4[%add3A_260, %dma_wait3A_267] : memref<204800x128xf32, #tpu.memory_space<hbm>> -> memref<256x128xf32, #tpu.memory_space<hbm>>
    tpu.wait_dma2 semaphore(%arg11 : memref<!tpu.dma_semaphore, #tpu.memory_space<semaphore_mem>>) src(%arg7 : memref<256x128xf32, #tpu.memory_space<vmem>>) dst(%dma_wait3A_268 : memref<256x128xf32, #tpu.memory_space<hbm>>)
    %dma_start3A_269 = arith.constant 0 : i32
    %dma_start3A_270 = arith.constant 0 : i32
    %dma_start3A_271 = tpu.memref_slice %arg7[%dma_start3A_269, %dma_start3A_270] : memref<256x128xf32, #tpu.memory_space<vmem>> -> memref<128x128xf32, #tpu.memory_space<vmem>>
    %dma_start3A_272 = arith.constant 1792 : i32
    %dma_start3A_273 = tpu.memref_slice %arg5[%dma_start3A_272] : memref<6400xi32, #tpu.memory_space<vmem>> -> memref<128xi32, #tpu.memory_space<vmem>>
    %dma_start3A_274 = arith.constant 0 : i32
    %dma_start3A_275 = arith.constant 0 : i32
    %dma_start3A_276 = tpu.memref_slice %arg2[%dma_start3A_274, %dma_start3A_275] : memref<1000000x128xf32, #tpu.memory_space<hbm>> -> memref<1000000x128xf32, #tpu.memory_space<hbm>>
    tpu.enqueue_indirect_dma source(%dma_start3A_276 : memref<1000000x128xf32, #tpu.memory_space<hbm>>) target(%dma_start3A_271 : memref<128x128xf32, #tpu.memory_space<vmem>>) offsets(%dma_start3A_273 : memref<128xi32, #tpu.memory_space<vmem>>) semaphore(%arg9 : memref<!tpu.dma_semaphore, #tpu.memory_space<semaphore_mem>>)
    %dma_start3A_277 = arith.constant 128 : i32
    %dma_start3A_278 = arith.constant 0 : i32
    %dma_start3A_279 = tpu.memref_slice %arg7[%dma_start3A_277, %dma_start3A_278] : memref<256x128xf32, #tpu.memory_space<vmem>> -> memref<128x128xf32, #tpu.memory_space<vmem>>
    %dma_start3A_280 = arith.constant 1920 : i32
    %dma_start3A_281 = tpu.memref_slice %arg5[%dma_start3A_280] : memref<6400xi32, #tpu.memory_space<vmem>> -> memref<128xi32, #tpu.memory_space<vmem>>
    %dma_start3A_282 = arith.constant 0 : i32
    %dma_start3A_283 = arith.constant 0 : i32
    %dma_start3A_284 = tpu.memref_slice %arg2[%dma_start3A_282, %dma_start3A_283] : memref<1000000x128xf32, #tpu.memory_space<hbm>> -> memref<1000000x128xf32, #tpu.memory_space<hbm>>
    tpu.enqueue_indirect_dma source(%dma_start3A_284 : memref<1000000x128xf32, #tpu.memory_space<hbm>>) target(%dma_start3A_279 : memref<128x128xf32, #tpu.memory_space<vmem>>) offsets(%dma_start3A_281 : memref<128xi32, #tpu.memory_space<vmem>>) semaphore(%arg9 : memref<!tpu.dma_semaphore, #tpu.memory_space<semaphore_mem>>)
    %dma_wait3A_285 = arith.constant 0 : i32
    %dma_wait3A_286 = arith.constant 0 : i32
    %dma_wait3A_287 = tpu.memref_slice %arg6[%dma_wait3A_285, %dma_wait3A_286] : memref<256x128xf32, #tpu.memory_space<vmem>> -> memref<128x128xf32, #tpu.memory_space<vmem>>
    %dma_wait3A_288 = arith.constant 1536 : i32
    %dma_wait3A_289 = tpu.memref_slice %arg5[%dma_wait3A_288] : memref<6400xi32, #tpu.memory_space<vmem>> -> memref<128xi32, #tpu.memory_space<vmem>>
    %dma_wait3A_290 = arith.constant 0 : i32
    %dma_wait3A_291 = arith.constant 0 : i32
    %dma_wait3A_292 = tpu.memref_slice %arg2[%dma_wait3A_290, %dma_wait3A_291] : memref<1000000x128xf32, #tpu.memory_space<hbm>> -> memref<1000000x128xf32, #tpu.memory_space<hbm>>
    tpu.wait_indirect_dma semaphore(%arg8 : memref<!tpu.dma_semaphore, #tpu.memory_space<semaphore_mem>>) src(%dma_wait3A_292 : memref<1000000x128xf32, #tpu.memory_space<hbm>>) dst(%dma_wait3A_287 : memref<128x128xf32, #tpu.memory_space<vmem>>)
    %dma_wait3A_293 = arith.constant 128 : i32
    %dma_wait3A_294 = arith.constant 0 : i32
    %dma_wait3A_295 = tpu.memref_slice %arg6[%dma_wait3A_293, %dma_wait3A_294] : memref<256x128xf32, #tpu.memory_space<vmem>> -> memref<128x128xf32, #tpu.memory_space<vmem>>
    %dma_wait3A_296 = arith.constant 1664 : i32
    %dma_wait3A_297 = tpu.memref_slice %arg5[%dma_wait3A_296] : memref<6400xi32, #tpu.memory_space<vmem>> -> memref<128xi32, #tpu.memory_space<vmem>>
    %dma_wait3A_298 = arith.constant 0 : i32
    %dma_wait3A_299 = arith.constant 0 : i32
    %dma_wait3A_300 = tpu.memref_slice %arg2[%dma_wait3A_298, %dma_wait3A_299] : memref<1000000x128xf32, #tpu.memory_space<hbm>> -> memref<1000000x128xf32, #tpu.memory_space<hbm>>
    tpu.wait_indirect_dma semaphore(%arg8 : memref<!tpu.dma_semaphore, #tpu.memory_space<semaphore_mem>>) src(%dma_wait3A_300 : memref<1000000x128xf32, #tpu.memory_space<hbm>>) dst(%dma_wait3A_295 : memref<128x128xf32, #tpu.memory_space<vmem>>)
    %add3A_301 = arith.constant 1536 : i32
    %add3A_302 = arith.addi %mul3A_2, %add3A_301 : i32
    %dma_start3A_303 = arith.constant 0 : i32
    %dma_start3A_304 = tpu.memref_slice %arg4[%add3A_302, %dma_start3A_303] : memref<204800x128xf32, #tpu.memory_space<hbm>> -> memref<256x128xf32, #tpu.memory_space<hbm>>
    %dma_start3A_305 = arith.constant 0 : i32
    %dma_start3A_306 = tpu.memref_slice %arg4[%add3A_302, %dma_start3A_305] : memref<204800x128xf32, #tpu.memory_space<hbm>> -> memref<256x128xf32, #tpu.memory_space<hbm>>
    tpu.enqueue_dma source(%arg6 : memref<256x128xf32, #tpu.memory_space<vmem>>) target(%dma_start3A_306 : memref<256x128xf32, #tpu.memory_space<hbm>>) target_semaphore(%arg10 : memref<!tpu.dma_semaphore, #tpu.memory_space<semaphore_mem>>)
    %dma_wait3A_307 = arith.constant 0 : i32
    %dma_wait3A_308 = tpu.memref_slice %arg4[%add3A_302, %dma_wait3A_307] : memref<204800x128xf32, #tpu.memory_space<hbm>> -> memref<256x128xf32, #tpu.memory_space<hbm>>
    %dma_wait3A_309 = arith.constant 0 : i32
    %dma_wait3A_310 = tpu.memref_slice %arg4[%add3A_302, %dma_wait3A_309] : memref<204800x128xf32, #tpu.memory_space<hbm>> -> memref<256x128xf32, #tpu.memory_space<hbm>>
    tpu.wait_dma2 semaphore(%arg10 : memref<!tpu.dma_semaphore, #tpu.memory_space<semaphore_mem>>) src(%arg6 : memref<256x128xf32, #tpu.memory_space<vmem>>) dst(%dma_wait3A_310 : memref<256x128xf32, #tpu.memory_space<hbm>>)
    %dma_start3A_311 = arith.constant 0 : i32
    %dma_start3A_312 = arith.constant 0 : i32
    %dma_start3A_313 = tpu.memref_slice %arg6[%dma_start3A_311, %dma_start3A_312] : memref<256x128xf32, #tpu.memory_space<vmem>> -> memref<128x128xf32, #tpu.memory_space<vmem>>
    %dma_start3A_314 = arith.constant 2048 : i32
    %dma_start3A_315 = tpu.memref_slice %arg5[%dma_start3A_314] : memref<6400xi32, #tpu.memory_space<vmem>> -> memref<128xi32, #tpu.memory_space<vmem>>
    %dma_start3A_316 = arith.constant 0 : i32
    %dma_start3A_317 = arith.constant 0 : i32
    %dma_start3A_318 = tpu.memref_slice %arg2[%dma_start3A_316, %dma_start3A_317] : memref<1000000x128xf32, #tpu.memory_space<hbm>> -> memref<1000000x128xf32, #tpu.memory_space<hbm>>
    tpu.enqueue_indirect_dma source(%dma_start3A_318 : memref<1000000x128xf32, #tpu.memory_space<hbm>>) target(%dma_start3A_313 : memref<128x128xf32, #tpu.memory_space<vmem>>) offsets(%dma_start3A_315 : memref<128xi32, #tpu.memory_space<vmem>>) semaphore(%arg8 : memref<!tpu.dma_semaphore, #tpu.memory_space<semaphore_mem>>)
    %dma_start3A_319 = arith.constant 128 : i32
    %dma_start3A_320 = arith.constant 0 : i32
    %dma_start3A_321 = tpu.memref_slice %arg6[%dma_start3A_319, %dma_start3A_320] : memref<256x128xf32, #tpu.memory_space<vmem>> -> memref<128x128xf32, #tpu.memory_space<vmem>>
    %dma_start3A_322 = arith.constant 2176 : i32
    %dma_start3A_323 = tpu.memref_slice %arg5[%dma_start3A_322] : memref<6400xi32, #tpu.memory_space<vmem>> -> memref<128xi32, #tpu.memory_space<vmem>>
    %dma_start3A_324 = arith.constant 0 : i32
    %dma_start3A_325 = arith.constant 0 : i32
    %dma_start3A_326 = tpu.memref_slice %arg2[%dma_start3A_324, %dma_start3A_325] : memref<1000000x128xf32, #tpu.memory_space<hbm>> -> memref<1000000x128xf32, #tpu.memory_space<hbm>>
    tpu.enqueue_indirect_dma source(%dma_start3A_326 : memref<1000000x128xf32, #tpu.memory_space<hbm>>) target(%dma_start3A_321 : memref<128x128xf32, #tpu.memory_space<vmem>>) offsets(%dma_start3A_323 : memref<128xi32, #tpu.memory_space<vmem>>) semaphore(%arg8 : memref<!tpu.dma_semaphore, #tpu.memory_space<semaphore_mem>>)
    %dma_wait3A_327 = arith.constant 0 : i32
    %dma_wait3A_328 = arith.constant 0 : i32
    %dma_wait3A_329 = tpu.memref_slice %arg7[%dma_wait3A_327, %dma_wait3A_328] : memref<256x128xf32, #tpu.memory_space<vmem>> -> memref<128x128xf32, #tpu.memory_space<vmem>>
    %dma_wait3A_330 = arith.constant 1792 : i32
    %dma_wait3A_331 = tpu.memref_slice %arg5[%dma_wait3A_330] : memref<6400xi32, #tpu.memory_space<vmem>> -> memref<128xi32, #tpu.memory_space<vmem>>
    %dma_wait3A_332 = arith.constant 0 : i32
    %dma_wait3A_333 = arith.constant 0 : i32
    %dma_wait3A_334 = tpu.memref_slice %arg2[%dma_wait3A_332, %dma_wait3A_333] : memref<1000000x128xf32, #tpu.memory_space<hbm>> -> memref<1000000x128xf32, #tpu.memory_space<hbm>>
    tpu.wait_indirect_dma semaphore(%arg9 : memref<!tpu.dma_semaphore, #tpu.memory_space<semaphore_mem>>) src(%dma_wait3A_334 : memref<1000000x128xf32, #tpu.memory_space<hbm>>) dst(%dma_wait3A_329 : memref<128x128xf32, #tpu.memory_space<vmem>>)
    %dma_wait3A_335 = arith.constant 128 : i32
    %dma_wait3A_336 = arith.constant 0 : i32
    %dma_wait3A_337 = tpu.memref_slice %arg7[%dma_wait3A_335, %dma_wait3A_336] : memref<256x128xf32, #tpu.memory_space<vmem>> -> memref<128x128xf32, #tpu.memory_space<vmem>>
    %dma_wait3A_338 = arith.constant 1920 : i32
    %dma_wait3A_339 = tpu.memref_slice %arg5[%dma_wait3A_338] : memref<6400xi32, #tpu.memory_space<vmem>> -> memref<128xi32, #tpu.memory_space<vmem>>
    %dma_wait3A_340 = arith.constant 0 : i32
    %dma_wait3A_341 = arith.constant 0 : i32
    %dma_wait3A_342 = tpu.memref_slice %arg2[%dma_wait3A_340, %dma_wait3A_341] : memref<1000000x128xf32, #tpu.memory_space<hbm>> -> memref<1000000x128xf32, #tpu.memory_space<hbm>>
    tpu.wait_indirect_dma semaphore(%arg9 : memref<!tpu.dma_semaphore, #tpu.memory_space<semaphore_mem>>) src(%dma_wait3A_342 : memref<1000000x128xf32, #tpu.memory_space<hbm>>) dst(%dma_wait3A_337 : memref<128x128xf32, #tpu.memory_space<vmem>>)
    %add3A_343 = arith.constant 1792 : i32
    %add3A_344 = arith.addi %mul3A_2, %add3A_343 : i32
    %dma_start3A_345 = arith.constant 0 : i32
    %dma_start3A_346 = tpu.memref_slice %arg4[%add3A_344, %dma_start3A_345] : memref<204800x128xf32, #tpu.memory_space<hbm>> -> memref<256x128xf32, #tpu.memory_space<hbm>>
    %dma_start3A_347 = arith.constant 0 : i32
    %dma_start3A_348 = tpu.memref_slice %arg4[%add3A_344, %dma_start3A_347] : memref<204800x128xf32, #tpu.memory_space<hbm>> -> memref<256x128xf32, #tpu.memory_space<hbm>>
    tpu.enqueue_dma source(%arg7 : memref<256x128xf32, #tpu.memory_space<vmem>>) target(%dma_start3A_348 : memref<256x128xf32, #tpu.memory_space<hbm>>) target_semaphore(%arg11 : memref<!tpu.dma_semaphore, #tpu.memory_space<semaphore_mem>>)
    %dma_wait3A_349 = arith.constant 0 : i32
    %dma_wait3A_350 = tpu.memref_slice %arg4[%add3A_344, %dma_wait3A_349] : memref<204800x128xf32, #tpu.memory_space<hbm>> -> memref<256x128xf32, #tpu.memory_space<hbm>>
    %dma_wait3A_351 = arith.constant 0 : i32
    %dma_wait3A_352 = tpu.memref_slice %arg4[%add3A_344, %dma_wait3A_351] : memref<204800x128xf32, #tpu.memory_space<hbm>> -> memref<256x128xf32, #tpu.memory_space<hbm>>
    tpu.wait_dma2 semaphore(%arg11 : memref<!tpu.dma_semaphore, #tpu.memory_space<semaphore_mem>>) src(%arg7 : memref<256x128xf32, #tpu.memory_space<vmem>>) dst(%dma_wait3A_352 : memref<256x128xf32, #tpu.memory_space<hbm>>)
    %dma_start3A_353 = arith.constant 0 : i32
    %dma_start3A_354 = arith.constant 0 : i32
    %dma_start3A_355 = tpu.memref_slice %arg7[%dma_start3A_353, %dma_start3A_354] : memref<256x128xf32, #tpu.memory_space<vmem>> -> memref<128x128xf32, #tpu.memory_space<vmem>>
    %dma_start3A_356 = arith.constant 2304 : i32
    %dma_start3A_357 = tpu.memref_slice %arg5[%dma_start3A_356] : memref<6400xi32, #tpu.memory_space<vmem>> -> memref<128xi32, #tpu.memory_space<vmem>>
    %dma_start3A_358 = arith.constant 0 : i32
    %dma_start3A_359 = arith.constant 0 : i32
    %dma_start3A_360 = tpu.memref_slice %arg2[%dma_start3A_358, %dma_start3A_359] : memref<1000000x128xf32, #tpu.memory_space<hbm>> -> memref<1000000x128xf32, #tpu.memory_space<hbm>>
    tpu.enqueue_indirect_dma source(%dma_start3A_360 : memref<1000000x128xf32, #tpu.memory_space<hbm>>) target(%dma_start3A_355 : memref<128x128xf32, #tpu.memory_space<vmem>>) offsets(%dma_start3A_357 : memref<128xi32, #tpu.memory_space<vmem>>) semaphore(%arg9 : memref<!tpu.dma_semaphore, #tpu.memory_space<semaphore_mem>>)
    %dma_start3A_361 = arith.constant 128 : i32
    %dma_start3A_362 = arith.constant 0 : i32
    %dma_start3A_363 = tpu.memref_slice %arg7[%dma_start3A_361, %dma_start3A_362] : memref<256x128xf32, #tpu.memory_space<vmem>> -> memref<128x128xf32, #tpu.memory_space<vmem>>
    %dma_start3A_364 = arith.constant 2432 : i32
    %dma_start3A_365 = tpu.memref_slice %arg5[%dma_start3A_364] : memref<6400xi32, #tpu.memory_space<vmem>> -> memref<128xi32, #tpu.memory_space<vmem>>
    %dma_start3A_366 = arith.constant 0 : i32
    %dma_start3A_367 = arith.constant 0 : i32
    %dma_start3A_368 = tpu.memref_slice %arg2[%dma_start3A_366, %dma_start3A_367] : memref<1000000x128xf32, #tpu.memory_space<hbm>> -> memref<1000000x128xf32, #tpu.memory_space<hbm>>
    tpu.enqueue_indirect_dma source(%dma_start3A_368 : memref<1000000x128xf32, #tpu.memory_space<hbm>>) target(%dma_start3A_363 : memref<128x128xf32, #tpu.memory_space<vmem>>) offsets(%dma_start3A_365 : memref<128xi32, #tpu.memory_space<vmem>>) semaphore(%arg9 : memref<!tpu.dma_semaphore, #tpu.memory_space<semaphore_mem>>)
    %dma_wait3A_369 = arith.constant 0 : i32
    %dma_wait3A_370 = arith.constant 0 : i32
    %dma_wait3A_371 = tpu.memref_slice %arg6[%dma_wait3A_369, %dma_wait3A_370] : memref<256x128xf32, #tpu.memory_space<vmem>> -> memref<128x128xf32, #tpu.memory_space<vmem>>
    %dma_wait3A_372 = arith.constant 2048 : i32
    %dma_wait3A_373 = tpu.memref_slice %arg5[%dma_wait3A_372] : memref<6400xi32, #tpu.memory_space<vmem>> -> memref<128xi32, #tpu.memory_space<vmem>>
    %dma_wait3A_374 = arith.constant 0 : i32
    %dma_wait3A_375 = arith.constant 0 : i32
    %dma_wait3A_376 = tpu.memref_slice %arg2[%dma_wait3A_374, %dma_wait3A_375] : memref<1000000x128xf32, #tpu.memory_space<hbm>> -> memref<1000000x128xf32, #tpu.memory_space<hbm>>
    tpu.wait_indirect_dma semaphore(%arg8 : memref<!tpu.dma_semaphore, #tpu.memory_space<semaphore_mem>>) src(%dma_wait3A_376 : memref<1000000x128xf32, #tpu.memory_space<hbm>>) dst(%dma_wait3A_371 : memref<128x128xf32, #tpu.memory_space<vmem>>)
    %dma_wait3A_377 = arith.constant 128 : i32
    %dma_wait3A_378 = arith.constant 0 : i32
    %dma_wait3A_379 = tpu.memref_slice %arg6[%dma_wait3A_377, %dma_wait3A_378] : memref<256x128xf32, #tpu.memory_space<vmem>> -> memref<128x128xf32, #tpu.memory_space<vmem>>
    %dma_wait3A_380 = arith.constant 2176 : i32
    %dma_wait3A_381 = tpu.memref_slice %arg5[%dma_wait3A_380] : memref<6400xi32, #tpu.memory_space<vmem>> -> memref<128xi32, #tpu.memory_space<vmem>>
    %dma_wait3A_382 = arith.constant 0 : i32
    %dma_wait3A_383 = arith.constant 0 : i32
    %dma_wait3A_384 = tpu.memref_slice %arg2[%dma_wait3A_382, %dma_wait3A_383] : memref<1000000x128xf32, #tpu.memory_space<hbm>> -> memref<1000000x128xf32, #tpu.memory_space<hbm>>
    tpu.wait_indirect_dma semaphore(%arg8 : memref<!tpu.dma_semaphore, #tpu.memory_space<semaphore_mem>>) src(%dma_wait3A_384 : memref<1000000x128xf32, #tpu.memory_space<hbm>>) dst(%dma_wait3A_379 : memref<128x128xf32, #tpu.memory_space<vmem>>)
    %add3A_385 = arith.constant 2048 : i32
    %add3A_386 = arith.addi %mul3A_2, %add3A_385 : i32
    %dma_start3A_387 = arith.constant 0 : i32
    %dma_start3A_388 = tpu.memref_slice %arg4[%add3A_386, %dma_start3A_387] : memref<204800x128xf32, #tpu.memory_space<hbm>> -> memref<256x128xf32, #tpu.memory_space<hbm>>
    %dma_start3A_389 = arith.constant 0 : i32
    %dma_start3A_390 = tpu.memref_slice %arg4[%add3A_386, %dma_start3A_389] : memref<204800x128xf32, #tpu.memory_space<hbm>> -> memref<256x128xf32, #tpu.memory_space<hbm>>
    tpu.enqueue_dma source(%arg6 : memref<256x128xf32, #tpu.memory_space<vmem>>) target(%dma_start3A_390 : memref<256x128xf32, #tpu.memory_space<hbm>>) target_semaphore(%arg10 : memref<!tpu.dma_semaphore, #tpu.memory_space<semaphore_mem>>)
    %dma_wait3A_391 = arith.constant 0 : i32
    %dma_wait3A_392 = tpu.memref_slice %arg4[%add3A_386, %dma_wait3A_391] : memref<204800x128xf32, #tpu.memory_space<hbm>> -> memref<256x128xf32, #tpu.memory_space<hbm>>
    %dma_wait3A_393 = arith.constant 0 : i32
    %dma_wait3A_394 = tpu.memref_slice %arg4[%add3A_386, %dma_wait3A_393] : memref<204800x128xf32, #tpu.memory_space<hbm>> -> memref<256x128xf32, #tpu.memory_space<hbm>>
    tpu.wait_dma2 semaphore(%arg10 : memref<!tpu.dma_semaphore, #tpu.memory_space<semaphore_mem>>) src(%arg6 : memref<256x128xf32, #tpu.memory_space<vmem>>) dst(%dma_wait3A_394 : memref<256x128xf32, #tpu.memory_space<hbm>>)
    %dma_start3A_395 = arith.constant 0 : i32
    %dma_start3A_396 = arith.constant 0 : i32
    %dma_start3A_397 = tpu.memref_slice %arg6[%dma_start3A_395, %dma_start3A_396] : memref<256x128xf32, #tpu.memory_space<vmem>> -> memref<128x128xf32, #tpu.memory_space<vmem>>
    %dma_start3A_398 = arith.constant 2560 : i32
    %dma_start3A_399 = tpu.memref_slice %arg5[%dma_start3A_398] : memref<6400xi32, #tpu.memory_space<vmem>> -> memref<128xi32, #tpu.memory_space<vmem>>
    %dma_start3A_400 = arith.constant 0 : i32
    %dma_start3A_401 = arith.constant 0 : i32
    %dma_start3A_402 = tpu.memref_slice %arg2[%dma_start3A_400, %dma_start3A_401] : memref<1000000x128xf32, #tpu.memory_space<hbm>> -> memref<1000000x128xf32, #tpu.memory_space<hbm>>
    tpu.enqueue_indirect_dma source(%dma_start3A_402 : memref<1000000x128xf32, #tpu.memory_space<hbm>>) target(%dma_start3A_397 : memref<128x128xf32, #tpu.memory_space<vmem>>) offsets(%dma_start3A_399 : memref<128xi32, #tpu.memory_space<vmem>>) semaphore(%arg8 : memref<!tpu.dma_semaphore, #tpu.memory_space<semaphore_mem>>)
    %dma_start3A_403 = arith.constant 128 : i32
    %dma_start3A_404 = arith.constant 0 : i32
    %dma_start3A_405 = tpu.memref_slice %arg6[%dma_start3A_403, %dma_start3A_404] : memref<256x128xf32, #tpu.memory_space<vmem>> -> memref<128x128xf32, #tpu.memory_space<vmem>>
    %dma_start3A_406 = arith.constant 2688 : i32
    %dma_start3A_407 = tpu.memref_slice %arg5[%dma_start3A_406] : memref<6400xi32, #tpu.memory_space<vmem>> -> memref<128xi32, #tpu.memory_space<vmem>>
    %dma_start3A_408 = arith.constant 0 : i32
    %dma_start3A_409 = arith.constant 0 : i32
    %dma_start3A_410 = tpu.memref_slice %arg2[%dma_start3A_408, %dma_start3A_409] : memref<1000000x128xf32, #tpu.memory_space<hbm>> -> memref<1000000x128xf32, #tpu.memory_space<hbm>>
    tpu.enqueue_indirect_dma source(%dma_start3A_410 : memref<1000000x128xf32, #tpu.memory_space<hbm>>) target(%dma_start3A_405 : memref<128x128xf32, #tpu.memory_space<vmem>>) offsets(%dma_start3A_407 : memref<128xi32, #tpu.memory_space<vmem>>) semaphore(%arg8 : memref<!tpu.dma_semaphore, #tpu.memory_space<semaphore_mem>>)
    %dma_wait3A_411 = arith.constant 0 : i32
    %dma_wait3A_412 = arith.constant 0 : i32
    %dma_wait3A_413 = tpu.memref_slice %arg7[%dma_wait3A_411, %dma_wait3A_412] : memref<256x128xf32, #tpu.memory_space<vmem>> -> memref<128x128xf32, #tpu.memory_space<vmem>>
    %dma_wait3A_414 = arith.constant 2304 : i32
    %dma_wait3A_415 = tpu.memref_slice %arg5[%dma_wait3A_414] : memref<6400xi32, #tpu.memory_space<vmem>> -> memref<128xi32, #tpu.memory_space<vmem>>
    %dma_wait3A_416 = arith.constant 0 : i32
    %dma_wait3A_417 = arith.constant 0 : i32
    %dma_wait3A_418 = tpu.memref_slice %arg2[%dma_wait3A_416, %dma_wait3A_417] : memref<1000000x128xf32, #tpu.memory_space<hbm>> -> memref<1000000x128xf32, #tpu.memory_space<hbm>>
    tpu.wait_indirect_dma semaphore(%arg9 : memref<!tpu.dma_semaphore, #tpu.memory_space<semaphore_mem>>) src(%dma_wait3A_418 : memref<1000000x128xf32, #tpu.memory_space<hbm>>) dst(%dma_wait3A_413 : memref<128x128xf32, #tpu.memory_space<vmem>>)
    %dma_wait3A_419 = arith.constant 128 : i32
    %dma_wait3A_420 = arith.constant 0 : i32
    %dma_wait3A_421 = tpu.memref_slice %arg7[%dma_wait3A_419, %dma_wait3A_420] : memref<256x128xf32, #tpu.memory_space<vmem>> -> memref<128x128xf32, #tpu.memory_space<vmem>>
    %dma_wait3A_422 = arith.constant 2432 : i32
    %dma_wait3A_423 = tpu.memref_slice %arg5[%dma_wait3A_422] : memref<6400xi32, #tpu.memory_space<vmem>> -> memref<128xi32, #tpu.memory_space<vmem>>
    %dma_wait3A_424 = arith.constant 0 : i32
    %dma_wait3A_425 = arith.constant 0 : i32
    %dma_wait3A_426 = tpu.memref_slice %arg2[%dma_wait3A_424, %dma_wait3A_425] : memref<1000000x128xf32, #tpu.memory_space<hbm>> -> memref<1000000x128xf32, #tpu.memory_space<hbm>>
    tpu.wait_indirect_dma semaphore(%arg9 : memref<!tpu.dma_semaphore, #tpu.memory_space<semaphore_mem>>) src(%dma_wait3A_426 : memref<1000000x128xf32, #tpu.memory_space<hbm>>) dst(%dma_wait3A_421 : memref<128x128xf32, #tpu.memory_space<vmem>>)
    %add3A_427 = arith.constant 2304 : i32
    %add3A_428 = arith.addi %mul3A_2, %add3A_427 : i32
    %dma_start3A_429 = arith.constant 0 : i32
    %dma_start3A_430 = tpu.memref_slice %arg4[%add3A_428, %dma_start3A_429] : memref<204800x128xf32, #tpu.memory_space<hbm>> -> memref<256x128xf32, #tpu.memory_space<hbm>>
    %dma_start3A_431 = arith.constant 0 : i32
    %dma_start3A_432 = tpu.memref_slice %arg4[%add3A_428, %dma_start3A_431] : memref<204800x128xf32, #tpu.memory_space<hbm>> -> memref<256x128xf32, #tpu.memory_space<hbm>>
    tpu.enqueue_dma source(%arg7 : memref<256x128xf32, #tpu.memory_space<vmem>>) target(%dma_start3A_432 : memref<256x128xf32, #tpu.memory_space<hbm>>) target_semaphore(%arg11 : memref<!tpu.dma_semaphore, #tpu.memory_space<semaphore_mem>>)
    %dma_wait3A_433 = arith.constant 0 : i32
    %dma_wait3A_434 = tpu.memref_slice %arg4[%add3A_428, %dma_wait3A_433] : memref<204800x128xf32, #tpu.memory_space<hbm>> -> memref<256x128xf32, #tpu.memory_space<hbm>>
    %dma_wait3A_435 = arith.constant 0 : i32
    %dma_wait3A_436 = tpu.memref_slice %arg4[%add3A_428, %dma_wait3A_435] : memref<204800x128xf32, #tpu.memory_space<hbm>> -> memref<256x128xf32, #tpu.memory_space<hbm>>
    tpu.wait_dma2 semaphore(%arg11 : memref<!tpu.dma_semaphore, #tpu.memory_space<semaphore_mem>>) src(%arg7 : memref<256x128xf32, #tpu.memory_space<vmem>>) dst(%dma_wait3A_436 : memref<256x128xf32, #tpu.memory_space<hbm>>)
    %dma_start3A_437 = arith.constant 0 : i32
    %dma_start3A_438 = arith.constant 0 : i32
    %dma_start3A_439 = tpu.memref_slice %arg7[%dma_start3A_437, %dma_start3A_438] : memref<256x128xf32, #tpu.memory_space<vmem>> -> memref<128x128xf32, #tpu.memory_space<vmem>>
    %dma_start3A_440 = arith.constant 2816 : i32
    %dma_start3A_441 = tpu.memref_slice %arg5[%dma_start3A_440] : memref<6400xi32, #tpu.memory_space<vmem>> -> memref<128xi32, #tpu.memory_space<vmem>>
    %dma_start3A_442 = arith.constant 0 : i32
    %dma_start3A_443 = arith.constant 0 : i32
    %dma_start3A_444 = tpu.memref_slice %arg2[%dma_start3A_442, %dma_start3A_443] : memref<1000000x128xf32, #tpu.memory_space<hbm>> -> memref<1000000x128xf32, #tpu.memory_space<hbm>>
    tpu.enqueue_indirect_dma source(%dma_start3A_444 : memref<1000000x128xf32, #tpu.memory_space<hbm>>) target(%dma_start3A_439 : memref<128x128xf32, #tpu.memory_space<vmem>>) offsets(%dma_start3A_441 : memref<128xi32, #tpu.memory_space<vmem>>) semaphore(%arg9 : memref<!tpu.dma_semaphore, #tpu.memory_space<semaphore_mem>>)
    %dma_start3A_445 = arith.constant 128 : i32
    %dma_start3A_446 = arith.constant 0 : i32
    %dma_start3A_447 = tpu.memref_slice %arg7[%dma_start3A_445, %dma_start3A_446] : memref<256x128xf32, #tpu.memory_space<vmem>> -> memref<128x128xf32, #tpu.memory_space<vmem>>
    %dma_start3A_448 = arith.constant 2944 : i32
    %dma_start3A_449 = tpu.memref_slice %arg5[%dma_start3A_448] : memref<6400xi32, #tpu.memory_space<vmem>> -> memref<128xi32, #tpu.memory_space<vmem>>
    %dma_start3A_450 = arith.constant 0 : i32
    %dma_start3A_451 = arith.constant 0 : i32
    %dma_start3A_452 = tpu.memref_slice %arg2[%dma_start3A_450, %dma_start3A_451] : memref<1000000x128xf32, #tpu.memory_space<hbm>> -> memref<1000000x128xf32, #tpu.memory_space<hbm>>
    tpu.enqueue_indirect_dma source(%dma_start3A_452 : memref<1000000x128xf32, #tpu.memory_space<hbm>>) target(%dma_start3A_447 : memref<128x128xf32, #tpu.memory_space<vmem>>) offsets(%dma_start3A_449 : memref<128xi32, #tpu.memory_space<vmem>>) semaphore(%arg9 : memref<!tpu.dma_semaphore, #tpu.memory_space<semaphore_mem>>)
    %dma_wait3A_453 = arith.constant 0 : i32
    %dma_wait3A_454 = arith.constant 0 : i32
    %dma_wait3A_455 = tpu.memref_slice %arg6[%dma_wait3A_453, %dma_wait3A_454] : memref<256x128xf32, #tpu.memory_space<vmem>> -> memref<128x128xf32, #tpu.memory_space<vmem>>
    %dma_wait3A_456 = arith.constant 2560 : i32
    %dma_wait3A_457 = tpu.memref_slice %arg5[%dma_wait3A_456] : memref<6400xi32, #tpu.memory_space<vmem>> -> memref<128xi32, #tpu.memory_space<vmem>>
    %dma_wait3A_458 = arith.constant 0 : i32
    %dma_wait3A_459 = arith.constant 0 : i32
    %dma_wait3A_460 = tpu.memref_slice %arg2[%dma_wait3A_458, %dma_wait3A_459] : memref<1000000x128xf32, #tpu.memory_space<hbm>> -> memref<1000000x128xf32, #tpu.memory_space<hbm>>
    tpu.wait_indirect_dma semaphore(%arg8 : memref<!tpu.dma_semaphore, #tpu.memory_space<semaphore_mem>>) src(%dma_wait3A_460 : memref<1000000x128xf32, #tpu.memory_space<hbm>>) dst(%dma_wait3A_455 : memref<128x128xf32, #tpu.memory_space<vmem>>)
    %dma_wait3A_461 = arith.constant 128 : i32
    %dma_wait3A_462 = arith.constant 0 : i32
    %dma_wait3A_463 = tpu.memref_slice %arg6[%dma_wait3A_461, %dma_wait3A_462] : memref<256x128xf32, #tpu.memory_space<vmem>> -> memref<128x128xf32, #tpu.memory_space<vmem>>
    %dma_wait3A_464 = arith.constant 2688 : i32
    %dma_wait3A_465 = tpu.memref_slice %arg5[%dma_wait3A_464] : memref<6400xi32, #tpu.memory_space<vmem>> -> memref<128xi32, #tpu.memory_space<vmem>>
    %dma_wait3A_466 = arith.constant 0 : i32
    %dma_wait3A_467 = arith.constant 0 : i32
    %dma_wait3A_468 = tpu.memref_slice %arg2[%dma_wait3A_466, %dma_wait3A_467] : memref<1000000x128xf32, #tpu.memory_space<hbm>> -> memref<1000000x128xf32, #tpu.memory_space<hbm>>
    tpu.wait_indirect_dma semaphore(%arg8 : memref<!tpu.dma_semaphore, #tpu.memory_space<semaphore_mem>>) src(%dma_wait3A_468 : memref<1000000x128xf32, #tpu.memory_space<hbm>>) dst(%dma_wait3A_463 : memref<128x128xf32, #tpu.memory_space<vmem>>)
    %add3A_469 = arith.constant 2560 : i32
    %add3A_470 = arith.addi %mul3A_2, %add3A_469 : i32
    %dma_start3A_471 = arith.constant 0 : i32
    %dma_start3A_472 = tpu.memref_slice %arg4[%add3A_470, %dma_start3A_471] : memref<204800x128xf32, #tpu.memory_space<hbm>> -> memref<256x128xf32, #tpu.memory_space<hbm>>
    %dma_start3A_473 = arith.constant 0 : i32
    %dma_start3A_474 = tpu.memref_slice %arg4[%add3A_470, %dma_start3A_473] : memref<204800x128xf32, #tpu.memory_space<hbm>> -> memref<256x128xf32, #tpu.memory_space<hbm>>
    tpu.enqueue_dma source(%arg6 : memref<256x128xf32, #tpu.memory_space<vmem>>) target(%dma_start3A_474 : memref<256x128xf32, #tpu.memory_space<hbm>>) target_semaphore(%arg10 : memref<!tpu.dma_semaphore, #tpu.memory_space<semaphore_mem>>)
    %dma_wait3A_475 = arith.constant 0 : i32
    %dma_wait3A_476 = tpu.memref_slice %arg4[%add3A_470, %dma_wait3A_475] : memref<204800x128xf32, #tpu.memory_space<hbm>> -> memref<256x128xf32, #tpu.memory_space<hbm>>
    %dma_wait3A_477 = arith.constant 0 : i32
    %dma_wait3A_478 = tpu.memref_slice %arg4[%add3A_470, %dma_wait3A_477] : memref<204800x128xf32, #tpu.memory_space<hbm>> -> memref<256x128xf32, #tpu.memory_space<hbm>>
    tpu.wait_dma2 semaphore(%arg10 : memref<!tpu.dma_semaphore, #tpu.memory_space<semaphore_mem>>) src(%arg6 : memref<256x128xf32, #tpu.memory_space<vmem>>) dst(%dma_wait3A_478 : memref<256x128xf32, #tpu.memory_space<hbm>>)
    %dma_start3A_479 = arith.constant 0 : i32
    %dma_start3A_480 = arith.constant 0 : i32
    %dma_start3A_481 = tpu.memref_slice %arg6[%dma_start3A_479, %dma_start3A_480] : memref<256x128xf32, #tpu.memory_space<vmem>> -> memref<128x128xf32, #tpu.memory_space<vmem>>
    %dma_start3A_482 = arith.constant 3072 : i32
    %dma_start3A_483 = tpu.memref_slice %arg5[%dma_start3A_482] : memref<6400xi32, #tpu.memory_space<vmem>> -> memref<128xi32, #tpu.memory_space<vmem>>
    %dma_start3A_484 = arith.constant 0 : i32
    %dma_start3A_485 = arith.constant 0 : i32
    %dma_start3A_486 = tpu.memref_slice %arg2[%dma_start3A_484, %dma_start3A_485] : memref<1000000x128xf32, #tpu.memory_space<hbm>> -> memref<1000000x128xf32, #tpu.memory_space<hbm>>
    tpu.enqueue_indirect_dma source(%dma_start3A_486 : memref<1000000x128xf32, #tpu.memory_space<hbm>>) target(%dma_start3A_481 : memref<128x128xf32, #tpu.memory_space<vmem>>) offsets(%dma_start3A_483 : memref<128xi32, #tpu.memory_space<vmem>>) semaphore(%arg8 : memref<!tpu.dma_semaphore, #tpu.memory_space<semaphore_mem>>)
    %dma_start3A_487 = arith.constant 128 : i32
    %dma_start3A_488 = arith.constant 0 : i32
    %dma_start3A_489 = tpu.memref_slice %arg6[%dma_start3A_487, %dma_start3A_488] : memref<256x128xf32, #tpu.memory_space<vmem>> -> memref<128x128xf32, #tpu.memory_space<vmem>>
    %dma_start3A_490 = arith.constant 3200 : i32
    %dma_start3A_491 = tpu.memref_slice %arg5[%dma_start3A_490] : memref<6400xi32, #tpu.memory_space<vmem>> -> memref<128xi32, #tpu.memory_space<vmem>>
    %dma_start3A_492 = arith.constant 0 : i32
    %dma_start3A_493 = arith.constant 0 : i32
    %dma_start3A_494 = tpu.memref_slice %arg2[%dma_start3A_492, %dma_start3A_493] : memref<1000000x128xf32, #tpu.memory_space<hbm>> -> memref<1000000x128xf32, #tpu.memory_space<hbm>>
    tpu.enqueue_indirect_dma source(%dma_start3A_494 : memref<1000000x128xf32, #tpu.memory_space<hbm>>) target(%dma_start3A_489 : memref<128x128xf32, #tpu.memory_space<vmem>>) offsets(%dma_start3A_491 : memref<128xi32, #tpu.memory_space<vmem>>) semaphore(%arg8 : memref<!tpu.dma_semaphore, #tpu.memory_space<semaphore_mem>>)
    %dma_wait3A_495 = arith.constant 0 : i32
    %dma_wait3A_496 = arith.constant 0 : i32
    %dma_wait3A_497 = tpu.memref_slice %arg7[%dma_wait3A_495, %dma_wait3A_496] : memref<256x128xf32, #tpu.memory_space<vmem>> -> memref<128x128xf32, #tpu.memory_space<vmem>>
    %dma_wait3A_498 = arith.constant 2816 : i32
    %dma_wait3A_499 = tpu.memref_slice %arg5[%dma_wait3A_498] : memref<6400xi32, #tpu.memory_space<vmem>> -> memref<128xi32, #tpu.memory_space<vmem>>
    %dma_wait3A_500 = arith.constant 0 : i32
    %dma_wait3A_501 = arith.constant 0 : i32
    %dma_wait3A_502 = tpu.memref_slice %arg2[%dma_wait3A_500, %dma_wait3A_501] : memref<1000000x128xf32, #tpu.memory_space<hbm>> -> memref<1000000x128xf32, #tpu.memory_space<hbm>>
    tpu.wait_indirect_dma semaphore(%arg9 : memref<!tpu.dma_semaphore, #tpu.memory_space<semaphore_mem>>) src(%dma_wait3A_502 : memref<1000000x128xf32, #tpu.memory_space<hbm>>) dst(%dma_wait3A_497 : memref<128x128xf32, #tpu.memory_space<vmem>>)
    %dma_wait3A_503 = arith.constant 128 : i32
    %dma_wait3A_504 = arith.constant 0 : i32
    %dma_wait3A_505 = tpu.memref_slice %arg7[%dma_wait3A_503, %dma_wait3A_504] : memref<256x128xf32, #tpu.memory_space<vmem>> -> memref<128x128xf32, #tpu.memory_space<vmem>>
    %dma_wait3A_506 = arith.constant 2944 : i32
    %dma_wait3A_507 = tpu.memref_slice %arg5[%dma_wait3A_506] : memref<6400xi32, #tpu.memory_space<vmem>> -> memref<128xi32, #tpu.memory_space<vmem>>
    %dma_wait3A_508 = arith.constant 0 : i32
    %dma_wait3A_509 = arith.constant 0 : i32
    %dma_wait3A_510 = tpu.memref_slice %arg2[%dma_wait3A_508, %dma_wait3A_509] : memref<1000000x128xf32, #tpu.memory_space<hbm>> -> memref<1000000x128xf32, #tpu.memory_space<hbm>>
    tpu.wait_indirect_dma semaphore(%arg9 : memref<!tpu.dma_semaphore, #tpu.memory_space<semaphore_mem>>) src(%dma_wait3A_510 : memref<1000000x128xf32, #tpu.memory_space<hbm>>) dst(%dma_wait3A_505 : memref<128x128xf32, #tpu.memory_space<vmem>>)
    %add3A_511 = arith.constant 2816 : i32
    %add3A_512 = arith.addi %mul3A_2, %add3A_511 : i32
    %dma_start3A_513 = arith.constant 0 : i32
    %dma_start3A_514 = tpu.memref_slice %arg4[%add3A_512, %dma_start3A_513] : memref<204800x128xf32, #tpu.memory_space<hbm>> -> memref<256x128xf32, #tpu.memory_space<hbm>>
    %dma_start3A_515 = arith.constant 0 : i32
    %dma_start3A_516 = tpu.memref_slice %arg4[%add3A_512, %dma_start3A_515] : memref<204800x128xf32, #tpu.memory_space<hbm>> -> memref<256x128xf32, #tpu.memory_space<hbm>>
    tpu.enqueue_dma source(%arg7 : memref<256x128xf32, #tpu.memory_space<vmem>>) target(%dma_start3A_516 : memref<256x128xf32, #tpu.memory_space<hbm>>) target_semaphore(%arg11 : memref<!tpu.dma_semaphore, #tpu.memory_space<semaphore_mem>>)
    %dma_wait3A_517 = arith.constant 0 : i32
    %dma_wait3A_518 = tpu.memref_slice %arg4[%add3A_512, %dma_wait3A_517] : memref<204800x128xf32, #tpu.memory_space<hbm>> -> memref<256x128xf32, #tpu.memory_space<hbm>>
    %dma_wait3A_519 = arith.constant 0 : i32
    %dma_wait3A_520 = tpu.memref_slice %arg4[%add3A_512, %dma_wait3A_519] : memref<204800x128xf32, #tpu.memory_space<hbm>> -> memref<256x128xf32, #tpu.memory_space<hbm>>
    tpu.wait_dma2 semaphore(%arg11 : memref<!tpu.dma_semaphore, #tpu.memory_space<semaphore_mem>>) src(%arg7 : memref<256x128xf32, #tpu.memory_space<vmem>>) dst(%dma_wait3A_520 : memref<256x128xf32, #tpu.memory_space<hbm>>)
    %dma_start3A_521 = arith.constant 0 : i32
    %dma_start3A_522 = arith.constant 0 : i32
    %dma_start3A_523 = tpu.memref_slice %arg7[%dma_start3A_521, %dma_start3A_522] : memref<256x128xf32, #tpu.memory_space<vmem>> -> memref<128x128xf32, #tpu.memory_space<vmem>>
    %dma_start3A_524 = arith.constant 3328 : i32
    %dma_start3A_525 = tpu.memref_slice %arg5[%dma_start3A_524] : memref<6400xi32, #tpu.memory_space<vmem>> -> memref<128xi32, #tpu.memory_space<vmem>>
    %dma_start3A_526 = arith.constant 0 : i32
    %dma_start3A_527 = arith.constant 0 : i32
    %dma_start3A_528 = tpu.memref_slice %arg2[%dma_start3A_526, %dma_start3A_527] : memref<1000000x128xf32, #tpu.memory_space<hbm>> -> memref<1000000x128xf32, #tpu.memory_space<hbm>>
    tpu.enqueue_indirect_dma source(%dma_start3A_528 : memref<1000000x128xf32, #tpu.memory_space<hbm>>) target(%dma_start3A_523 : memref<128x128xf32, #tpu.memory_space<vmem>>) offsets(%dma_start3A_525 : memref<128xi32, #tpu.memory_space<vmem>>) semaphore(%arg9 : memref<!tpu.dma_semaphore, #tpu.memory_space<semaphore_mem>>)
    %dma_start3A_529 = arith.constant 128 : i32
    %dma_start3A_530 = arith.constant 0 : i32
    %dma_start3A_531 = tpu.memref_slice %arg7[%dma_start3A_529, %dma_start3A_530] : memref<256x128xf32, #tpu.memory_space<vmem>> -> memref<128x128xf32, #tpu.memory_space<vmem>>
    %dma_start3A_532 = arith.constant 3456 : i32
    %dma_start3A_533 = tpu.memref_slice %arg5[%dma_start3A_532] : memref<6400xi32, #tpu.memory_space<vmem>> -> memref<128xi32, #tpu.memory_space<vmem>>
    %dma_start3A_534 = arith.constant 0 : i32
    %dma_start3A_535 = arith.constant 0 : i32
    %dma_start3A_536 = tpu.memref_slice %arg2[%dma_start3A_534, %dma_start3A_535] : memref<1000000x128xf32, #tpu.memory_space<hbm>> -> memref<1000000x128xf32, #tpu.memory_space<hbm>>
    tpu.enqueue_indirect_dma source(%dma_start3A_536 : memref<1000000x128xf32, #tpu.memory_space<hbm>>) target(%dma_start3A_531 : memref<128x128xf32, #tpu.memory_space<vmem>>) offsets(%dma_start3A_533 : memref<128xi32, #tpu.memory_space<vmem>>) semaphore(%arg9 : memref<!tpu.dma_semaphore, #tpu.memory_space<semaphore_mem>>)
    %dma_wait3A_537 = arith.constant 0 : i32
    %dma_wait3A_538 = arith.constant 0 : i32
    %dma_wait3A_539 = tpu.memref_slice %arg6[%dma_wait3A_537, %dma_wait3A_538] : memref<256x128xf32, #tpu.memory_space<vmem>> -> memref<128x128xf32, #tpu.memory_space<vmem>>
    %dma_wait3A_540 = arith.constant 3072 : i32
    %dma_wait3A_541 = tpu.memref_slice %arg5[%dma_wait3A_540] : memref<6400xi32, #tpu.memory_space<vmem>> -> memref<128xi32, #tpu.memory_space<vmem>>
    %dma_wait3A_542 = arith.constant 0 : i32
    %dma_wait3A_543 = arith.constant 0 : i32
    %dma_wait3A_544 = tpu.memref_slice %arg2[%dma_wait3A_542, %dma_wait3A_543] : memref<1000000x128xf32, #tpu.memory_space<hbm>> -> memref<1000000x128xf32, #tpu.memory_space<hbm>>
    tpu.wait_indirect_dma semaphore(%arg8 : memref<!tpu.dma_semaphore, #tpu.memory_space<semaphore_mem>>) src(%dma_wait3A_544 : memref<1000000x128xf32, #tpu.memory_space<hbm>>) dst(%dma_wait3A_539 : memref<128x128xf32, #tpu.memory_space<vmem>>)
    %dma_wait3A_545 = arith.constant 128 : i32
    %dma_wait3A_546 = arith.constant 0 : i32
    %dma_wait3A_547 = tpu.memref_slice %arg6[%dma_wait3A_545, %dma_wait3A_546] : memref<256x128xf32, #tpu.memory_space<vmem>> -> memref<128x128xf32, #tpu.memory_space<vmem>>
    %dma_wait3A_548 = arith.constant 3200 : i32
    %dma_wait3A_549 = tpu.memref_slice %arg5[%dma_wait3A_548] : memref<6400xi32, #tpu.memory_space<vmem>> -> memref<128xi32, #tpu.memory_space<vmem>>
    %dma_wait3A_550 = arith.constant 0 : i32
    %dma_wait3A_551 = arith.constant 0 : i32
    %dma_wait3A_552 = tpu.memref_slice %arg2[%dma_wait3A_550, %dma_wait3A_551] : memref<1000000x128xf32, #tpu.memory_space<hbm>> -> memref<1000000x128xf32, #tpu.memory_space<hbm>>
    tpu.wait_indirect_dma semaphore(%arg8 : memref<!tpu.dma_semaphore, #tpu.memory_space<semaphore_mem>>) src(%dma_wait3A_552 : memref<1000000x128xf32, #tpu.memory_space<hbm>>) dst(%dma_wait3A_547 : memref<128x128xf32, #tpu.memory_space<vmem>>)
    %add3A_553 = arith.constant 3072 : i32
    %add3A_554 = arith.addi %mul3A_2, %add3A_553 : i32
    %dma_start3A_555 = arith.constant 0 : i32
    %dma_start3A_556 = tpu.memref_slice %arg4[%add3A_554, %dma_start3A_555] : memref<204800x128xf32, #tpu.memory_space<hbm>> -> memref<256x128xf32, #tpu.memory_space<hbm>>
    %dma_start3A_557 = arith.constant 0 : i32
    %dma_start3A_558 = tpu.memref_slice %arg4[%add3A_554, %dma_start3A_557] : memref<204800x128xf32, #tpu.memory_space<hbm>> -> memref<256x128xf32, #tpu.memory_space<hbm>>
    tpu.enqueue_dma source(%arg6 : memref<256x128xf32, #tpu.memory_space<vmem>>) target(%dma_start3A_558 : memref<256x128xf32, #tpu.memory_space<hbm>>) target_semaphore(%arg10 : memref<!tpu.dma_semaphore, #tpu.memory_space<semaphore_mem>>)
    %dma_wait3A_559 = arith.constant 0 : i32
    %dma_wait3A_560 = tpu.memref_slice %arg4[%add3A_554, %dma_wait3A_559] : memref<204800x128xf32, #tpu.memory_space<hbm>> -> memref<256x128xf32, #tpu.memory_space<hbm>>
    %dma_wait3A_561 = arith.constant 0 : i32
    %dma_wait3A_562 = tpu.memref_slice %arg4[%add3A_554, %dma_wait3A_561] : memref<204800x128xf32, #tpu.memory_space<hbm>> -> memref<256x128xf32, #tpu.memory_space<hbm>>
    tpu.wait_dma2 semaphore(%arg10 : memref<!tpu.dma_semaphore, #tpu.memory_space<semaphore_mem>>) src(%arg6 : memref<256x128xf32, #tpu.memory_space<vmem>>) dst(%dma_wait3A_562 : memref<256x128xf32, #tpu.memory_space<hbm>>)
    %dma_start3A_563 = arith.constant 0 : i32
    %dma_start3A_564 = arith.constant 0 : i32
    %dma_start3A_565 = tpu.memref_slice %arg6[%dma_start3A_563, %dma_start3A_564] : memref<256x128xf32, #tpu.memory_space<vmem>> -> memref<128x128xf32, #tpu.memory_space<vmem>>
    %dma_start3A_566 = arith.constant 3584 : i32
    %dma_start3A_567 = tpu.memref_slice %arg5[%dma_start3A_566] : memref<6400xi32, #tpu.memory_space<vmem>> -> memref<128xi32, #tpu.memory_space<vmem>>
    %dma_start3A_568 = arith.constant 0 : i32
    %dma_start3A_569 = arith.constant 0 : i32
    %dma_start3A_570 = tpu.memref_slice %arg2[%dma_start3A_568, %dma_start3A_569] : memref<1000000x128xf32, #tpu.memory_space<hbm>> -> memref<1000000x128xf32, #tpu.memory_space<hbm>>
    tpu.enqueue_indirect_dma source(%dma_start3A_570 : memref<1000000x128xf32, #tpu.memory_space<hbm>>) target(%dma_start3A_565 : memref<128x128xf32, #tpu.memory_space<vmem>>) offsets(%dma_start3A_567 : memref<128xi32, #tpu.memory_space<vmem>>) semaphore(%arg8 : memref<!tpu.dma_semaphore, #tpu.memory_space<semaphore_mem>>)
    %dma_start3A_571 = arith.constant 128 : i32
    %dma_start3A_572 = arith.constant 0 : i32
    %dma_start3A_573 = tpu.memref_slice %arg6[%dma_start3A_571, %dma_start3A_572] : memref<256x128xf32, #tpu.memory_space<vmem>> -> memref<128x128xf32, #tpu.memory_space<vmem>>
    %dma_start3A_574 = arith.constant 3712 : i32
    %dma_start3A_575 = tpu.memref_slice %arg5[%dma_start3A_574] : memref<6400xi32, #tpu.memory_space<vmem>> -> memref<128xi32, #tpu.memory_space<vmem>>
    %dma_start3A_576 = arith.constant 0 : i32
    %dma_start3A_577 = arith.constant 0 : i32
    %dma_start3A_578 = tpu.memref_slice %arg2[%dma_start3A_576, %dma_start3A_577] : memref<1000000x128xf32, #tpu.memory_space<hbm>> -> memref<1000000x128xf32, #tpu.memory_space<hbm>>
    tpu.enqueue_indirect_dma source(%dma_start3A_578 : memref<1000000x128xf32, #tpu.memory_space<hbm>>) target(%dma_start3A_573 : memref<128x128xf32, #tpu.memory_space<vmem>>) offsets(%dma_start3A_575 : memref<128xi32, #tpu.memory_space<vmem>>) semaphore(%arg8 : memref<!tpu.dma_semaphore, #tpu.memory_space<semaphore_mem>>)
    %dma_wait3A_579 = arith.constant 0 : i32
    %dma_wait3A_580 = arith.constant 0 : i32
    %dma_wait3A_581 = tpu.memref_slice %arg7[%dma_wait3A_579, %dma_wait3A_580] : memref<256x128xf32, #tpu.memory_space<vmem>> -> memref<128x128xf32, #tpu.memory_space<vmem>>
    %dma_wait3A_582 = arith.constant 3328 : i32
    %dma_wait3A_583 = tpu.memref_slice %arg5[%dma_wait3A_582] : memref<6400xi32, #tpu.memory_space<vmem>> -> memref<128xi32, #tpu.memory_space<vmem>>
    %dma_wait3A_584 = arith.constant 0 : i32
    %dma_wait3A_585 = arith.constant 0 : i32
    %dma_wait3A_586 = tpu.memref_slice %arg2[%dma_wait3A_584, %dma_wait3A_585] : memref<1000000x128xf32, #tpu.memory_space<hbm>> -> memref<1000000x128xf32, #tpu.memory_space<hbm>>
    tpu.wait_indirect_dma semaphore(%arg9 : memref<!tpu.dma_semaphore, #tpu.memory_space<semaphore_mem>>) src(%dma_wait3A_586 : memref<1000000x128xf32, #tpu.memory_space<hbm>>) dst(%dma_wait3A_581 : memref<128x128xf32, #tpu.memory_space<vmem>>)
    %dma_wait3A_587 = arith.constant 128 : i32
    %dma_wait3A_588 = arith.constant 0 : i32
    %dma_wait3A_589 = tpu.memref_slice %arg7[%dma_wait3A_587, %dma_wait3A_588] : memref<256x128xf32, #tpu.memory_space<vmem>> -> memref<128x128xf32, #tpu.memory_space<vmem>>
    %dma_wait3A_590 = arith.constant 3456 : i32
    %dma_wait3A_591 = tpu.memref_slice %arg5[%dma_wait3A_590] : memref<6400xi32, #tpu.memory_space<vmem>> -> memref<128xi32, #tpu.memory_space<vmem>>
    %dma_wait3A_592 = arith.constant 0 : i32
    %dma_wait3A_593 = arith.constant 0 : i32
    %dma_wait3A_594 = tpu.memref_slice %arg2[%dma_wait3A_592, %dma_wait3A_593] : memref<1000000x128xf32, #tpu.memory_space<hbm>> -> memref<1000000x128xf32, #tpu.memory_space<hbm>>
    tpu.wait_indirect_dma semaphore(%arg9 : memref<!tpu.dma_semaphore, #tpu.memory_space<semaphore_mem>>) src(%dma_wait3A_594 : memref<1000000x128xf32, #tpu.memory_space<hbm>>) dst(%dma_wait3A_589 : memref<128x128xf32, #tpu.memory_space<vmem>>)
    %add3A_595 = arith.constant 3328 : i32
    %add3A_596 = arith.addi %mul3A_2, %add3A_595 : i32
    %dma_start3A_597 = arith.constant 0 : i32
    %dma_start3A_598 = tpu.memref_slice %arg4[%add3A_596, %dma_start3A_597] : memref<204800x128xf32, #tpu.memory_space<hbm>> -> memref<256x128xf32, #tpu.memory_space<hbm>>
    %dma_start3A_599 = arith.constant 0 : i32
    %dma_start3A_600 = tpu.memref_slice %arg4[%add3A_596, %dma_start3A_599] : memref<204800x128xf32, #tpu.memory_space<hbm>> -> memref<256x128xf32, #tpu.memory_space<hbm>>
    tpu.enqueue_dma source(%arg7 : memref<256x128xf32, #tpu.memory_space<vmem>>) target(%dma_start3A_600 : memref<256x128xf32, #tpu.memory_space<hbm>>) target_semaphore(%arg11 : memref<!tpu.dma_semaphore, #tpu.memory_space<semaphore_mem>>)
    %dma_wait3A_601 = arith.constant 0 : i32
    %dma_wait3A_602 = tpu.memref_slice %arg4[%add3A_596, %dma_wait3A_601] : memref<204800x128xf32, #tpu.memory_space<hbm>> -> memref<256x128xf32, #tpu.memory_space<hbm>>
    %dma_wait3A_603 = arith.constant 0 : i32
    %dma_wait3A_604 = tpu.memref_slice %arg4[%add3A_596, %dma_wait3A_603] : memref<204800x128xf32, #tpu.memory_space<hbm>> -> memref<256x128xf32, #tpu.memory_space<hbm>>
    tpu.wait_dma2 semaphore(%arg11 : memref<!tpu.dma_semaphore, #tpu.memory_space<semaphore_mem>>) src(%arg7 : memref<256x128xf32, #tpu.memory_space<vmem>>) dst(%dma_wait3A_604 : memref<256x128xf32, #tpu.memory_space<hbm>>)
    %dma_start3A_605 = arith.constant 0 : i32
    %dma_start3A_606 = arith.constant 0 : i32
    %dma_start3A_607 = tpu.memref_slice %arg7[%dma_start3A_605, %dma_start3A_606] : memref<256x128xf32, #tpu.memory_space<vmem>> -> memref<128x128xf32, #tpu.memory_space<vmem>>
    %dma_start3A_608 = arith.constant 3840 : i32
    %dma_start3A_609 = tpu.memref_slice %arg5[%dma_start3A_608] : memref<6400xi32, #tpu.memory_space<vmem>> -> memref<128xi32, #tpu.memory_space<vmem>>
    %dma_start3A_610 = arith.constant 0 : i32
    %dma_start3A_611 = arith.constant 0 : i32
    %dma_start3A_612 = tpu.memref_slice %arg2[%dma_start3A_610, %dma_start3A_611] : memref<1000000x128xf32, #tpu.memory_space<hbm>> -> memref<1000000x128xf32, #tpu.memory_space<hbm>>
    tpu.enqueue_indirect_dma source(%dma_start3A_612 : memref<1000000x128xf32, #tpu.memory_space<hbm>>) target(%dma_start3A_607 : memref<128x128xf32, #tpu.memory_space<vmem>>) offsets(%dma_start3A_609 : memref<128xi32, #tpu.memory_space<vmem>>) semaphore(%arg9 : memref<!tpu.dma_semaphore, #tpu.memory_space<semaphore_mem>>)
    %dma_start3A_613 = arith.constant 128 : i32
    %dma_start3A_614 = arith.constant 0 : i32
    %dma_start3A_615 = tpu.memref_slice %arg7[%dma_start3A_613, %dma_start3A_614] : memref<256x128xf32, #tpu.memory_space<vmem>> -> memref<128x128xf32, #tpu.memory_space<vmem>>
    %dma_start3A_616 = arith.constant 3968 : i32
    %dma_start3A_617 = tpu.memref_slice %arg5[%dma_start3A_616] : memref<6400xi32, #tpu.memory_space<vmem>> -> memref<128xi32, #tpu.memory_space<vmem>>
    %dma_start3A_618 = arith.constant 0 : i32
    %dma_start3A_619 = arith.constant 0 : i32
    %dma_start3A_620 = tpu.memref_slice %arg2[%dma_start3A_618, %dma_start3A_619] : memref<1000000x128xf32, #tpu.memory_space<hbm>> -> memref<1000000x128xf32, #tpu.memory_space<hbm>>
    tpu.enqueue_indirect_dma source(%dma_start3A_620 : memref<1000000x128xf32, #tpu.memory_space<hbm>>) target(%dma_start3A_615 : memref<128x128xf32, #tpu.memory_space<vmem>>) offsets(%dma_start3A_617 : memref<128xi32, #tpu.memory_space<vmem>>) semaphore(%arg9 : memref<!tpu.dma_semaphore, #tpu.memory_space<semaphore_mem>>)
    %dma_wait3A_621 = arith.constant 0 : i32
    %dma_wait3A_622 = arith.constant 0 : i32
    %dma_wait3A_623 = tpu.memref_slice %arg6[%dma_wait3A_621, %dma_wait3A_622] : memref<256x128xf32, #tpu.memory_space<vmem>> -> memref<128x128xf32, #tpu.memory_space<vmem>>
    %dma_wait3A_624 = arith.constant 3584 : i32
    %dma_wait3A_625 = tpu.memref_slice %arg5[%dma_wait3A_624] : memref<6400xi32, #tpu.memory_space<vmem>> -> memref<128xi32, #tpu.memory_space<vmem>>
    %dma_wait3A_626 = arith.constant 0 : i32
    %dma_wait3A_627 = arith.constant 0 : i32
    %dma_wait3A_628 = tpu.memref_slice %arg2[%dma_wait3A_626, %dma_wait3A_627] : memref<1000000x128xf32, #tpu.memory_space<hbm>> -> memref<1000000x128xf32, #tpu.memory_space<hbm>>
    tpu.wait_indirect_dma semaphore(%arg8 : memref<!tpu.dma_semaphore, #tpu.memory_space<semaphore_mem>>) src(%dma_wait3A_628 : memref<1000000x128xf32, #tpu.memory_space<hbm>>) dst(%dma_wait3A_623 : memref<128x128xf32, #tpu.memory_space<vmem>>)
    %dma_wait3A_629 = arith.constant 128 : i32
    %dma_wait3A_630 = arith.constant 0 : i32
    %dma_wait3A_631 = tpu.memref_slice %arg6[%dma_wait3A_629, %dma_wait3A_630] : memref<256x128xf32, #tpu.memory_space<vmem>> -> memref<128x128xf32, #tpu.memory_space<vmem>>
    %dma_wait3A_632 = arith.constant 3712 : i32
    %dma_wait3A_633 = tpu.memref_slice %arg5[%dma_wait3A_632] : memref<6400xi32, #tpu.memory_space<vmem>> -> memref<128xi32, #tpu.memory_space<vmem>>
    %dma_wait3A_634 = arith.constant 0 : i32
    %dma_wait3A_635 = arith.constant 0 : i32
    %dma_wait3A_636 = tpu.memref_slice %arg2[%dma_wait3A_634, %dma_wait3A_635] : memref<1000000x128xf32, #tpu.memory_space<hbm>> -> memref<1000000x128xf32, #tpu.memory_space<hbm>>
    tpu.wait_indirect_dma semaphore(%arg8 : memref<!tpu.dma_semaphore, #tpu.memory_space<semaphore_mem>>) src(%dma_wait3A_636 : memref<1000000x128xf32, #tpu.memory_space<hbm>>) dst(%dma_wait3A_631 : memref<128x128xf32, #tpu.memory_space<vmem>>)
    %add3A_637 = arith.constant 3584 : i32
    %add3A_638 = arith.addi %mul3A_2, %add3A_637 : i32
    %dma_start3A_639 = arith.constant 0 : i32
    %dma_start3A_640 = tpu.memref_slice %arg4[%add3A_638, %dma_start3A_639] : memref<204800x128xf32, #tpu.memory_space<hbm>> -> memref<256x128xf32, #tpu.memory_space<hbm>>
    %dma_start3A_641 = arith.constant 0 : i32
    %dma_start3A_642 = tpu.memref_slice %arg4[%add3A_638, %dma_start3A_641] : memref<204800x128xf32, #tpu.memory_space<hbm>> -> memref<256x128xf32, #tpu.memory_space<hbm>>
    tpu.enqueue_dma source(%arg6 : memref<256x128xf32, #tpu.memory_space<vmem>>) target(%dma_start3A_642 : memref<256x128xf32, #tpu.memory_space<hbm>>) target_semaphore(%arg10 : memref<!tpu.dma_semaphore, #tpu.memory_space<semaphore_mem>>)
    %dma_wait3A_643 = arith.constant 0 : i32
    %dma_wait3A_644 = tpu.memref_slice %arg4[%add3A_638, %dma_wait3A_643] : memref<204800x128xf32, #tpu.memory_space<hbm>> -> memref<256x128xf32, #tpu.memory_space<hbm>>
    %dma_wait3A_645 = arith.constant 0 : i32
    %dma_wait3A_646 = tpu.memref_slice %arg4[%add3A_638, %dma_wait3A_645] : memref<204800x128xf32, #tpu.memory_space<hbm>> -> memref<256x128xf32, #tpu.memory_space<hbm>>
    tpu.wait_dma2 semaphore(%arg10 : memref<!tpu.dma_semaphore, #tpu.memory_space<semaphore_mem>>) src(%arg6 : memref<256x128xf32, #tpu.memory_space<vmem>>) dst(%dma_wait3A_646 : memref<256x128xf32, #tpu.memory_space<hbm>>)
    %dma_start3A_647 = arith.constant 0 : i32
    %dma_start3A_648 = arith.constant 0 : i32
    %dma_start3A_649 = tpu.memref_slice %arg6[%dma_start3A_647, %dma_start3A_648] : memref<256x128xf32, #tpu.memory_space<vmem>> -> memref<128x128xf32, #tpu.memory_space<vmem>>
    %dma_start3A_650 = arith.constant 4096 : i32
    %dma_start3A_651 = tpu.memref_slice %arg5[%dma_start3A_650] : memref<6400xi32, #tpu.memory_space<vmem>> -> memref<128xi32, #tpu.memory_space<vmem>>
    %dma_start3A_652 = arith.constant 0 : i32
    %dma_start3A_653 = arith.constant 0 : i32
    %dma_start3A_654 = tpu.memref_slice %arg2[%dma_start3A_652, %dma_start3A_653] : memref<1000000x128xf32, #tpu.memory_space<hbm>> -> memref<1000000x128xf32, #tpu.memory_space<hbm>>
    tpu.enqueue_indirect_dma source(%dma_start3A_654 : memref<1000000x128xf32, #tpu.memory_space<hbm>>) target(%dma_start3A_649 : memref<128x128xf32, #tpu.memory_space<vmem>>) offsets(%dma_start3A_651 : memref<128xi32, #tpu.memory_space<vmem>>) semaphore(%arg8 : memref<!tpu.dma_semaphore, #tpu.memory_space<semaphore_mem>>)
    %dma_start3A_655 = arith.constant 128 : i32
    %dma_start3A_656 = arith.constant 0 : i32
    %dma_start3A_657 = tpu.memref_slice %arg6[%dma_start3A_655, %dma_start3A_656] : memref<256x128xf32, #tpu.memory_space<vmem>> -> memref<128x128xf32, #tpu.memory_space<vmem>>
    %dma_start3A_658 = arith.constant 4224 : i32
    %dma_start3A_659 = tpu.memref_slice %arg5[%dma_start3A_658] : memref<6400xi32, #tpu.memory_space<vmem>> -> memref<128xi32, #tpu.memory_space<vmem>>
    %dma_start3A_660 = arith.constant 0 : i32
    %dma_start3A_661 = arith.constant 0 : i32
    %dma_start3A_662 = tpu.memref_slice %arg2[%dma_start3A_660, %dma_start3A_661] : memref<1000000x128xf32, #tpu.memory_space<hbm>> -> memref<1000000x128xf32, #tpu.memory_space<hbm>>
    tpu.enqueue_indirect_dma source(%dma_start3A_662 : memref<1000000x128xf32, #tpu.memory_space<hbm>>) target(%dma_start3A_657 : memref<128x128xf32, #tpu.memory_space<vmem>>) offsets(%dma_start3A_659 : memref<128xi32, #tpu.memory_space<vmem>>) semaphore(%arg8 : memref<!tpu.dma_semaphore, #tpu.memory_space<semaphore_mem>>)
    %dma_wait3A_663 = arith.constant 0 : i32
    %dma_wait3A_664 = arith.constant 0 : i32
    %dma_wait3A_665 = tpu.memref_slice %arg7[%dma_wait3A_663, %dma_wait3A_664] : memref<256x128xf32, #tpu.memory_space<vmem>> -> memref<128x128xf32, #tpu.memory_space<vmem>>
    %dma_wait3A_666 = arith.constant 3840 : i32
    %dma_wait3A_667 = tpu.memref_slice %arg5[%dma_wait3A_666] : memref<6400xi32, #tpu.memory_space<vmem>> -> memref<128xi32, #tpu.memory_space<vmem>>
    %dma_wait3A_668 = arith.constant 0 : i32
    %dma_wait3A_669 = arith.constant 0 : i32
    %dma_wait3A_670 = tpu.memref_slice %arg2[%dma_wait3A_668, %dma_wait3A_669] : memref<1000000x128xf32, #tpu.memory_space<hbm>> -> memref<1000000x128xf32, #tpu.memory_space<hbm>>
    tpu.wait_indirect_dma semaphore(%arg9 : memref<!tpu.dma_semaphore, #tpu.memory_space<semaphore_mem>>) src(%dma_wait3A_670 : memref<1000000x128xf32, #tpu.memory_space<hbm>>) dst(%dma_wait3A_665 : memref<128x128xf32, #tpu.memory_space<vmem>>)
    %dma_wait3A_671 = arith.constant 128 : i32
    %dma_wait3A_672 = arith.constant 0 : i32
    %dma_wait3A_673 = tpu.memref_slice %arg7[%dma_wait3A_671, %dma_wait3A_672] : memref<256x128xf32, #tpu.memory_space<vmem>> -> memref<128x128xf32, #tpu.memory_space<vmem>>
    %dma_wait3A_674 = arith.constant 3968 : i32
    %dma_wait3A_675 = tpu.memref_slice %arg5[%dma_wait3A_674] : memref<6400xi32, #tpu.memory_space<vmem>> -> memref<128xi32, #tpu.memory_space<vmem>>
    %dma_wait3A_676 = arith.constant 0 : i32
    %dma_wait3A_677 = arith.constant 0 : i32
    %dma_wait3A_678 = tpu.memref_slice %arg2[%dma_wait3A_676, %dma_wait3A_677] : memref<1000000x128xf32, #tpu.memory_space<hbm>> -> memref<1000000x128xf32, #tpu.memory_space<hbm>>
    tpu.wait_indirect_dma semaphore(%arg9 : memref<!tpu.dma_semaphore, #tpu.memory_space<semaphore_mem>>) src(%dma_wait3A_678 : memref<1000000x128xf32, #tpu.memory_space<hbm>>) dst(%dma_wait3A_673 : memref<128x128xf32, #tpu.memory_space<vmem>>)
    %add3A_679 = arith.constant 3840 : i32
    %add3A_680 = arith.addi %mul3A_2, %add3A_679 : i32
    %dma_start3A_681 = arith.constant 0 : i32
    %dma_start3A_682 = tpu.memref_slice %arg4[%add3A_680, %dma_start3A_681] : memref<204800x128xf32, #tpu.memory_space<hbm>> -> memref<256x128xf32, #tpu.memory_space<hbm>>
    %dma_start3A_683 = arith.constant 0 : i32
    %dma_start3A_684 = tpu.memref_slice %arg4[%add3A_680, %dma_start3A_683] : memref<204800x128xf32, #tpu.memory_space<hbm>> -> memref<256x128xf32, #tpu.memory_space<hbm>>
    tpu.enqueue_dma source(%arg7 : memref<256x128xf32, #tpu.memory_space<vmem>>) target(%dma_start3A_684 : memref<256x128xf32, #tpu.memory_space<hbm>>) target_semaphore(%arg11 : memref<!tpu.dma_semaphore, #tpu.memory_space<semaphore_mem>>)
    %dma_wait3A_685 = arith.constant 0 : i32
    %dma_wait3A_686 = tpu.memref_slice %arg4[%add3A_680, %dma_wait3A_685] : memref<204800x128xf32, #tpu.memory_space<hbm>> -> memref<256x128xf32, #tpu.memory_space<hbm>>
    %dma_wait3A_687 = arith.constant 0 : i32
    %dma_wait3A_688 = tpu.memref_slice %arg4[%add3A_680, %dma_wait3A_687] : memref<204800x128xf32, #tpu.memory_space<hbm>> -> memref<256x128xf32, #tpu.memory_space<hbm>>
    tpu.wait_dma2 semaphore(%arg11 : memref<!tpu.dma_semaphore, #tpu.memory_space<semaphore_mem>>) src(%arg7 : memref<256x128xf32, #tpu.memory_space<vmem>>) dst(%dma_wait3A_688 : memref<256x128xf32, #tpu.memory_space<hbm>>)
    %dma_start3A_689 = arith.constant 0 : i32
    %dma_start3A_690 = arith.constant 0 : i32
    %dma_start3A_691 = tpu.memref_slice %arg7[%dma_start3A_689, %dma_start3A_690] : memref<256x128xf32, #tpu.memory_space<vmem>> -> memref<128x128xf32, #tpu.memory_space<vmem>>
    %dma_start3A_692 = arith.constant 4352 : i32
    %dma_start3A_693 = tpu.memref_slice %arg5[%dma_start3A_692] : memref<6400xi32, #tpu.memory_space<vmem>> -> memref<128xi32, #tpu.memory_space<vmem>>
    %dma_start3A_694 = arith.constant 0 : i32
    %dma_start3A_695 = arith.constant 0 : i32
    %dma_start3A_696 = tpu.memref_slice %arg2[%dma_start3A_694, %dma_start3A_695] : memref<1000000x128xf32, #tpu.memory_space<hbm>> -> memref<1000000x128xf32, #tpu.memory_space<hbm>>
    tpu.enqueue_indirect_dma source(%dma_start3A_696 : memref<1000000x128xf32, #tpu.memory_space<hbm>>) target(%dma_start3A_691 : memref<128x128xf32, #tpu.memory_space<vmem>>) offsets(%dma_start3A_693 : memref<128xi32, #tpu.memory_space<vmem>>) semaphore(%arg9 : memref<!tpu.dma_semaphore, #tpu.memory_space<semaphore_mem>>)
    %dma_start3A_697 = arith.constant 128 : i32
    %dma_start3A_698 = arith.constant 0 : i32
    %dma_start3A_699 = tpu.memref_slice %arg7[%dma_start3A_697, %dma_start3A_698] : memref<256x128xf32, #tpu.memory_space<vmem>> -> memref<128x128xf32, #tpu.memory_space<vmem>>
    %dma_start3A_700 = arith.constant 4480 : i32
    %dma_start3A_701 = tpu.memref_slice %arg5[%dma_start3A_700] : memref<6400xi32, #tpu.memory_space<vmem>> -> memref<128xi32, #tpu.memory_space<vmem>>
    %dma_start3A_702 = arith.constant 0 : i32
    %dma_start3A_703 = arith.constant 0 : i32
    %dma_start3A_704 = tpu.memref_slice %arg2[%dma_start3A_702, %dma_start3A_703] : memref<1000000x128xf32, #tpu.memory_space<hbm>> -> memref<1000000x128xf32, #tpu.memory_space<hbm>>
    tpu.enqueue_indirect_dma source(%dma_start3A_704 : memref<1000000x128xf32, #tpu.memory_space<hbm>>) target(%dma_start3A_699 : memref<128x128xf32, #tpu.memory_space<vmem>>) offsets(%dma_start3A_701 : memref<128xi32, #tpu.memory_space<vmem>>) semaphore(%arg9 : memref<!tpu.dma_semaphore, #tpu.memory_space<semaphore_mem>>)
    %dma_wait3A_705 = arith.constant 0 : i32
    %dma_wait3A_706 = arith.constant 0 : i32
    %dma_wait3A_707 = tpu.memref_slice %arg6[%dma_wait3A_705, %dma_wait3A_706] : memref<256x128xf32, #tpu.memory_space<vmem>> -> memref<128x128xf32, #tpu.memory_space<vmem>>
    %dma_wait3A_708 = arith.constant 4096 : i32
    %dma_wait3A_709 = tpu.memref_slice %arg5[%dma_wait3A_708] : memref<6400xi32, #tpu.memory_space<vmem>> -> memref<128xi32, #tpu.memory_space<vmem>>
    %dma_wait3A_710 = arith.constant 0 : i32
    %dma_wait3A_711 = arith.constant 0 : i32
    %dma_wait3A_712 = tpu.memref_slice %arg2[%dma_wait3A_710, %dma_wait3A_711] : memref<1000000x128xf32, #tpu.memory_space<hbm>> -> memref<1000000x128xf32, #tpu.memory_space<hbm>>
    tpu.wait_indirect_dma semaphore(%arg8 : memref<!tpu.dma_semaphore, #tpu.memory_space<semaphore_mem>>) src(%dma_wait3A_712 : memref<1000000x128xf32, #tpu.memory_space<hbm>>) dst(%dma_wait3A_707 : memref<128x128xf32, #tpu.memory_space<vmem>>)
    %dma_wait3A_713 = arith.constant 128 : i32
    %dma_wait3A_714 = arith.constant 0 : i32
    %dma_wait3A_715 = tpu.memref_slice %arg6[%dma_wait3A_713, %dma_wait3A_714] : memref<256x128xf32, #tpu.memory_space<vmem>> -> memref<128x128xf32, #tpu.memory_space<vmem>>
    %dma_wait3A_716 = arith.constant 4224 : i32
    %dma_wait3A_717 = tpu.memref_slice %arg5[%dma_wait3A_716] : memref<6400xi32, #tpu.memory_space<vmem>> -> memref<128xi32, #tpu.memory_space<vmem>>
    %dma_wait3A_718 = arith.constant 0 : i32
    %dma_wait3A_719 = arith.constant 0 : i32
    %dma_wait3A_720 = tpu.memref_slice %arg2[%dma_wait3A_718, %dma_wait3A_719] : memref<1000000x128xf32, #tpu.memory_space<hbm>> -> memref<1000000x128xf32, #tpu.memory_space<hbm>>
    tpu.wait_indirect_dma semaphore(%arg8 : memref<!tpu.dma_semaphore, #tpu.memory_space<semaphore_mem>>) src(%dma_wait3A_720 : memref<1000000x128xf32, #tpu.memory_space<hbm>>) dst(%dma_wait3A_715 : memref<128x128xf32, #tpu.memory_space<vmem>>)
    %add3A_721 = arith.constant 4096 : i32
    %add3A_722 = arith.addi %mul3A_2, %add3A_721 : i32
    %dma_start3A_723 = arith.constant 0 : i32
    %dma_start3A_724 = tpu.memref_slice %arg4[%add3A_722, %dma_start3A_723] : memref<204800x128xf32, #tpu.memory_space<hbm>> -> memref<256x128xf32, #tpu.memory_space<hbm>>
    %dma_start3A_725 = arith.constant 0 : i32
    %dma_start3A_726 = tpu.memref_slice %arg4[%add3A_722, %dma_start3A_725] : memref<204800x128xf32, #tpu.memory_space<hbm>> -> memref<256x128xf32, #tpu.memory_space<hbm>>
    tpu.enqueue_dma source(%arg6 : memref<256x128xf32, #tpu.memory_space<vmem>>) target(%dma_start3A_726 : memref<256x128xf32, #tpu.memory_space<hbm>>) target_semaphore(%arg10 : memref<!tpu.dma_semaphore, #tpu.memory_space<semaphore_mem>>)
    %dma_wait3A_727 = arith.constant 0 : i32
    %dma_wait3A_728 = tpu.memref_slice %arg4[%add3A_722, %dma_wait3A_727] : memref<204800x128xf32, #tpu.memory_space<hbm>> -> memref<256x128xf32, #tpu.memory_space<hbm>>
    %dma_wait3A_729 = arith.constant 0 : i32
    %dma_wait3A_730 = tpu.memref_slice %arg4[%add3A_722, %dma_wait3A_729] : memref<204800x128xf32, #tpu.memory_space<hbm>> -> memref<256x128xf32, #tpu.memory_space<hbm>>
    tpu.wait_dma2 semaphore(%arg10 : memref<!tpu.dma_semaphore, #tpu.memory_space<semaphore_mem>>) src(%arg6 : memref<256x128xf32, #tpu.memory_space<vmem>>) dst(%dma_wait3A_730 : memref<256x128xf32, #tpu.memory_space<hbm>>)
    %dma_start3A_731 = arith.constant 0 : i32
    %dma_start3A_732 = arith.constant 0 : i32
    %dma_start3A_733 = tpu.memref_slice %arg6[%dma_start3A_731, %dma_start3A_732] : memref<256x128xf32, #tpu.memory_space<vmem>> -> memref<128x128xf32, #tpu.memory_space<vmem>>
    %dma_start3A_734 = arith.constant 4608 : i32
    %dma_start3A_735 = tpu.memref_slice %arg5[%dma_start3A_734] : memref<6400xi32, #tpu.memory_space<vmem>> -> memref<128xi32, #tpu.memory_space<vmem>>
    %dma_start3A_736 = arith.constant 0 : i32
    %dma_start3A_737 = arith.constant 0 : i32
    %dma_start3A_738 = tpu.memref_slice %arg2[%dma_start3A_736, %dma_start3A_737] : memref<1000000x128xf32, #tpu.memory_space<hbm>> -> memref<1000000x128xf32, #tpu.memory_space<hbm>>
    tpu.enqueue_indirect_dma source(%dma_start3A_738 : memref<1000000x128xf32, #tpu.memory_space<hbm>>) target(%dma_start3A_733 : memref<128x128xf32, #tpu.memory_space<vmem>>) offsets(%dma_start3A_735 : memref<128xi32, #tpu.memory_space<vmem>>) semaphore(%arg8 : memref<!tpu.dma_semaphore, #tpu.memory_space<semaphore_mem>>)
    %dma_start3A_739 = arith.constant 128 : i32
    %dma_start3A_740 = arith.constant 0 : i32
    %dma_start3A_741 = tpu.memref_slice %arg6[%dma_start3A_739, %dma_start3A_740] : memref<256x128xf32, #tpu.memory_space<vmem>> -> memref<128x128xf32, #tpu.memory_space<vmem>>
    %dma_start3A_742 = arith.constant 4736 : i32
    %dma_start3A_743 = tpu.memref_slice %arg5[%dma_start3A_742] : memref<6400xi32, #tpu.memory_space<vmem>> -> memref<128xi32, #tpu.memory_space<vmem>>
    %dma_start3A_744 = arith.constant 0 : i32
    %dma_start3A_745 = arith.constant 0 : i32
    %dma_start3A_746 = tpu.memref_slice %arg2[%dma_start3A_744, %dma_start3A_745] : memref<1000000x128xf32, #tpu.memory_space<hbm>> -> memref<1000000x128xf32, #tpu.memory_space<hbm>>
    tpu.enqueue_indirect_dma source(%dma_start3A_746 : memref<1000000x128xf32, #tpu.memory_space<hbm>>) target(%dma_start3A_741 : memref<128x128xf32, #tpu.memory_space<vmem>>) offsets(%dma_start3A_743 : memref<128xi32, #tpu.memory_space<vmem>>) semaphore(%arg8 : memref<!tpu.dma_semaphore, #tpu.memory_space<semaphore_mem>>)
    %dma_wait3A_747 = arith.constant 0 : i32
    %dma_wait3A_748 = arith.constant 0 : i32
    %dma_wait3A_749 = tpu.memref_slice %arg7[%dma_wait3A_747, %dma_wait3A_748] : memref<256x128xf32, #tpu.memory_space<vmem>> -> memref<128x128xf32, #tpu.memory_space<vmem>>
    %dma_wait3A_750 = arith.constant 4352 : i32
    %dma_wait3A_751 = tpu.memref_slice %arg5[%dma_wait3A_750] : memref<6400xi32, #tpu.memory_space<vmem>> -> memref<128xi32, #tpu.memory_space<vmem>>
    %dma_wait3A_752 = arith.constant 0 : i32
    %dma_wait3A_753 = arith.constant 0 : i32
    %dma_wait3A_754 = tpu.memref_slice %arg2[%dma_wait3A_752, %dma_wait3A_753] : memref<1000000x128xf32, #tpu.memory_space<hbm>> -> memref<1000000x128xf32, #tpu.memory_space<hbm>>
    tpu.wait_indirect_dma semaphore(%arg9 : memref<!tpu.dma_semaphore, #tpu.memory_space<semaphore_mem>>) src(%dma_wait3A_754 : memref<1000000x128xf32, #tpu.memory_space<hbm>>) dst(%dma_wait3A_749 : memref<128x128xf32, #tpu.memory_space<vmem>>)
    %dma_wait3A_755 = arith.constant 128 : i32
    %dma_wait3A_756 = arith.constant 0 : i32
    %dma_wait3A_757 = tpu.memref_slice %arg7[%dma_wait3A_755, %dma_wait3A_756] : memref<256x128xf32, #tpu.memory_space<vmem>> -> memref<128x128xf32, #tpu.memory_space<vmem>>
    %dma_wait3A_758 = arith.constant 4480 : i32
    %dma_wait3A_759 = tpu.memref_slice %arg5[%dma_wait3A_758] : memref<6400xi32, #tpu.memory_space<vmem>> -> memref<128xi32, #tpu.memory_space<vmem>>
    %dma_wait3A_760 = arith.constant 0 : i32
    %dma_wait3A_761 = arith.constant 0 : i32
    %dma_wait3A_762 = tpu.memref_slice %arg2[%dma_wait3A_760, %dma_wait3A_761] : memref<1000000x128xf32, #tpu.memory_space<hbm>> -> memref<1000000x128xf32, #tpu.memory_space<hbm>>
    tpu.wait_indirect_dma semaphore(%arg9 : memref<!tpu.dma_semaphore, #tpu.memory_space<semaphore_mem>>) src(%dma_wait3A_762 : memref<1000000x128xf32, #tpu.memory_space<hbm>>) dst(%dma_wait3A_757 : memref<128x128xf32, #tpu.memory_space<vmem>>)
    %add3A_763 = arith.constant 4352 : i32
    %add3A_764 = arith.addi %mul3A_2, %add3A_763 : i32
    %dma_start3A_765 = arith.constant 0 : i32
    %dma_start3A_766 = tpu.memref_slice %arg4[%add3A_764, %dma_start3A_765] : memref<204800x128xf32, #tpu.memory_space<hbm>> -> memref<256x128xf32, #tpu.memory_space<hbm>>
    %dma_start3A_767 = arith.constant 0 : i32
    %dma_start3A_768 = tpu.memref_slice %arg4[%add3A_764, %dma_start3A_767] : memref<204800x128xf32, #tpu.memory_space<hbm>> -> memref<256x128xf32, #tpu.memory_space<hbm>>
    tpu.enqueue_dma source(%arg7 : memref<256x128xf32, #tpu.memory_space<vmem>>) target(%dma_start3A_768 : memref<256x128xf32, #tpu.memory_space<hbm>>) target_semaphore(%arg11 : memref<!tpu.dma_semaphore, #tpu.memory_space<semaphore_mem>>)
    %dma_wait3A_769 = arith.constant 0 : i32
    %dma_wait3A_770 = tpu.memref_slice %arg4[%add3A_764, %dma_wait3A_769] : memref<204800x128xf32, #tpu.memory_space<hbm>> -> memref<256x128xf32, #tpu.memory_space<hbm>>
    %dma_wait3A_771 = arith.constant 0 : i32
    %dma_wait3A_772 = tpu.memref_slice %arg4[%add3A_764, %dma_wait3A_771] : memref<204800x128xf32, #tpu.memory_space<hbm>> -> memref<256x128xf32, #tpu.memory_space<hbm>>
    tpu.wait_dma2 semaphore(%arg11 : memref<!tpu.dma_semaphore, #tpu.memory_space<semaphore_mem>>) src(%arg7 : memref<256x128xf32, #tpu.memory_space<vmem>>) dst(%dma_wait3A_772 : memref<256x128xf32, #tpu.memory_space<hbm>>)
    %dma_start3A_773 = arith.constant 0 : i32
    %dma_start3A_774 = arith.constant 0 : i32
    %dma_start3A_775 = tpu.memref_slice %arg7[%dma_start3A_773, %dma_start3A_774] : memref<256x128xf32, #tpu.memory_space<vmem>> -> memref<128x128xf32, #tpu.memory_space<vmem>>
    %dma_start3A_776 = arith.constant 4864 : i32
    %dma_start3A_777 = tpu.memref_slice %arg5[%dma_start3A_776] : memref<6400xi32, #tpu.memory_space<vmem>> -> memref<128xi32, #tpu.memory_space<vmem>>
    %dma_start3A_778 = arith.constant 0 : i32
    %dma_start3A_779 = arith.constant 0 : i32
    %dma_start3A_780 = tpu.memref_slice %arg2[%dma_start3A_778, %dma_start3A_779] : memref<1000000x128xf32, #tpu.memory_space<hbm>> -> memref<1000000x128xf32, #tpu.memory_space<hbm>>
    tpu.enqueue_indirect_dma source(%dma_start3A_780 : memref<1000000x128xf32, #tpu.memory_space<hbm>>) target(%dma_start3A_775 : memref<128x128xf32, #tpu.memory_space<vmem>>) offsets(%dma_start3A_777 : memref<128xi32, #tpu.memory_space<vmem>>) semaphore(%arg9 : memref<!tpu.dma_semaphore, #tpu.memory_space<semaphore_mem>>)
    %dma_start3A_781 = arith.constant 128 : i32
    %dma_start3A_782 = arith.constant 0 : i32
    %dma_start3A_783 = tpu.memref_slice %arg7[%dma_start3A_781, %dma_start3A_782] : memref<256x128xf32, #tpu.memory_space<vmem>> -> memref<128x128xf32, #tpu.memory_space<vmem>>
    %dma_start3A_784 = arith.constant 4992 : i32
    %dma_start3A_785 = tpu.memref_slice %arg5[%dma_start3A_784] : memref<6400xi32, #tpu.memory_space<vmem>> -> memref<128xi32, #tpu.memory_space<vmem>>
    %dma_start3A_786 = arith.constant 0 : i32
    %dma_start3A_787 = arith.constant 0 : i32
    %dma_start3A_788 = tpu.memref_slice %arg2[%dma_start3A_786, %dma_start3A_787] : memref<1000000x128xf32, #tpu.memory_space<hbm>> -> memref<1000000x128xf32, #tpu.memory_space<hbm>>
    tpu.enqueue_indirect_dma source(%dma_start3A_788 : memref<1000000x128xf32, #tpu.memory_space<hbm>>) target(%dma_start3A_783 : memref<128x128xf32, #tpu.memory_space<vmem>>) offsets(%dma_start3A_785 : memref<128xi32, #tpu.memory_space<vmem>>) semaphore(%arg9 : memref<!tpu.dma_semaphore, #tpu.memory_space<semaphore_mem>>)
    %dma_wait3A_789 = arith.constant 0 : i32
    %dma_wait3A_790 = arith.constant 0 : i32
    %dma_wait3A_791 = tpu.memref_slice %arg6[%dma_wait3A_789, %dma_wait3A_790] : memref<256x128xf32, #tpu.memory_space<vmem>> -> memref<128x128xf32, #tpu.memory_space<vmem>>
    %dma_wait3A_792 = arith.constant 4608 : i32
    %dma_wait3A_793 = tpu.memref_slice %arg5[%dma_wait3A_792] : memref<6400xi32, #tpu.memory_space<vmem>> -> memref<128xi32, #tpu.memory_space<vmem>>
    %dma_wait3A_794 = arith.constant 0 : i32
    %dma_wait3A_795 = arith.constant 0 : i32
    %dma_wait3A_796 = tpu.memref_slice %arg2[%dma_wait3A_794, %dma_wait3A_795] : memref<1000000x128xf32, #tpu.memory_space<hbm>> -> memref<1000000x128xf32, #tpu.memory_space<hbm>>
    tpu.wait_indirect_dma semaphore(%arg8 : memref<!tpu.dma_semaphore, #tpu.memory_space<semaphore_mem>>) src(%dma_wait3A_796 : memref<1000000x128xf32, #tpu.memory_space<hbm>>) dst(%dma_wait3A_791 : memref<128x128xf32, #tpu.memory_space<vmem>>)
    %dma_wait3A_797 = arith.constant 128 : i32
    %dma_wait3A_798 = arith.constant 0 : i32
    %dma_wait3A_799 = tpu.memref_slice %arg6[%dma_wait3A_797, %dma_wait3A_798] : memref<256x128xf32, #tpu.memory_space<vmem>> -> memref<128x128xf32, #tpu.memory_space<vmem>>
    %dma_wait3A_800 = arith.constant 4736 : i32
    %dma_wait3A_801 = tpu.memref_slice %arg5[%dma_wait3A_800] : memref<6400xi32, #tpu.memory_space<vmem>> -> memref<128xi32, #tpu.memory_space<vmem>>
    %dma_wait3A_802 = arith.constant 0 : i32
    %dma_wait3A_803 = arith.constant 0 : i32
    %dma_wait3A_804 = tpu.memref_slice %arg2[%dma_wait3A_802, %dma_wait3A_803] : memref<1000000x128xf32, #tpu.memory_space<hbm>> -> memref<1000000x128xf32, #tpu.memory_space<hbm>>
    tpu.wait_indirect_dma semaphore(%arg8 : memref<!tpu.dma_semaphore, #tpu.memory_space<semaphore_mem>>) src(%dma_wait3A_804 : memref<1000000x128xf32, #tpu.memory_space<hbm>>) dst(%dma_wait3A_799 : memref<128x128xf32, #tpu.memory_space<vmem>>)
    %add3A_805 = arith.constant 4608 : i32
    %add3A_806 = arith.addi %mul3A_2, %add3A_805 : i32
    %dma_start3A_807 = arith.constant 0 : i32
    %dma_start3A_808 = tpu.memref_slice %arg4[%add3A_806, %dma_start3A_807] : memref<204800x128xf32, #tpu.memory_space<hbm>> -> memref<256x128xf32, #tpu.memory_space<hbm>>
    %dma_start3A_809 = arith.constant 0 : i32
    %dma_start3A_810 = tpu.memref_slice %arg4[%add3A_806, %dma_start3A_809] : memref<204800x128xf32, #tpu.memory_space<hbm>> -> memref<256x128xf32, #tpu.memory_space<hbm>>
    tpu.enqueue_dma source(%arg6 : memref<256x128xf32, #tpu.memory_space<vmem>>) target(%dma_start3A_810 : memref<256x128xf32, #tpu.memory_space<hbm>>) target_semaphore(%arg10 : memref<!tpu.dma_semaphore, #tpu.memory_space<semaphore_mem>>)
    %dma_wait3A_811 = arith.constant 0 : i32
    %dma_wait3A_812 = tpu.memref_slice %arg4[%add3A_806, %dma_wait3A_811] : memref<204800x128xf32, #tpu.memory_space<hbm>> -> memref<256x128xf32, #tpu.memory_space<hbm>>
    %dma_wait3A_813 = arith.constant 0 : i32
    %dma_wait3A_814 = tpu.memref_slice %arg4[%add3A_806, %dma_wait3A_813] : memref<204800x128xf32, #tpu.memory_space<hbm>> -> memref<256x128xf32, #tpu.memory_space<hbm>>
    tpu.wait_dma2 semaphore(%arg10 : memref<!tpu.dma_semaphore, #tpu.memory_space<semaphore_mem>>) src(%arg6 : memref<256x128xf32, #tpu.memory_space<vmem>>) dst(%dma_wait3A_814 : memref<256x128xf32, #tpu.memory_space<hbm>>)
    %dma_start3A_815 = arith.constant 0 : i32
    %dma_start3A_816 = arith.constant 0 : i32
    %dma_start3A_817 = tpu.memref_slice %arg6[%dma_start3A_815, %dma_start3A_816] : memref<256x128xf32, #tpu.memory_space<vmem>> -> memref<128x128xf32, #tpu.memory_space<vmem>>
    %dma_start3A_818 = arith.constant 5120 : i32
    %dma_start3A_819 = tpu.memref_slice %arg5[%dma_start3A_818] : memref<6400xi32, #tpu.memory_space<vmem>> -> memref<128xi32, #tpu.memory_space<vmem>>
    %dma_start3A_820 = arith.constant 0 : i32
    %dma_start3A_821 = arith.constant 0 : i32
    %dma_start3A_822 = tpu.memref_slice %arg2[%dma_start3A_820, %dma_start3A_821] : memref<1000000x128xf32, #tpu.memory_space<hbm>> -> memref<1000000x128xf32, #tpu.memory_space<hbm>>
    tpu.enqueue_indirect_dma source(%dma_start3A_822 : memref<1000000x128xf32, #tpu.memory_space<hbm>>) target(%dma_start3A_817 : memref<128x128xf32, #tpu.memory_space<vmem>>) offsets(%dma_start3A_819 : memref<128xi32, #tpu.memory_space<vmem>>) semaphore(%arg8 : memref<!tpu.dma_semaphore, #tpu.memory_space<semaphore_mem>>)
    %dma_start3A_823 = arith.constant 128 : i32
    %dma_start3A_824 = arith.constant 0 : i32
    %dma_start3A_825 = tpu.memref_slice %arg6[%dma_start3A_823, %dma_start3A_824] : memref<256x128xf32, #tpu.memory_space<vmem>> -> memref<128x128xf32, #tpu.memory_space<vmem>>
    %dma_start3A_826 = arith.constant 5248 : i32
    %dma_start3A_827 = tpu.memref_slice %arg5[%dma_start3A_826] : memref<6400xi32, #tpu.memory_space<vmem>> -> memref<128xi32, #tpu.memory_space<vmem>>
    %dma_start3A_828 = arith.constant 0 : i32
    %dma_start3A_829 = arith.constant 0 : i32
    %dma_start3A_830 = tpu.memref_slice %arg2[%dma_start3A_828, %dma_start3A_829] : memref<1000000x128xf32, #tpu.memory_space<hbm>> -> memref<1000000x128xf32, #tpu.memory_space<hbm>>
    tpu.enqueue_indirect_dma source(%dma_start3A_830 : memref<1000000x128xf32, #tpu.memory_space<hbm>>) target(%dma_start3A_825 : memref<128x128xf32, #tpu.memory_space<vmem>>) offsets(%dma_start3A_827 : memref<128xi32, #tpu.memory_space<vmem>>) semaphore(%arg8 : memref<!tpu.dma_semaphore, #tpu.memory_space<semaphore_mem>>)
    %dma_wait3A_831 = arith.constant 0 : i32
    %dma_wait3A_832 = arith.constant 0 : i32
    %dma_wait3A_833 = tpu.memref_slice %arg7[%dma_wait3A_831, %dma_wait3A_832] : memref<256x128xf32, #tpu.memory_space<vmem>> -> memref<128x128xf32, #tpu.memory_space<vmem>>
    %dma_wait3A_834 = arith.constant 4864 : i32
    %dma_wait3A_835 = tpu.memref_slice %arg5[%dma_wait3A_834] : memref<6400xi32, #tpu.memory_space<vmem>> -> memref<128xi32, #tpu.memory_space<vmem>>
    %dma_wait3A_836 = arith.constant 0 : i32
    %dma_wait3A_837 = arith.constant 0 : i32
    %dma_wait3A_838 = tpu.memref_slice %arg2[%dma_wait3A_836, %dma_wait3A_837] : memref<1000000x128xf32, #tpu.memory_space<hbm>> -> memref<1000000x128xf32, #tpu.memory_space<hbm>>
    tpu.wait_indirect_dma semaphore(%arg9 : memref<!tpu.dma_semaphore, #tpu.memory_space<semaphore_mem>>) src(%dma_wait3A_838 : memref<1000000x128xf32, #tpu.memory_space<hbm>>) dst(%dma_wait3A_833 : memref<128x128xf32, #tpu.memory_space<vmem>>)
    %dma_wait3A_839 = arith.constant 128 : i32
    %dma_wait3A_840 = arith.constant 0 : i32
    %dma_wait3A_841 = tpu.memref_slice %arg7[%dma_wait3A_839, %dma_wait3A_840] : memref<256x128xf32, #tpu.memory_space<vmem>> -> memref<128x128xf32, #tpu.memory_space<vmem>>
    %dma_wait3A_842 = arith.constant 4992 : i32
    %dma_wait3A_843 = tpu.memref_slice %arg5[%dma_wait3A_842] : memref<6400xi32, #tpu.memory_space<vmem>> -> memref<128xi32, #tpu.memory_space<vmem>>
    %dma_wait3A_844 = arith.constant 0 : i32
    %dma_wait3A_845 = arith.constant 0 : i32
    %dma_wait3A_846 = tpu.memref_slice %arg2[%dma_wait3A_844, %dma_wait3A_845] : memref<1000000x128xf32, #tpu.memory_space<hbm>> -> memref<1000000x128xf32, #tpu.memory_space<hbm>>
    tpu.wait_indirect_dma semaphore(%arg9 : memref<!tpu.dma_semaphore, #tpu.memory_space<semaphore_mem>>) src(%dma_wait3A_846 : memref<1000000x128xf32, #tpu.memory_space<hbm>>) dst(%dma_wait3A_841 : memref<128x128xf32, #tpu.memory_space<vmem>>)
    %add3A_847 = arith.constant 4864 : i32
    %add3A_848 = arith.addi %mul3A_2, %add3A_847 : i32
    %dma_start3A_849 = arith.constant 0 : i32
    %dma_start3A_850 = tpu.memref_slice %arg4[%add3A_848, %dma_start3A_849] : memref<204800x128xf32, #tpu.memory_space<hbm>> -> memref<256x128xf32, #tpu.memory_space<hbm>>
    %dma_start3A_851 = arith.constant 0 : i32
    %dma_start3A_852 = tpu.memref_slice %arg4[%add3A_848, %dma_start3A_851] : memref<204800x128xf32, #tpu.memory_space<hbm>> -> memref<256x128xf32, #tpu.memory_space<hbm>>
    tpu.enqueue_dma source(%arg7 : memref<256x128xf32, #tpu.memory_space<vmem>>) target(%dma_start3A_852 : memref<256x128xf32, #tpu.memory_space<hbm>>) target_semaphore(%arg11 : memref<!tpu.dma_semaphore, #tpu.memory_space<semaphore_mem>>)
    %dma_wait3A_853 = arith.constant 0 : i32
    %dma_wait3A_854 = tpu.memref_slice %arg4[%add3A_848, %dma_wait3A_853] : memref<204800x128xf32, #tpu.memory_space<hbm>> -> memref<256x128xf32, #tpu.memory_space<hbm>>
    %dma_wait3A_855 = arith.constant 0 : i32
    %dma_wait3A_856 = tpu.memref_slice %arg4[%add3A_848, %dma_wait3A_855] : memref<204800x128xf32, #tpu.memory_space<hbm>> -> memref<256x128xf32, #tpu.memory_space<hbm>>
    tpu.wait_dma2 semaphore(%arg11 : memref<!tpu.dma_semaphore, #tpu.memory_space<semaphore_mem>>) src(%arg7 : memref<256x128xf32, #tpu.memory_space<vmem>>) dst(%dma_wait3A_856 : memref<256x128xf32, #tpu.memory_space<hbm>>)
    %dma_start3A_857 = arith.constant 0 : i32
    %dma_start3A_858 = arith.constant 0 : i32
    %dma_start3A_859 = tpu.memref_slice %arg7[%dma_start3A_857, %dma_start3A_858] : memref<256x128xf32, #tpu.memory_space<vmem>> -> memref<128x128xf32, #tpu.memory_space<vmem>>
    %dma_start3A_860 = arith.constant 5376 : i32
    %dma_start3A_861 = tpu.memref_slice %arg5[%dma_start3A_860] : memref<6400xi32, #tpu.memory_space<vmem>> -> memref<128xi32, #tpu.memory_space<vmem>>
    %dma_start3A_862 = arith.constant 0 : i32
    %dma_start3A_863 = arith.constant 0 : i32
    %dma_start3A_864 = tpu.memref_slice %arg2[%dma_start3A_862, %dma_start3A_863] : memref<1000000x128xf32, #tpu.memory_space<hbm>> -> memref<1000000x128xf32, #tpu.memory_space<hbm>>
    tpu.enqueue_indirect_dma source(%dma_start3A_864 : memref<1000000x128xf32, #tpu.memory_space<hbm>>) target(%dma_start3A_859 : memref<128x128xf32, #tpu.memory_space<vmem>>) offsets(%dma_start3A_861 : memref<128xi32, #tpu.memory_space<vmem>>) semaphore(%arg9 : memref<!tpu.dma_semaphore, #tpu.memory_space<semaphore_mem>>)
    %dma_start3A_865 = arith.constant 128 : i32
    %dma_start3A_866 = arith.constant 0 : i32
    %dma_start3A_867 = tpu.memref_slice %arg7[%dma_start3A_865, %dma_start3A_866] : memref<256x128xf32, #tpu.memory_space<vmem>> -> memref<128x128xf32, #tpu.memory_space<vmem>>
    %dma_start3A_868 = arith.constant 5504 : i32
    %dma_start3A_869 = tpu.memref_slice %arg5[%dma_start3A_868] : memref<6400xi32, #tpu.memory_space<vmem>> -> memref<128xi32, #tpu.memory_space<vmem>>
    %dma_start3A_870 = arith.constant 0 : i32
    %dma_start3A_871 = arith.constant 0 : i32
    %dma_start3A_872 = tpu.memref_slice %arg2[%dma_start3A_870, %dma_start3A_871] : memref<1000000x128xf32, #tpu.memory_space<hbm>> -> memref<1000000x128xf32, #tpu.memory_space<hbm>>
    tpu.enqueue_indirect_dma source(%dma_start3A_872 : memref<1000000x128xf32, #tpu.memory_space<hbm>>) target(%dma_start3A_867 : memref<128x128xf32, #tpu.memory_space<vmem>>) offsets(%dma_start3A_869 : memref<128xi32, #tpu.memory_space<vmem>>) semaphore(%arg9 : memref<!tpu.dma_semaphore, #tpu.memory_space<semaphore_mem>>)
    %dma_wait3A_873 = arith.constant 0 : i32
    %dma_wait3A_874 = arith.constant 0 : i32
    %dma_wait3A_875 = tpu.memref_slice %arg6[%dma_wait3A_873, %dma_wait3A_874] : memref<256x128xf32, #tpu.memory_space<vmem>> -> memref<128x128xf32, #tpu.memory_space<vmem>>
    %dma_wait3A_876 = arith.constant 5120 : i32
    %dma_wait3A_877 = tpu.memref_slice %arg5[%dma_wait3A_876] : memref<6400xi32, #tpu.memory_space<vmem>> -> memref<128xi32, #tpu.memory_space<vmem>>
    %dma_wait3A_878 = arith.constant 0 : i32
    %dma_wait3A_879 = arith.constant 0 : i32
    %dma_wait3A_880 = tpu.memref_slice %arg2[%dma_wait3A_878, %dma_wait3A_879] : memref<1000000x128xf32, #tpu.memory_space<hbm>> -> memref<1000000x128xf32, #tpu.memory_space<hbm>>
    tpu.wait_indirect_dma semaphore(%arg8 : memref<!tpu.dma_semaphore, #tpu.memory_space<semaphore_mem>>) src(%dma_wait3A_880 : memref<1000000x128xf32, #tpu.memory_space<hbm>>) dst(%dma_wait3A_875 : memref<128x128xf32, #tpu.memory_space<vmem>>)
    %dma_wait3A_881 = arith.constant 128 : i32
    %dma_wait3A_882 = arith.constant 0 : i32
    %dma_wait3A_883 = tpu.memref_slice %arg6[%dma_wait3A_881, %dma_wait3A_882] : memref<256x128xf32, #tpu.memory_space<vmem>> -> memref<128x128xf32, #tpu.memory_space<vmem>>
    %dma_wait3A_884 = arith.constant 5248 : i32
    %dma_wait3A_885 = tpu.memref_slice %arg5[%dma_wait3A_884] : memref<6400xi32, #tpu.memory_space<vmem>> -> memref<128xi32, #tpu.memory_space<vmem>>
    %dma_wait3A_886 = arith.constant 0 : i32
    %dma_wait3A_887 = arith.constant 0 : i32
    %dma_wait3A_888 = tpu.memref_slice %arg2[%dma_wait3A_886, %dma_wait3A_887] : memref<1000000x128xf32, #tpu.memory_space<hbm>> -> memref<1000000x128xf32, #tpu.memory_space<hbm>>
    tpu.wait_indirect_dma semaphore(%arg8 : memref<!tpu.dma_semaphore, #tpu.memory_space<semaphore_mem>>) src(%dma_wait3A_888 : memref<1000000x128xf32, #tpu.memory_space<hbm>>) dst(%dma_wait3A_883 : memref<128x128xf32, #tpu.memory_space<vmem>>)
    %add3A_889 = arith.constant 5120 : i32
    %add3A_890 = arith.addi %mul3A_2, %add3A_889 : i32
    %dma_start3A_891 = arith.constant 0 : i32
    %dma_start3A_892 = tpu.memref_slice %arg4[%add3A_890, %dma_start3A_891] : memref<204800x128xf32, #tpu.memory_space<hbm>> -> memref<256x128xf32, #tpu.memory_space<hbm>>
    %dma_start3A_893 = arith.constant 0 : i32
    %dma_start3A_894 = tpu.memref_slice %arg4[%add3A_890, %dma_start3A_893] : memref<204800x128xf32, #tpu.memory_space<hbm>> -> memref<256x128xf32, #tpu.memory_space<hbm>>
    tpu.enqueue_dma source(%arg6 : memref<256x128xf32, #tpu.memory_space<vmem>>) target(%dma_start3A_894 : memref<256x128xf32, #tpu.memory_space<hbm>>) target_semaphore(%arg10 : memref<!tpu.dma_semaphore, #tpu.memory_space<semaphore_mem>>)
    %dma_wait3A_895 = arith.constant 0 : i32
    %dma_wait3A_896 = tpu.memref_slice %arg4[%add3A_890, %dma_wait3A_895] : memref<204800x128xf32, #tpu.memory_space<hbm>> -> memref<256x128xf32, #tpu.memory_space<hbm>>
    %dma_wait3A_897 = arith.constant 0 : i32
    %dma_wait3A_898 = tpu.memref_slice %arg4[%add3A_890, %dma_wait3A_897] : memref<204800x128xf32, #tpu.memory_space<hbm>> -> memref<256x128xf32, #tpu.memory_space<hbm>>
    tpu.wait_dma2 semaphore(%arg10 : memref<!tpu.dma_semaphore, #tpu.memory_space<semaphore_mem>>) src(%arg6 : memref<256x128xf32, #tpu.memory_space<vmem>>) dst(%dma_wait3A_898 : memref<256x128xf32, #tpu.memory_space<hbm>>)
    %dma_start3A_899 = arith.constant 0 : i32
    %dma_start3A_900 = arith.constant 0 : i32
    %dma_start3A_901 = tpu.memref_slice %arg6[%dma_start3A_899, %dma_start3A_900] : memref<256x128xf32, #tpu.memory_space<vmem>> -> memref<128x128xf32, #tpu.memory_space<vmem>>
    %dma_start3A_902 = arith.constant 5632 : i32
    %dma_start3A_903 = tpu.memref_slice %arg5[%dma_start3A_902] : memref<6400xi32, #tpu.memory_space<vmem>> -> memref<128xi32, #tpu.memory_space<vmem>>
    %dma_start3A_904 = arith.constant 0 : i32
    %dma_start3A_905 = arith.constant 0 : i32
    %dma_start3A_906 = tpu.memref_slice %arg2[%dma_start3A_904, %dma_start3A_905] : memref<1000000x128xf32, #tpu.memory_space<hbm>> -> memref<1000000x128xf32, #tpu.memory_space<hbm>>
    tpu.enqueue_indirect_dma source(%dma_start3A_906 : memref<1000000x128xf32, #tpu.memory_space<hbm>>) target(%dma_start3A_901 : memref<128x128xf32, #tpu.memory_space<vmem>>) offsets(%dma_start3A_903 : memref<128xi32, #tpu.memory_space<vmem>>) semaphore(%arg8 : memref<!tpu.dma_semaphore, #tpu.memory_space<semaphore_mem>>)
    %dma_start3A_907 = arith.constant 128 : i32
    %dma_start3A_908 = arith.constant 0 : i32
    %dma_start3A_909 = tpu.memref_slice %arg6[%dma_start3A_907, %dma_start3A_908] : memref<256x128xf32, #tpu.memory_space<vmem>> -> memref<128x128xf32, #tpu.memory_space<vmem>>
    %dma_start3A_910 = arith.constant 5760 : i32
    %dma_start3A_911 = tpu.memref_slice %arg5[%dma_start3A_910] : memref<6400xi32, #tpu.memory_space<vmem>> -> memref<128xi32, #tpu.memory_space<vmem>>
    %dma_start3A_912 = arith.constant 0 : i32
    %dma_start3A_913 = arith.constant 0 : i32
    %dma_start3A_914 = tpu.memref_slice %arg2[%dma_start3A_912, %dma_start3A_913] : memref<1000000x128xf32, #tpu.memory_space<hbm>> -> memref<1000000x128xf32, #tpu.memory_space<hbm>>
    tpu.enqueue_indirect_dma source(%dma_start3A_914 : memref<1000000x128xf32, #tpu.memory_space<hbm>>) target(%dma_start3A_909 : memref<128x128xf32, #tpu.memory_space<vmem>>) offsets(%dma_start3A_911 : memref<128xi32, #tpu.memory_space<vmem>>) semaphore(%arg8 : memref<!tpu.dma_semaphore, #tpu.memory_space<semaphore_mem>>)
    %dma_wait3A_915 = arith.constant 0 : i32
    %dma_wait3A_916 = arith.constant 0 : i32
    %dma_wait3A_917 = tpu.memref_slice %arg7[%dma_wait3A_915, %dma_wait3A_916] : memref<256x128xf32, #tpu.memory_space<vmem>> -> memref<128x128xf32, #tpu.memory_space<vmem>>
    %dma_wait3A_918 = arith.constant 5376 : i32
    %dma_wait3A_919 = tpu.memref_slice %arg5[%dma_wait3A_918] : memref<6400xi32, #tpu.memory_space<vmem>> -> memref<128xi32, #tpu.memory_space<vmem>>
    %dma_wait3A_920 = arith.constant 0 : i32
    %dma_wait3A_921 = arith.constant 0 : i32
    %dma_wait3A_922 = tpu.memref_slice %arg2[%dma_wait3A_920, %dma_wait3A_921] : memref<1000000x128xf32, #tpu.memory_space<hbm>> -> memref<1000000x128xf32, #tpu.memory_space<hbm>>
    tpu.wait_indirect_dma semaphore(%arg9 : memref<!tpu.dma_semaphore, #tpu.memory_space<semaphore_mem>>) src(%dma_wait3A_922 : memref<1000000x128xf32, #tpu.memory_space<hbm>>) dst(%dma_wait3A_917 : memref<128x128xf32, #tpu.memory_space<vmem>>)
    %dma_wait3A_923 = arith.constant 128 : i32
    %dma_wait3A_924 = arith.constant 0 : i32
    %dma_wait3A_925 = tpu.memref_slice %arg7[%dma_wait3A_923, %dma_wait3A_924] : memref<256x128xf32, #tpu.memory_space<vmem>> -> memref<128x128xf32, #tpu.memory_space<vmem>>
    %dma_wait3A_926 = arith.constant 5504 : i32
    %dma_wait3A_927 = tpu.memref_slice %arg5[%dma_wait3A_926] : memref<6400xi32, #tpu.memory_space<vmem>> -> memref<128xi32, #tpu.memory_space<vmem>>
    %dma_wait3A_928 = arith.constant 0 : i32
    %dma_wait3A_929 = arith.constant 0 : i32
    %dma_wait3A_930 = tpu.memref_slice %arg2[%dma_wait3A_928, %dma_wait3A_929] : memref<1000000x128xf32, #tpu.memory_space<hbm>> -> memref<1000000x128xf32, #tpu.memory_space<hbm>>
    tpu.wait_indirect_dma semaphore(%arg9 : memref<!tpu.dma_semaphore, #tpu.memory_space<semaphore_mem>>) src(%dma_wait3A_930 : memref<1000000x128xf32, #tpu.memory_space<hbm>>) dst(%dma_wait3A_925 : memref<128x128xf32, #tpu.memory_space<vmem>>)
    %add3A_931 = arith.constant 5376 : i32
    %add3A_932 = arith.addi %mul3A_2, %add3A_931 : i32
    %dma_start3A_933 = arith.constant 0 : i32
    %dma_start3A_934 = tpu.memref_slice %arg4[%add3A_932, %dma_start3A_933] : memref<204800x128xf32, #tpu.memory_space<hbm>> -> memref<256x128xf32, #tpu.memory_space<hbm>>
    %dma_start3A_935 = arith.constant 0 : i32
    %dma_start3A_936 = tpu.memref_slice %arg4[%add3A_932, %dma_start3A_935] : memref<204800x128xf32, #tpu.memory_space<hbm>> -> memref<256x128xf32, #tpu.memory_space<hbm>>
    tpu.enqueue_dma source(%arg7 : memref<256x128xf32, #tpu.memory_space<vmem>>) target(%dma_start3A_936 : memref<256x128xf32, #tpu.memory_space<hbm>>) target_semaphore(%arg11 : memref<!tpu.dma_semaphore, #tpu.memory_space<semaphore_mem>>)
    %dma_wait3A_937 = arith.constant 0 : i32
    %dma_wait3A_938 = tpu.memref_slice %arg4[%add3A_932, %dma_wait3A_937] : memref<204800x128xf32, #tpu.memory_space<hbm>> -> memref<256x128xf32, #tpu.memory_space<hbm>>
    %dma_wait3A_939 = arith.constant 0 : i32
    %dma_wait3A_940 = tpu.memref_slice %arg4[%add3A_932, %dma_wait3A_939] : memref<204800x128xf32, #tpu.memory_space<hbm>> -> memref<256x128xf32, #tpu.memory_space<hbm>>
    tpu.wait_dma2 semaphore(%arg11 : memref<!tpu.dma_semaphore, #tpu.memory_space<semaphore_mem>>) src(%arg7 : memref<256x128xf32, #tpu.memory_space<vmem>>) dst(%dma_wait3A_940 : memref<256x128xf32, #tpu.memory_space<hbm>>)
    %dma_start3A_941 = arith.constant 0 : i32
    %dma_start3A_942 = arith.constant 0 : i32
    %dma_start3A_943 = tpu.memref_slice %arg7[%dma_start3A_941, %dma_start3A_942] : memref<256x128xf32, #tpu.memory_space<vmem>> -> memref<128x128xf32, #tpu.memory_space<vmem>>
    %dma_start3A_944 = arith.constant 5888 : i32
    %dma_start3A_945 = tpu.memref_slice %arg5[%dma_start3A_944] : memref<6400xi32, #tpu.memory_space<vmem>> -> memref<128xi32, #tpu.memory_space<vmem>>
    %dma_start3A_946 = arith.constant 0 : i32
    %dma_start3A_947 = arith.constant 0 : i32
    %dma_start3A_948 = tpu.memref_slice %arg2[%dma_start3A_946, %dma_start3A_947] : memref<1000000x128xf32, #tpu.memory_space<hbm>> -> memref<1000000x128xf32, #tpu.memory_space<hbm>>
    tpu.enqueue_indirect_dma source(%dma_start3A_948 : memref<1000000x128xf32, #tpu.memory_space<hbm>>) target(%dma_start3A_943 : memref<128x128xf32, #tpu.memory_space<vmem>>) offsets(%dma_start3A_945 : memref<128xi32, #tpu.memory_space<vmem>>) semaphore(%arg9 : memref<!tpu.dma_semaphore, #tpu.memory_space<semaphore_mem>>)
    %dma_start3A_949 = arith.constant 128 : i32
    %dma_start3A_950 = arith.constant 0 : i32
    %dma_start3A_951 = tpu.memref_slice %arg7[%dma_start3A_949, %dma_start3A_950] : memref<256x128xf32, #tpu.memory_space<vmem>> -> memref<128x128xf32, #tpu.memory_space<vmem>>
    %dma_start3A_952 = arith.constant 6016 : i32
    %dma_start3A_953 = tpu.memref_slice %arg5[%dma_start3A_952] : memref<6400xi32, #tpu.memory_space<vmem>> -> memref<128xi32, #tpu.memory_space<vmem>>
    %dma_start3A_954 = arith.constant 0 : i32
    %dma_start3A_955 = arith.constant 0 : i32
    %dma_start3A_956 = tpu.memref_slice %arg2[%dma_start3A_954, %dma_start3A_955] : memref<1000000x128xf32, #tpu.memory_space<hbm>> -> memref<1000000x128xf32, #tpu.memory_space<hbm>>
    tpu.enqueue_indirect_dma source(%dma_start3A_956 : memref<1000000x128xf32, #tpu.memory_space<hbm>>) target(%dma_start3A_951 : memref<128x128xf32, #tpu.memory_space<vmem>>) offsets(%dma_start3A_953 : memref<128xi32, #tpu.memory_space<vmem>>) semaphore(%arg9 : memref<!tpu.dma_semaphore, #tpu.memory_space<semaphore_mem>>)
    %dma_wait3A_957 = arith.constant 0 : i32
    %dma_wait3A_958 = arith.constant 0 : i32
    %dma_wait3A_959 = tpu.memref_slice %arg6[%dma_wait3A_957, %dma_wait3A_958] : memref<256x128xf32, #tpu.memory_space<vmem>> -> memref<128x128xf32, #tpu.memory_space<vmem>>
    %dma_wait3A_960 = arith.constant 5632 : i32
    %dma_wait3A_961 = tpu.memref_slice %arg5[%dma_wait3A_960] : memref<6400xi32, #tpu.memory_space<vmem>> -> memref<128xi32, #tpu.memory_space<vmem>>
    %dma_wait3A_962 = arith.constant 0 : i32
    %dma_wait3A_963 = arith.constant 0 : i32
    %dma_wait3A_964 = tpu.memref_slice %arg2[%dma_wait3A_962, %dma_wait3A_963] : memref<1000000x128xf32, #tpu.memory_space<hbm>> -> memref<1000000x128xf32, #tpu.memory_space<hbm>>
    tpu.wait_indirect_dma semaphore(%arg8 : memref<!tpu.dma_semaphore, #tpu.memory_space<semaphore_mem>>) src(%dma_wait3A_964 : memref<1000000x128xf32, #tpu.memory_space<hbm>>) dst(%dma_wait3A_959 : memref<128x128xf32, #tpu.memory_space<vmem>>)
    %dma_wait3A_965 = arith.constant 128 : i32
    %dma_wait3A_966 = arith.constant 0 : i32
    %dma_wait3A_967 = tpu.memref_slice %arg6[%dma_wait3A_965, %dma_wait3A_966] : memref<256x128xf32, #tpu.memory_space<vmem>> -> memref<128x128xf32, #tpu.memory_space<vmem>>
    %dma_wait3A_968 = arith.constant 5760 : i32
    %dma_wait3A_969 = tpu.memref_slice %arg5[%dma_wait3A_968] : memref<6400xi32, #tpu.memory_space<vmem>> -> memref<128xi32, #tpu.memory_space<vmem>>
    %dma_wait3A_970 = arith.constant 0 : i32
    %dma_wait3A_971 = arith.constant 0 : i32
    %dma_wait3A_972 = tpu.memref_slice %arg2[%dma_wait3A_970, %dma_wait3A_971] : memref<1000000x128xf32, #tpu.memory_space<hbm>> -> memref<1000000x128xf32, #tpu.memory_space<hbm>>
    tpu.wait_indirect_dma semaphore(%arg8 : memref<!tpu.dma_semaphore, #tpu.memory_space<semaphore_mem>>) src(%dma_wait3A_972 : memref<1000000x128xf32, #tpu.memory_space<hbm>>) dst(%dma_wait3A_967 : memref<128x128xf32, #tpu.memory_space<vmem>>)
    %add3A_973 = arith.constant 5632 : i32
    %add3A_974 = arith.addi %mul3A_2, %add3A_973 : i32
    %dma_start3A_975 = arith.constant 0 : i32
    %dma_start3A_976 = tpu.memref_slice %arg4[%add3A_974, %dma_start3A_975] : memref<204800x128xf32, #tpu.memory_space<hbm>> -> memref<256x128xf32, #tpu.memory_space<hbm>>
    %dma_start3A_977 = arith.constant 0 : i32
    %dma_start3A_978 = tpu.memref_slice %arg4[%add3A_974, %dma_start3A_977] : memref<204800x128xf32, #tpu.memory_space<hbm>> -> memref<256x128xf32, #tpu.memory_space<hbm>>
    tpu.enqueue_dma source(%arg6 : memref<256x128xf32, #tpu.memory_space<vmem>>) target(%dma_start3A_978 : memref<256x128xf32, #tpu.memory_space<hbm>>) target_semaphore(%arg10 : memref<!tpu.dma_semaphore, #tpu.memory_space<semaphore_mem>>)
    %dma_wait3A_979 = arith.constant 0 : i32
    %dma_wait3A_980 = tpu.memref_slice %arg4[%add3A_974, %dma_wait3A_979] : memref<204800x128xf32, #tpu.memory_space<hbm>> -> memref<256x128xf32, #tpu.memory_space<hbm>>
    %dma_wait3A_981 = arith.constant 0 : i32
    %dma_wait3A_982 = tpu.memref_slice %arg4[%add3A_974, %dma_wait3A_981] : memref<204800x128xf32, #tpu.memory_space<hbm>> -> memref<256x128xf32, #tpu.memory_space<hbm>>
    tpu.wait_dma2 semaphore(%arg10 : memref<!tpu.dma_semaphore, #tpu.memory_space<semaphore_mem>>) src(%arg6 : memref<256x128xf32, #tpu.memory_space<vmem>>) dst(%dma_wait3A_982 : memref<256x128xf32, #tpu.memory_space<hbm>>)
    %dma_start3A_983 = arith.constant 0 : i32
    %dma_start3A_984 = arith.constant 0 : i32
    %dma_start3A_985 = tpu.memref_slice %arg6[%dma_start3A_983, %dma_start3A_984] : memref<256x128xf32, #tpu.memory_space<vmem>> -> memref<128x128xf32, #tpu.memory_space<vmem>>
    %dma_start3A_986 = arith.constant 6144 : i32
    %dma_start3A_987 = tpu.memref_slice %arg5[%dma_start3A_986] : memref<6400xi32, #tpu.memory_space<vmem>> -> memref<128xi32, #tpu.memory_space<vmem>>
    %dma_start3A_988 = arith.constant 0 : i32
    %dma_start3A_989 = arith.constant 0 : i32
    %dma_start3A_990 = tpu.memref_slice %arg2[%dma_start3A_988, %dma_start3A_989] : memref<1000000x128xf32, #tpu.memory_space<hbm>> -> memref<1000000x128xf32, #tpu.memory_space<hbm>>
    tpu.enqueue_indirect_dma source(%dma_start3A_990 : memref<1000000x128xf32, #tpu.memory_space<hbm>>) target(%dma_start3A_985 : memref<128x128xf32, #tpu.memory_space<vmem>>) offsets(%dma_start3A_987 : memref<128xi32, #tpu.memory_space<vmem>>) semaphore(%arg8 : memref<!tpu.dma_semaphore, #tpu.memory_space<semaphore_mem>>)
    %dma_start3A_991 = arith.constant 128 : i32
    %dma_start3A_992 = arith.constant 0 : i32
    %dma_start3A_993 = tpu.memref_slice %arg6[%dma_start3A_991, %dma_start3A_992] : memref<256x128xf32, #tpu.memory_space<vmem>> -> memref<128x128xf32, #tpu.memory_space<vmem>>
    %dma_start3A_994 = arith.constant 6272 : i32
    %dma_start3A_995 = tpu.memref_slice %arg5[%dma_start3A_994] : memref<6400xi32, #tpu.memory_space<vmem>> -> memref<128xi32, #tpu.memory_space<vmem>>
    %dma_start3A_996 = arith.constant 0 : i32
    %dma_start3A_997 = arith.constant 0 : i32
    %dma_start3A_998 = tpu.memref_slice %arg2[%dma_start3A_996, %dma_start3A_997] : memref<1000000x128xf32, #tpu.memory_space<hbm>> -> memref<1000000x128xf32, #tpu.memory_space<hbm>>
    tpu.enqueue_indirect_dma source(%dma_start3A_998 : memref<1000000x128xf32, #tpu.memory_space<hbm>>) target(%dma_start3A_993 : memref<128x128xf32, #tpu.memory_space<vmem>>) offsets(%dma_start3A_995 : memref<128xi32, #tpu.memory_space<vmem>>) semaphore(%arg8 : memref<!tpu.dma_semaphore, #tpu.memory_space<semaphore_mem>>)
    %dma_wait3A_999 = arith.constant 0 : i32
    %dma_wait3A_1000 = arith.constant 0 : i32
    %dma_wait3A_1001 = tpu.memref_slice %arg7[%dma_wait3A_999, %dma_wait3A_1000] : memref<256x128xf32, #tpu.memory_space<vmem>> -> memref<128x128xf32, #tpu.memory_space<vmem>>
    %dma_wait3A_1002 = arith.constant 5888 : i32
    %dma_wait3A_1003 = tpu.memref_slice %arg5[%dma_wait3A_1002] : memref<6400xi32, #tpu.memory_space<vmem>> -> memref<128xi32, #tpu.memory_space<vmem>>
    %dma_wait3A_1004 = arith.constant 0 : i32
    %dma_wait3A_1005 = arith.constant 0 : i32
    %dma_wait3A_1006 = tpu.memref_slice %arg2[%dma_wait3A_1004, %dma_wait3A_1005] : memref<1000000x128xf32, #tpu.memory_space<hbm>> -> memref<1000000x128xf32, #tpu.memory_space<hbm>>
    tpu.wait_indirect_dma semaphore(%arg9 : memref<!tpu.dma_semaphore, #tpu.memory_space<semaphore_mem>>) src(%dma_wait3A_1006 : memref<1000000x128xf32, #tpu.memory_space<hbm>>) dst(%dma_wait3A_1001 : memref<128x128xf32, #tpu.memory_space<vmem>>)
    %dma_wait3A_1007 = arith.constant 128 : i32
    %dma_wait3A_1008 = arith.constant 0 : i32
    %dma_wait3A_1009 = tpu.memref_slice %arg7[%dma_wait3A_1007, %dma_wait3A_1008] : memref<256x128xf32, #tpu.memory_space<vmem>> -> memref<128x128xf32, #tpu.memory_space<vmem>>
    %dma_wait3A_1010 = arith.constant 6016 : i32
    %dma_wait3A_1011 = tpu.memref_slice %arg5[%dma_wait3A_1010] : memref<6400xi32, #tpu.memory_space<vmem>> -> memref<128xi32, #tpu.memory_space<vmem>>
    %dma_wait3A_1012 = arith.constant 0 : i32
    %dma_wait3A_1013 = arith.constant 0 : i32
    %dma_wait3A_1014 = tpu.memref_slice %arg2[%dma_wait3A_1012, %dma_wait3A_1013] : memref<1000000x128xf32, #tpu.memory_space<hbm>> -> memref<1000000x128xf32, #tpu.memory_space<hbm>>
    tpu.wait_indirect_dma semaphore(%arg9 : memref<!tpu.dma_semaphore, #tpu.memory_space<semaphore_mem>>) src(%dma_wait3A_1014 : memref<1000000x128xf32, #tpu.memory_space<hbm>>) dst(%dma_wait3A_1009 : memref<128x128xf32, #tpu.memory_space<vmem>>)
    %add3A_1015 = arith.constant 5888 : i32
    %add3A_1016 = arith.addi %mul3A_2, %add3A_1015 : i32
    %dma_start3A_1017 = arith.constant 0 : i32
    %dma_start3A_1018 = tpu.memref_slice %arg4[%add3A_1016, %dma_start3A_1017] : memref<204800x128xf32, #tpu.memory_space<hbm>> -> memref<256x128xf32, #tpu.memory_space<hbm>>
    %dma_start3A_1019 = arith.constant 0 : i32
    %dma_start3A_1020 = tpu.memref_slice %arg4[%add3A_1016, %dma_start3A_1019] : memref<204800x128xf32, #tpu.memory_space<hbm>> -> memref<256x128xf32, #tpu.memory_space<hbm>>
    tpu.enqueue_dma source(%arg7 : memref<256x128xf32, #tpu.memory_space<vmem>>) target(%dma_start3A_1020 : memref<256x128xf32, #tpu.memory_space<hbm>>) target_semaphore(%arg11 : memref<!tpu.dma_semaphore, #tpu.memory_space<semaphore_mem>>)
    %dma_wait3A_1021 = arith.constant 0 : i32
    %dma_wait3A_1022 = arith.constant 0 : i32
    %dma_wait3A_1023 = tpu.memref_slice %arg6[%dma_wait3A_1021, %dma_wait3A_1022] : memref<256x128xf32, #tpu.memory_space<vmem>> -> memref<128x128xf32, #tpu.memory_space<vmem>>
    %dma_wait3A_1024 = arith.constant 6144 : i32
    %dma_wait3A_1025 = tpu.memref_slice %arg5[%dma_wait3A_1024] : memref<6400xi32, #tpu.memory_space<vmem>> -> memref<128xi32, #tpu.memory_space<vmem>>
    %dma_wait3A_1026 = arith.constant 0 : i32
    %dma_wait3A_1027 = arith.constant 0 : i32
    %dma_wait3A_1028 = tpu.memref_slice %arg2[%dma_wait3A_1026, %dma_wait3A_1027] : memref<1000000x128xf32, #tpu.memory_space<hbm>> -> memref<1000000x128xf32, #tpu.memory_space<hbm>>
    tpu.wait_indirect_dma semaphore(%arg8 : memref<!tpu.dma_semaphore, #tpu.memory_space<semaphore_mem>>) src(%dma_wait3A_1028 : memref<1000000x128xf32, #tpu.memory_space<hbm>>) dst(%dma_wait3A_1023 : memref<128x128xf32, #tpu.memory_space<vmem>>)
    %dma_wait3A_1029 = arith.constant 128 : i32
    %dma_wait3A_1030 = arith.constant 0 : i32
    %dma_wait3A_1031 = tpu.memref_slice %arg6[%dma_wait3A_1029, %dma_wait3A_1030] : memref<256x128xf32, #tpu.memory_space<vmem>> -> memref<128x128xf32, #tpu.memory_space<vmem>>
    %dma_wait3A_1032 = arith.constant 6272 : i32
    %dma_wait3A_1033 = tpu.memref_slice %arg5[%dma_wait3A_1032] : memref<6400xi32, #tpu.memory_space<vmem>> -> memref<128xi32, #tpu.memory_space<vmem>>
    %dma_wait3A_1034 = arith.constant 0 : i32
    %dma_wait3A_1035 = arith.constant 0 : i32
    %dma_wait3A_1036 = tpu.memref_slice %arg2[%dma_wait3A_1034, %dma_wait3A_1035] : memref<1000000x128xf32, #tpu.memory_space<hbm>> -> memref<1000000x128xf32, #tpu.memory_space<hbm>>
    tpu.wait_indirect_dma semaphore(%arg8 : memref<!tpu.dma_semaphore, #tpu.memory_space<semaphore_mem>>) src(%dma_wait3A_1036 : memref<1000000x128xf32, #tpu.memory_space<hbm>>) dst(%dma_wait3A_1031 : memref<128x128xf32, #tpu.memory_space<vmem>>)
    %add3A_1037 = arith.constant 6144 : i32
    %add3A_1038 = arith.addi %mul3A_2, %add3A_1037 : i32
    %dma_start3A_1039 = arith.constant 0 : i32
    %dma_start3A_1040 = tpu.memref_slice %arg4[%add3A_1038, %dma_start3A_1039] : memref<204800x128xf32, #tpu.memory_space<hbm>> -> memref<256x128xf32, #tpu.memory_space<hbm>>
    %dma_start3A_1041 = arith.constant 0 : i32
    %dma_start3A_1042 = tpu.memref_slice %arg4[%add3A_1038, %dma_start3A_1041] : memref<204800x128xf32, #tpu.memory_space<hbm>> -> memref<256x128xf32, #tpu.memory_space<hbm>>
    tpu.enqueue_dma source(%arg6 : memref<256x128xf32, #tpu.memory_space<vmem>>) target(%dma_start3A_1042 : memref<256x128xf32, #tpu.memory_space<hbm>>) target_semaphore(%arg10 : memref<!tpu.dma_semaphore, #tpu.memory_space<semaphore_mem>>)
    %dma_wait3A_1043 = arith.constant 0 : i32
    %dma_wait3A_1044 = tpu.memref_slice %arg4[%add3A_1038, %dma_wait3A_1043] : memref<204800x128xf32, #tpu.memory_space<hbm>> -> memref<256x128xf32, #tpu.memory_space<hbm>>
    %dma_wait3A_1045 = arith.constant 0 : i32
    %dma_wait3A_1046 = tpu.memref_slice %arg4[%add3A_1038, %dma_wait3A_1045] : memref<204800x128xf32, #tpu.memory_space<hbm>> -> memref<256x128xf32, #tpu.memory_space<hbm>>
    tpu.wait_dma2 semaphore(%arg10 : memref<!tpu.dma_semaphore, #tpu.memory_space<semaphore_mem>>) src(%arg6 : memref<256x128xf32, #tpu.memory_space<vmem>>) dst(%dma_wait3A_1046 : memref<256x128xf32, #tpu.memory_space<hbm>>)
    %dma_wait3A_1047 = arith.constant 0 : i32
    %dma_wait3A_1048 = tpu.memref_slice %arg4[%add3A_1016, %dma_wait3A_1047] : memref<204800x128xf32, #tpu.memory_space<hbm>> -> memref<256x128xf32, #tpu.memory_space<hbm>>
    %dma_wait3A_1049 = arith.constant 0 : i32
    %dma_wait3A_1050 = tpu.memref_slice %arg4[%add3A_1016, %dma_wait3A_1049] : memref<204800x128xf32, #tpu.memory_space<hbm>> -> memref<256x128xf32, #tpu.memory_space<hbm>>
    tpu.wait_dma2 semaphore(%arg11 : memref<!tpu.dma_semaphore, #tpu.memory_space<semaphore_mem>>) src(%arg7 : memref<256x128xf32, #tpu.memory_space<vmem>>) dst(%dma_wait3A_1050 : memref<256x128xf32, #tpu.memory_space<hbm>>)
    return
  }
}

module attributes {stable_mosaic.version = 14 : i64} {
  func.func @_tpad_body(%arg0: i32, %arg1: memref<64x16384xf32, #tpu.memory_space<vmem>>, %arg2: memref<16384x128xf32, #tpu.memory_space<vmem>>) attributes {dimension_semantics = [#tpu.dimension_semantics<arbitrary>], iteration_bounds = array<i64: 62>, scalar_prefetch = 0 : i64, scratch_operands = 0 : i64, tpu.core_type = #tpu.core_type<tc>, window_params = [{transform_indices = @transform_0, window_bounds = array<i64: 64, 16384>}, {transform_indices = @transform_1, window_bounds = array<i64: 16384, 128>}]} {
    %get3A = arith.constant 0 : index
    %get3A_0 = arith.constant 0 : index
    %get3A_1 = vector.load %arg1[%get3A, %get3A_0] : memref<64x16384xf32, #tpu.memory_space<vmem>>, vector<64x16384xf32>
    %transpose3A = tpu.transpose %get3A_1, [1, 0] : vector<64x16384xf32> -> vector<16384x64xf32>
    %broadcast_in_dim3A = arith.constant 0.000000e+00 : f32
    %broadcast_in_dim3A_2 = vector.broadcast %broadcast_in_dim3A : f32 to vector<16384x64xf32>
    %concatenate3A = tpu.concatenate %transpose3A, %broadcast_in_dim3A_2 in 1 : vector<16384x64xf32>, vector<16384x64xf32> -> vector<16384x128xf32>
    %swap3A = arith.constant 0 : index
    %swap3A_3 = arith.constant 0 : index
    %swap3A_4 = vector.load %arg2[%swap3A, %swap3A_3] : memref<16384x128xf32, #tpu.memory_space<vmem>>, vector<16384x128xf32>
    tpu.vector_store %arg2[%swap3A, %swap3A_3], %concatenate3A {strides = array<i32>} : memref<16384x128xf32, #tpu.memory_space<vmem>>, vector<16384x128xf32>,
    return
  }
  func.func @transform_0(%arg0: i32) -> (i32, i32) {
    %c0_i32 = arith.constant 0 : i32
    %c0_i32_0 = arith.constant 0 : i32
    return %c0_i32, %arg0 : i32, i32
  }
  func.func @transform_1(%arg0: i32) -> (i32, i32) {
    %c0_i32 = arith.constant 0 : i32
    %c0_i32_0 = arith.constant 0 : i32
    return %arg0, %c0_i32 : i32, i32
  }
}

module attributes {stable_mosaic.version = 14 : i64} {
  func.func @_tc_body(%arg0: i32, %arg1: i32, %arg2: memref<50x2048xi32, #tpu.memory_space<vmem>>, %arg3: memref<50x2048xi32, #tpu.memory_space<vmem>>, %arg4: memref<50x2048xi32, #tpu.memory_space<vmem>>, %arg5: memref<50x2048xi32, #tpu.memory_space<vmem>>, %arg6: memref<50x2048xi32, #tpu.memory_space<vmem>>, %arg7: memref<1x2048x128xf32, #tpu.memory_space<vmem>>, %arg8: memref<128x132xf32, #tpu.memory_space<vmem>>, %arg9: memref<192x1xf32, #tpu.memory_space<vmem>>, %arg10: memref<192x1xf32, #tpu.memory_space<vmem>>, %arg11: memref<1x192x2048xf32, #tpu.memory_space<vmem>>) attributes {dimension_semantics = [#tpu.dimension_semantics<arbitrary>, #tpu.dimension_semantics<arbitrary>], iteration_bounds = array<i64: 2, 50>, scalar_prefetch = 0 : i64, scratch_operands = 0 : i64, tpu.core_type = #tpu.core_type<tc>, window_params = [{transform_indices = @transform_0, window_bounds = array<i64: 50, 2048>}, {transform_indices = @transform_1, window_bounds = array<i64: 50, 2048>}, {transform_indices = @transform_2, window_bounds = array<i64: 50, 2048>}, {transform_indices = @transform_3, window_bounds = array<i64: 50, 2048>}, {transform_indices = @transform_4, window_bounds = array<i64: 50, 2048>}, {transform_indices = @transform_5, window_bounds = array<i64: 1, 2048, 128>}, {pipeline_mode = #tpu.pipeline_mode<synchronous>, transform_indices = @transform_6, window_bounds = array<i64: 128, 132>}, {pipeline_mode = #tpu.pipeline_mode<synchronous>, transform_indices = @transform_7, window_bounds = array<i64: 192, 1>}, {pipeline_mode = #tpu.pipeline_mode<synchronous>, transform_indices = @transform_8, window_bounds = array<i64: 192, 1>}, {transform_indices = @transform_9, window_bounds = array<i64: 1, 192, 2048>}]} {
    %get3A = arith.index_cast %arg1 : i32 to index
    %get3A_0 = arith.constant 0 : index
    %get3A_1 = vector.load %arg2[%get3A, %get3A_0] : memref<50x2048xi32, #tpu.memory_space<vmem>>, vector<1x2048xi32>
    %get3A_2 = arith.index_cast %arg1 : i32 to index
    %get3A_3 = arith.constant 0 : index
    %get3A_4 = vector.load %arg3[%get3A_2, %get3A_3] : memref<50x2048xi32, #tpu.memory_space<vmem>>, vector<1x2048xi32>
    %add3A = arith.constant 75 : i32
    %add3A_5 = vector.broadcast %add3A : i32 to vector<1x2048xi32>
    %add3A_6 = arith.addi %get3A_4, %add3A_5 : vector<1x2048xi32>
    %get3A_7 = arith.index_cast %arg1 : i32 to index
    %get3A_8 = arith.constant 0 : index
    %get3A_9 = vector.load %arg4[%get3A_7, %get3A_8] : memref<50x2048xi32, #tpu.memory_space<vmem>>, vector<1x2048xi32>
    %add3A_10 = arith.constant 123 : i32
    %add3A_11 = vector.broadcast %add3A_10 : i32 to vector<1x2048xi32>
    %add3A_12 = arith.addi %get3A_9, %add3A_11 : vector<1x2048xi32>
    %get3A_13 = arith.index_cast %arg1 : i32 to index
    %get3A_14 = arith.constant 0 : index
    %get3A_15 = vector.load %arg5[%get3A_13, %get3A_14] : memref<50x2048xi32, #tpu.memory_space<vmem>>, vector<1x2048xi32>
    %add3A_16 = arith.constant 130 : i32
    %add3A_17 = vector.broadcast %add3A_16 : i32 to vector<1x2048xi32>
    %add3A_18 = arith.addi %get3A_15, %add3A_17 : vector<1x2048xi32>
    %iota3A = tpu.iota {dimensions = array<i32: 0>} : vector<132x2048xi32>
    %eq3A = vector.broadcast %get3A_1 : vector<1x2048xi32> to vector<132x2048xi32>
    %eq3A_19 = arith.cmpi eq, %iota3A, %eq3A : vector<132x2048xi32>
    %eq3A_20 = vector.broadcast %add3A_6 : vector<1x2048xi32> to vector<132x2048xi32>
    %eq3A_21 = arith.cmpi eq, %iota3A, %eq3A_20 : vector<132x2048xi32>
    %or3A = arith.ori %eq3A_19, %eq3A_21 : vector<132x2048xi1>
    %eq3A_22 = vector.broadcast %add3A_12 : vector<1x2048xi32> to vector<132x2048xi32>
    %eq3A_23 = arith.cmpi eq, %iota3A, %eq3A_22 : vector<132x2048xi32>
    %or3A_24 = arith.ori %or3A, %eq3A_23 : vector<132x2048xi1>
    %eq3A_25 = vector.broadcast %add3A_18 : vector<1x2048xi32> to vector<132x2048xi32>
    %eq3A_26 = arith.cmpi eq, %iota3A, %eq3A_25 : vector<132x2048xi32>
    %or3A_27 = arith.ori %or3A_24, %eq3A_26 : vector<132x2048xi1>
    %convert_element_type3A = arith.extui %or3A_27 : vector<132x2048xi1> to vector<132x2048xi32>
    %convert_element_type3A_28 = arith.sitofp %convert_element_type3A : vector<132x2048xi32> to vector<132x2048xf32>
    %convert_element_type3A_29 = arith.truncf %convert_element_type3A_28 : vector<132x2048xf32> to vector<132x2048xbf16>
    %get3A_30 = arith.constant 0 : index
    %get3A_31 = arith.constant 0 : index
    %get3A_32 = vector.load %arg8[%get3A_30, %get3A_31] : memref<128x132xf32, #tpu.memory_space<vmem>>, vector<128x132xf32>
    %convert_element_type3A_33 = arith.truncf %get3A_32 : vector<128x132xf32> to vector<128x132xbf16>
    %convert_element_type3A_34 = arith.extf %convert_element_type3A_33 : vector<128x132xbf16> to vector<128x132xf32>
    %sub3A = arith.subf %get3A_32, %convert_element_type3A_34 : vector<128x132xf32>
    %convert_element_type3A_35 = arith.truncf %sub3A : vector<128x132xf32> to vector<128x132xbf16>
    %dot_general3A = arith.constant dense<0.000000e+00> : vector<128x2048xf32>
    %dot_general3A_36 = tpu.matmul %convert_element_type3A_33, %convert_element_type3A_29, %dot_general3A {dimension_numbers = #tpu.dot_dimension_numbers<[1], [0], [0], [1], [0, 0, 1, 1], [], []>, transpose_lhs_hint = false} : vector<128x132xbf16>, vector<132x2048xbf16>, vector<128x2048xf32> -> vector<128x2048xf32>
    %dot_general3A_37 = arith.constant dense<0.000000e+00> : vector<128x2048xf32>
    %dot_general3A_38 = tpu.matmul %convert_element_type3A_35, %convert_element_type3A_29, %dot_general3A_37 {dimension_numbers = #tpu.dot_dimension_numbers<[1], [0], [0], [1], [0, 0, 1, 1], [], []>, transpose_lhs_hint = false} : vector<128x132xbf16>, vector<132x2048xbf16>, vector<128x2048xf32> -> vector<128x2048xf32>
    %add3A_39 = arith.addf %dot_general3A_36, %dot_general3A_38 : vector<128x2048xf32>
    %get3A_40 = arith.constant 0 : index
    %get3A_41 = arith.constant 0 : index
    %get3A_42 = arith.constant 0 : index
    %get3A_43 = vector.load %arg7[%get3A_40, %get3A_41, %get3A_42] : memref<1x2048x128xf32, #tpu.memory_space<vmem>>, vector<1x2048x64xf32>
    %get3A_44 = vector.shape_cast %get3A_43 : vector<1x2048x64xf32> to vector<2048x64xf32>
    %transpose3A = tpu.transpose %get3A_44, [1, 0] : vector<2048x64xf32> -> vector<64x2048xf32>
    %concatenate3A = tpu.concatenate %add3A_39, %transpose3A in 0 : vector<128x2048xf32>, vector<64x2048xf32> -> vector<192x2048xf32>
    %reduce_sum3A = arith.constant dense<0.000000e+00> : vector<2048xf32>
    %reduce_sum3A_45 = vector.multi_reduction <add>, %concatenate3A, %reduce_sum3A [0] : vector<192x2048xf32> to vector<2048xf32>
    %broadcast_in_dim3A = vector.shape_cast %reduce_sum3A_45 : vector<2048xf32> to vector<1x2048xf32>
    %div3A = arith.constant 1.920000e+02 : f32
    %div3A_46 = vector.broadcast %div3A : f32 to vector<1x2048xf32>
    %div3A_47 = arith.divf %broadcast_in_dim3A, %div3A_46 : vector<1x2048xf32>
    %sub3A_48 = vector.broadcast %div3A_47 : vector<1x2048xf32> to vector<192x2048xf32>
    %sub3A_49 = arith.subf %concatenate3A, %sub3A_48 : vector<192x2048xf32>
    %mul3A = arith.mulf %sub3A_49, %sub3A_49 : vector<192x2048xf32>
    %reduce_sum3A_50 = arith.constant dense<0.000000e+00> : vector<2048xf32>
    %reduce_sum3A_51 = vector.multi_reduction <add>, %mul3A, %reduce_sum3A_50 [0] : vector<192x2048xf32> to vector<2048xf32>
    %broadcast_in_dim3A_52 = vector.shape_cast %reduce_sum3A_51 : vector<2048xf32> to vector<1x2048xf32>
    %div3A_53 = arith.constant 1.920000e+02 : f32
    %div3A_54 = vector.broadcast %div3A_53 : f32 to vector<1x2048xf32>
    %div3A_55 = arith.divf %broadcast_in_dim3A_52, %div3A_54 : vector<1x2048xf32>
    %add3A_56 = arith.constant 9.99999974E-6 : f32
    %add3A_57 = vector.broadcast %add3A_56 : f32 to vector<1x2048xf32>
    %add3A_58 = arith.addf %div3A_55, %add3A_57 : vector<1x2048xf32>
    %rsqrt3A = math.rsqrt %add3A_58 : vector<1x2048xf32>
    %mul3A_59 = vector.broadcast %rsqrt3A : vector<1x2048xf32> to vector<192x2048xf32>
    %mul3A_60 = arith.mulf %sub3A_49, %mul3A_59 : vector<192x2048xf32>
    %get3A_61 = arith.constant 0 : index
    %get3A_62 = arith.constant 0 : index
    %get3A_63 = vector.load %arg9[%get3A_61, %get3A_62] : memref<192x1xf32, #tpu.memory_space<vmem>>, vector<192x1xf32>
    %mul3A_64 = vector.broadcast %get3A_63 : vector<192x1xf32> to vector<192x2048xf32>
    %mul3A_65 = arith.mulf %mul3A_60, %mul3A_64 : vector<192x2048xf32>
    %get3A_66 = arith.constant 0 : index
    %get3A_67 = arith.constant 0 : index
    %get3A_68 = vector.load %arg10[%get3A_66, %get3A_67] : memref<192x1xf32, #tpu.memory_space<vmem>>, vector<192x1xf32>
    %add3A_69 = vector.broadcast %get3A_68 : vector<192x1xf32> to vector<192x2048xf32>
    %add3A_70 = arith.addf %mul3A_65, %add3A_69 : vector<192x2048xf32>
    %swap3A = arith.constant 0 : index
    %swap3A_71 = arith.constant 0 : index
    %swap3A_72 = arith.constant 0 : index
    %swap3A_73 = vector.load %arg11[%swap3A, %swap3A_71, %swap3A_72] : memref<1x192x2048xf32, #tpu.memory_space<vmem>>, vector<1x192x2048xf32>
    %swap3A_74 = vector.shape_cast %swap3A_73 : vector<1x192x2048xf32> to vector<192x2048xf32>
    %swap3A_75 = vector.shape_cast %add3A_70 : vector<192x2048xf32> to vector<1x192x2048xf32>
    tpu.vector_store %arg11[%swap3A, %swap3A_71, %swap3A_72], %swap3A_75 {strides = array<i32>} : memref<1x192x2048xf32, #tpu.memory_space<vmem>>, vector<1x192x2048xf32>,
    return
  }
  func.func @transform_0(%arg0: i32, %arg1: i32) -> (i32, i32) {
    %c0_i32 = arith.constant 0 : i32
    %c0_i32_0 = arith.constant 0 : i32
    return %c0_i32, %arg0 : i32, i32
  }
  func.func @transform_1(%arg0: i32, %arg1: i32) -> (i32, i32) {
    %c0_i32 = arith.constant 0 : i32
    %c0_i32_0 = arith.constant 0 : i32
    return %c0_i32, %arg0 : i32, i32
  }
  func.func @transform_2(%arg0: i32, %arg1: i32) -> (i32, i32) {
    %c0_i32 = arith.constant 0 : i32
    %c0_i32_0 = arith.constant 0 : i32
    return %c0_i32, %arg0 : i32, i32
  }
  func.func @transform_3(%arg0: i32, %arg1: i32) -> (i32, i32) {
    %c0_i32 = arith.constant 0 : i32
    %c0_i32_0 = arith.constant 0 : i32
    return %c0_i32, %arg0 : i32, i32
  }
  func.func @transform_4(%arg0: i32, %arg1: i32) -> (i32, i32) {
    %c0_i32 = arith.constant 0 : i32
    %c0_i32_0 = arith.constant 0 : i32
    return %c0_i32, %arg0 : i32, i32
  }
  func.func @transform_5(%arg0: i32, %arg1: i32) -> (i32, i32, i32) {
    %c0_i32 = arith.constant 0 : i32
    %c0_i32_0 = arith.constant 0 : i32
    return %arg1, %arg0, %c0_i32 : i32, i32, i32
  }
  func.func @transform_6(%arg0: i32, %arg1: i32) -> (i32, i32) {
    %c0_i32 = arith.constant 0 : i32
    %c0_i32_0 = arith.constant 0 : i32
    %c0_i32_1 = arith.constant 0 : i32
    return %c0_i32, %c0_i32_0 : i32, i32
  }
  func.func @transform_7(%arg0: i32, %arg1: i32) -> (i32, i32) {
    %c0_i32 = arith.constant 0 : i32
    %c0_i32_0 = arith.constant 0 : i32
    %c0_i32_1 = arith.constant 0 : i32
    return %c0_i32, %c0_i32_0 : i32, i32
  }
  func.func @transform_8(%arg0: i32, %arg1: i32) -> (i32, i32) {
    %c0_i32 = arith.constant 0 : i32
    %c0_i32_0 = arith.constant 0 : i32
    %c0_i32_1 = arith.constant 0 : i32
    return %c0_i32, %c0_i32_0 : i32, i32
  }
  func.func @transform_9(%arg0: i32, %arg1: i32) -> (i32, i32, i32) {
    %c0_i32 = arith.constant 0 : i32
    %c0_i32_0 = arith.constant 0 : i32
    return %arg1, %c0_i32, %arg0 : i32, i32, i32
  }
}

</mosaic_0001>

<sc_bundles>
// kernel: kernel.5.cloned.1.call-start
scs
__scs_entry_jumppad:
0x0: {  	(pc) =	sbr.rel $0x88, $3  }
0x1: {  	(tag) =	ssettag $0x0;
	lr =	simm.s32 $0x1  }
0x2: {  	[smem:$0x3F95] =	sst lr;
	_ =	strace $0xD0000000  }
0x3: {  	_ = 	snop  }
0x4: {  	_ = 	snop  }
0x5: {  	_ = 	snop  }
0x6: {  	_ = 	snop  }
0x7: {  	_ = 	snop  }
__scs_overlays_trampoline_lowered:
0x8: {  	[smem:$0x3FA4] =	sst s0  }
0x9: {  	[smem:$0x3FA5] =	sst s1  }
0xa: {  	[smem:$0x3FA6] =	sst s2  }
0xb: {  	[smem:$0x3FA7] =	sst s3  }
0xc: {  	[smem:$0x3FA8] =	sst s4  }
0xd: {  	[smem:$0x3FA9] =	sst s5  }
0xe: {  	[smem:$0x3FAA] =	sst s6  }
0xf: {  	[smem:$0x3FAB] =	sst s7  }
0x10: {  	[smem:$0x3FAC] =	sst s8  }
0x11: {  	[smem:$0x3FAD] =	sst s9;
	s0 =	simm.s32 @!p0 $0x0  }
0x12: {  	s1 =	sld [smem:$0x3F93];
	s0 =	simm.s32 @p0 $0x1  }
0x13: {  	[smem:$0x3FAE] =	sst s0;
	s0 =	simm.s32 @!p1 $0x0  }
0x14: {  	s2 =	sld [smem:$0x3F92];
	s0 =	simm.s32 @p1 $0x1  }
0x15: {  	[smem:$0x3FAF] =	sst s0;
	s0 =	simm.s32 @!p2 $0x0  }
0x16: {  	s3 =	sld [smem:$0x3FDB];
	s0 =	simm.s32 @p2 $0x1  }
0x17: {  	s4 =	simm.s32 $0x1BF5;
	[smem:$0x3FB1] =	sst s0  }
0x18: {  	s0 =	sld [smem:$0x3F94];
	_ =	swait.ge [sflag:s4], $0x0  }
0x19: {  	s7 =	sld [smem:$0x3F95]  }
0x1a: {  	s8 =	sadd.s32 $0xFFFFE003, lr  }
0x1b: {  	s9 =	sadd.s32 $0xFFFFFEF7, lr;
	s5 =	simm.s32 $0xFFFFFFFF;
	p2 =	slt.u32 s8, $0xFFFFF086  }
0x1c: {  	p1 =	slt.u32 s9, $0xF7A;
	s5 =	simm.s32 @!p2 $0x0  }
0x1d: {  	s5 =	simm.s32 @p1 $0x1;
	p0 =	seq.s32 s7, s2  }
0x1e: {  	s7 =	smul.u32 @!p0 $0xF7A, s2;
	p2 =	seq.s32 @!p0 s5, $0x0  }
0x1f: {  	s9 =	smul.u32 $0xF7A, s1;
	s8 =	simm.s32 @!p0 $0x1BF5;
	p2 =	por !p2, p0  }
0x20: {  	[sflag:s8] =	ssyncset.s32 @!p0 $0xFFFFF086;
	s6 =	sadd.s32 @!p0 s3, s7;
	s7 =	simm.s32 @!p0 $0x108  }
0x21: {  	s3 =	sadd.s32 s3, s9;
	s6 =	sadd.s32 @!p0 $0x88, s6;
	s7 =	simm.s32 @p2 $0x1082  }
0x22: {  	[simem:s7], [sflag:s8] =	dma.local @!p0 [hbm:s6], $0xF7A  }
0x23: {  	s9 =	sor.u32 $0xD0000000, s2;
	s6 =	simm.s32 $0x108;
	_ =	swait.ge @!p0 [sflag:s8], $0x0  }
0x24: {  	s3 =	sadd.s32 $0x88, s3;
	s6 =	simm.s32 @!p1 $0x1082;
	[sflag:s4] =	ssyncset.s32 $0xFFFFF086  }
0x25: {  	[simem:s6], [sflag:s4] =	dma.local [hbm:s3], $0xF7A  }
0x26: {  	[smem:$0x3F95] =	sst s1;
	(tag) =	ssettag s2;
	_ =	strace s9  }
0x27: {  	s1 =	sld [smem:$0x3FA5]  }
0x28: {  	s2 =	sld [smem:$0x3FA6]  }
0x29: {  	s4 =	sld [smem:$0x3FA8]  }
0x2a: {  	p0 =	seq.s32 s5, $0x0;
	s5 =	sld [smem:$0x3FA9]  }
0x2b: {  	s6 =	sld [smem:$0x3FAA]  }
0x2c: {  	s7 =	sld [smem:$0x3FAB]  }
0x2d: {  	s3 =	simm.s32 $0x108;
	s8 =	sld [smem:$0x3FAC]  }
0x2e: {  	s3 =	simm.s32 @!p0 $0x1082;
	s9 =	sld [smem:$0x3FAD]  }
0x2f: {  	lr =	sadd.s32 s0, s3;
	s0 =	sld [smem:$0x3FA4]  }
0x30: {  	s3 =	sld [smem:$0x3FA7]  }
0x31: {  	[smem:$0x3FB0] =	sst s10  }
0x32: {  	s10 =	sld [smem:$0x3FAE];
	_ =	sdelay $0x3  }
0x33: {  	p0 =	seq.s32 s10, $0x1;
	s10 =	sld [smem:$0x3FB0];
	_ =	sdelay $0x3  }
0x34: {  	[smem:$0x3FB0] =	sst s10  }
0x35: {  	s10 =	sld [smem:$0x3FAF];
	_ =	sdelay $0x3  }
0x36: {  	p1 =	seq.s32 s10, $0x1;
	s10 =	sld [smem:$0x3FB0];
	_ =	sdelay $0x3  }
0x37: {  	[smem:$0x3FB0] =	sst s10  }
0x38: {  	s10 =	sld [smem:$0x3FB1]  }
0x39: {  	_ = 	snop;
	(pc) =	sbr.ind lr, $3  }
0x3a: {  	_ = 	snop  }
0x3b: {  	_ = 	snop  }
0x3c: {  	p2 =	seq.s32 s10, $0x1;
	s10 =	sld [smem:$0x3FB0]  }
0x3d: {  	_ =	shalt  }
0x3e: {  	_ =	shalt  }
0x3f: {  	_ =	shalt  }
0x40: {  	_ =	shalt  }
0x41: {  	_ =	shalt  }
0x42: {  	_ =	shalt  }
0x43: {  	_ =	shalt  }
0x44: {  	_ =	shalt  }
0x45: {  	_ =	shalt  }
0x46: {  	_ =	shalt  }
0x47: {  	_ =	shalt  }
0x48: {  	_ =	shalt  }
0x49: {  	_ =	shalt  }
0x4a: {  	_ =	shalt  }
0x4b: {  	_ =	shalt  }
0x4c: {  	_ =	shalt  }
0x4d: {  	_ =	shalt  }
0x4e: {  	_ =	shalt  }
0x4f: {  	_ =	shalt  }
0x50: {  	_ =	shalt  }
0x51: {  	_ =	shalt  }
0x52: {  	_ =	shalt  }
0x53: {  	_ =	shalt  }
0x54: {  	_ =	shalt  }
0x55: {  	_ =	shalt  }
0x56: {  	_ =	shalt  }
0x57: {  	_ =	shalt  }
0x58: {  	_ =	shalt  }
0x59: {  	_ =	shalt  }
0x5a: {  	_ =	shalt  }
0x5b: {  	_ =	shalt  }
0x5c: {  	_ =	shalt  }
0x5d: {  	_ =	shalt  }
0x5e: {  	_ =	shalt  }
0x5f: {  	_ =	shalt  }
0x60: {  	_ =	shalt  }
0x61: {  	_ =	shalt  }
0x62: {  	_ =	shalt  }
0x63: {  	_ =	shalt  }
0x64: {  	_ =	shalt  }
0x65: {  	_ =	shalt  }
0x66: {  	_ =	shalt  }
0x67: {  	_ =	shalt  }
0x68: {  	_ =	shalt  }
0x69: {  	_ =	shalt  }
0x6a: {  	_ =	shalt  }
0x6b: {  	_ =	shalt  }
0x6c: {  	_ =	shalt  }
0x6d: {  	_ =	shalt  }
0x6e: {  	_ =	shalt  }
0x6f: {  	_ =	shalt  }
0x70: {  	_ =	shalt  }
0x71: {  	_ =	shalt  }
0x72: {  	_ =	shalt  }
0x73: {  	_ =	shalt  }
0x74: {  	_ =	shalt  }
0x75: {  	_ =	shalt  }
0x76: {  	_ =	shalt  }
0x77: {  	_ =	shalt  }
0x78: {  	_ =	shalt  }
0x79: {  	_ =	shalt  }
0x7a: {  	_ =	shalt  }
0x7b: {  	_ =	shalt  }
0x7c: {  	_ =	shalt  }
0x7d: {  	_ =	shalt  }
0x7e: {  	_ =	shalt  }
0x7f: {  	_ =	shalt  }
0x80: {  	_ =	shalt  }
0x81: {  	_ =	shalt  }
0x82: {  	_ =	shalt  }
0x83: {  	_ =	shalt  }
0x84: {  	_ =	shalt  }
0x85: {  	_ =	shalt  }
0x86: {  	_ =	shalt  }
0x87: {  	_ =	shalt  }
.Lfunc_end0:
.L_simem_size_0:
called_computation_lowered:
.L_overlay_start_0:
0x88: {  	s2 =	sld [smem:$0x3FD9]  }
0x89: {  	s3 =	sld [smem:$0x3FFE];
	_ =	sdelay $0x1  }
0x8a: {  	s1 =	srdreg.scid  }
0x8b: {  	s0 =	sand.u32 $0x1, s1  }
0x8c: {  	s17 =	sshll.u32 s0, $0xA;
	s2 =	sadd.s32 s3, s2  }
0x8d: {  	s2 =	sadd.s32 s2, s17  }
0x8e: {  	[smem:$0x3FBC] =	sst s2  }
0x8f: {  	_ = 	snop  }
0x90: {  	s2 =	sld [smem:$0x3FD0];
	(tm) =	ssettm $0x1  }
0x91: {  	s18 =	sld [smem:$0x3FFB];
	_ =	sdelay $0x3  }
0x92: {  	_ =	strace s18  }
0x93: {  	s3 =	sld [smem:$0x3FFC];
	_ =	sdelay $0x3  }
0x94: {  	_ =	strace s3  }
0x95: {  	s3 =	sld [smem:$0x3FFD];
	_ =	sdelay $0x3  }
0x96: {  	_ =	strace s3  }
0x97: {  	_ =	strace $0x8FFFFFFF  }
0x98: {  	s19 =	sld [smem:$0x3FDB];
	_ =	sdelay $0x1  }
0x99: {  	s4 =	simm.s32 $_scs_section_size  }
0x9a: {  	s5 =	simm.s32 $_size__tile_overlayer_lowered;
	s6 =	simm.s32 $_tile_overlayer_lowered  }
0x9b: {  	s22 =	simm.s32 $0x1BFF;
	s21 =	sshll.u32 s6, $0x1;
	s3 =	sadd.s32 s4, s19  }
0x9c: {  	s7 =	simm.s32 $0x0;
	s20 =	sshll.u32 s5, $0x1;
	s5 =	sadd.s32 s21, s3  }
0x9d: {  	[timem:s7], [sflag:s22] =	dma.local [hbm:s5], s20  }
0x9e: {  	_ =	swait.ge [sflag:s22], s20  }
0x9f: {  	s4 =	ssub.s32 $0x0, s20;
	[sflag:s22] =	ssyncset.done $0x0  }
0xa0: {  	[sflag:s22] =	ssyncadd.s32 s4;
	_ =	sdelay $0x1  }
0xa1: {  	s23 =	simm.s32 $0x1B8B  }
0xa2: {  	_ =	swait.ge [sflag:s23], $0x1  }
0xa3: {  	[sflag:s23] =	ssyncset.done $0x0  }
0xa4: {  	s25 =	simm.s32 $0x1B8E;
	s24 =	sld [smem:$0x3FFE];
	[sflag:s23] =	ssyncadd.s32 $0xFFFFFFFF  }
0xa5: {  	s26 =	simm.s32 $execute0_lowered;
	[smem:$0x3FD2] =	sst s25  }
0xa6: {  	s5 =	sshll.u32 s26, $0x1;
	_ =	strace $0x80000046;
	[dreg:$0x1] =	wrdreg $0xFFFFFFFF  }
0xa7: {  	s28 =	simm.s32 $_size_execute0_lowered;
	s3 =	sadd.s32 s3, s5;
	[dreg:$0x0] =	wrdreg $0x0  }
0xa8: {  	s5 =	sshll.u32 s28, $0x1;
	[dreg:$0x2] =	wrdreg s3  }
0xa9: {  	[dreg:$0x3] =	wrdreg s5  }
0xaa: {  	[dreg:$0x4] =	wrdreg $0xC0  }
0xab: {  	_ =	task [dreg:s7], $0x5FFFF  }
0xac: {  	[dreg:$0x1] =	wrdreg $0xFFFFFFFF  }
0xad: {  	[dreg:$0x0] =	wrdreg $0x60  }
0xae: {  	[dreg:$0x2] =	wrdreg s24  }
0xaf: {  	[dreg:$0x3] =	wrdreg s2  }
0xb0: {  	[dreg:$0x4] =	wrdreg $0x9  }
0xb1: {  	_ =	task.clear_ibuf [dreg:s7], $0x5FFFF;
	_ =	strace $0x90000046  }
0xb2: {  	s29 =	simm.s32 $0x9;
	_ =	strace $0x80000048  }
0xb3: {  	_ =	swait.ge [sflag:s29], $0x1  }
0xb4: {  	[sflag:s29] =	ssyncadd.s32 $0xFFFFFFFF  }
0xb5: {  	_ =	strace $0x90000048  }
0xb6: {  	_ =	sfence  }
0xb7: {  	s30 =	sld [smem:$0x0];
	_ =	sdelay $0x2  }
0xb8: {  	s31 =	sshll.u32 s1, $0xD;
	s1 =	sshrl.u32 s1, $0x2  }
0xb9: {  	s3 =	sand.u32 $0x4000, s31;
	s1 =	sadd.s32 s1, s30  }
0xba: {  	s0 =	sor.u32 s3, s0;
	s1 =	sshll.u32 s1, $0x11  }
0xbb: {  	s0 =	sor.u32 s1, s0  }
0xbc: {  	s0 =	sadd.s32 $0x8F2B, s0  }
0xbd: {  	[sflag:s0] =	ssyncadd.remote.s32 $0x1  }
0xbe: {  	_ =	sfence.sel $0xFFFF  }
0xbf: {  	[dreg:$0x0] =	wrdreg $0xFFFFFFFF;
	(pc) =	sbr.abs _section_cstart, $3  }
0xc0: {  	[dreg:$0x1] =	wrdreg $0xFFFFFFFF  }
0xc1: {  	_ =	task.clear_ibuf [dreg:s7], $0x2FFFF;
	_ =	strace $0x9FFFFFFF  }
0xc2: {  	(tm) =	ssettm $0x7FFFFFFF  }
0xc3: {  	_ =	shalt  }
tec
execute0_lowered:
.L_overlay_start_1:
0x0: {  	(tag) =	ssettag $0x1  }
0x1: {  	s0 =	srdreg.scid;
	s13 =	stileid.u32  }
0x2: {  	s1 =	sand.u32 $0x1, s0;
	s11 =	sshll.u32 s13, $0x1  }
0x3: {  	s0 =	sor.u32 s1, s11  }
0x4: {  	s3 =	rddreg [dreg:$0x0];
	s5 =	smul.u32 $0x320, s0  }
0x5: {  	s4 =	rddreg [dreg:$0x1];
	s2 =	simm.s32 $0x0;
	s6 =	smul.u32 $0xC8000, s0  }
0x6: {  	[smem:$0x7FF] =	sst s2;
	s0 =	smul.u32 $0x19000, s0  }
0x7: {  	s7 =	sadd.s32 $0xF43E00, s3;
	_ =	strace $0x80000047;
	s4 =	sadd.s32 s4, s5  }
0x8: {  	s12 =	sshrl.u32 s6, $0x3;
	s0 =	sadd.s32 s7, s0;
	[dreg:$0x3] =	wrdreg s4  }
0x9: {  	s4 =	sadd.s32 s7, s12;
	[dreg:$0x4] =	wrdreg s0  }
0xa: {  	s14 =	sadd.s32 $0x1000, s4;
	s0 =	rddreg [dreg:$0x3]  }
0xb: {  	s15 =	sadd.s32 $0x2000, s4;
	[dreg:$0x5] =	wrdreg s14  }
0xc: {  	s16 =	sadd.s32 $0x3000, s4;
	[dreg:$0x6] =	wrdreg s15  }
0xd: {  	s17 =	sadd.s32 $0x4000, s4;
	[dreg:$0x7] =	wrdreg s16  }
0xe: {  	s18 =	sadd.s32 $0x5000, s4;
	[dreg:$0x8] =	wrdreg s17  }
0xf: {  	s19 =	sadd.s32 $0x6000, s4;
	[dreg:$0x9] =	wrdreg s18  }
0x10: {  	s20 =	sadd.s32 $0x7000, s4;
	[dreg:$0xa] =	wrdreg s19  }
0x11: {  	s21 =	sadd.s32 $0x8000, s4;
	[dreg:$0xb] =	wrdreg s20  }
0x12: {  	s22 =	sadd.s32 $0x9000, s4;
	[dreg:$0xc] =	wrdreg s21  }
0x13: {  	s23 =	sadd.s32 $0xA000, s4;
	[dreg:$0xd] =	wrdreg s22  }
0x14: {  	s24 =	sadd.s32 $0xB000, s4;
	[dreg:$0xe] =	wrdreg s23  }
0x15: {  	s25 =	sadd.s32 $0xC000, s4;
	[dreg:$0xf] =	wrdreg s24  }
0x16: {  	s26 =	sadd.s32 $0xD000, s4;
	[dreg:$0x10] =	wrdreg s25  }
0x17: {  	s5 =	sadd.s32 $0xE000, s4;
	[dreg:$0x11] =	wrdreg s26  }
0x18: {  	s6 =	sadd.s32 $0xF000, s4;
	[dreg:$0x12] =	wrdreg s5  }
0x19: {  	s7 =	sadd.s32 $0x10000, s4;
	[dreg:$0x13] =	wrdreg s6  }
0x1a: {  	s8 =	sadd.s32 $0x11000, s4;
	[dreg:$0x14] =	wrdreg s7  }
0x1b: {  	s9 =	sadd.s32 $0x12000, s4;
	[dreg:$0x15] =	wrdreg s8  }
0x1c: {  	s10 =	sadd.s32 $0x13000, s4;
	[dreg:$0x16] =	wrdreg s9  }
0x1d: {  	s11 =	sadd.s32 $0x14000, s4;
	[dreg:$0x17] =	wrdreg s10  }
0x1e: {  	s12 =	sadd.s32 $0x15000, s4;
	[dreg:$0x18] =	wrdreg s11  }
0x1f: {  	[dreg:$0x19] =	wrdreg s12;
	s14 =	sadd.s32 $0x16000, s4  }
0x20: {  	s15 =	sadd.s32 $0x17000, s4;
	[dreg:$0x1a] =	wrdreg s14  }
0x21: {  	s16 =	sadd.s32 $0x18000, s4;
	[dreg:$0x1b] =	wrdreg s15  }
0x22: {  	s17 =	simm.s32 $0x100;
	[dreg:$0x1c] =	wrdreg s16  }
0x23: {  	s18 =	simm.s32 $0x180;
	[dreg:$0x1d] =	wrdreg s17  }
0x24: {  	s19 =	simm.s32 $0x200;
	[dreg:$0x1e] =	wrdreg s18  }
0x25: {  	s20 =	simm.s32 $0x280;
	[dreg:$0x1f] =	wrdreg s19  }
0x26: {  	s21 =	simm.s32 $0x300;
	[smem:$0x7E2] =	sst s20  }
0x27: {  	s22 =	simm.s32 $0x380;
	[smem:$0x7E3] =	sst s21  }
0x28: {  	s23 =	simm.s32 $0x400;
	[smem:$0x7E4] =	sst s22  }
0x29: {  	s24 =	simm.s32 $0x480;
	[smem:$0x7E5] =	sst s23  }
0x2a: {  	s25 =	simm.s32 $0x500;
	[smem:$0x7E6] =	sst s24  }
0x2b: {  	s26 =	simm.s32 $0x580;
	[smem:$0x7E7] =	sst s25  }
0x2c: {  	s4 =	simm.s32 $0x600;
	[smem:$0x7E8] =	sst s26  }
0x2d: {  	s5 =	simm.s32 $0x680;
	[smem:$0x7E9] =	sst s4  }
0x2e: {  	s6 =	simm.s32 $0x700;
	[smem:$0x7EA] =	sst s5  }
0x2f: {  	s31 =	simm.s32 $0x5;
	s7 =	simm.s32 $0x780;
	[smem:$0x7EB] =	sst s6  }
0x30: {  	s29 =	simm.s32 $0x1100;
	s8 =	simm.s32 $0x800;
	[smem:$0x7EC] =	sst s7  }
0x31: {  	s30 =	simm.s32 $0x1180;
	s9 =	simm.s32 $0x880;
	[smem:$0x7ED] =	sst s8  }
0x32: {  	s28 =	simm.s32 $0x1280;
	s10 =	simm.s32 $0x900;
	[smem:$0x7EE] =	sst s9  }
0x33: {  	p0 =	por $0x0, $0x0;
	s11 =	simm.s32 $0x980;
	[smem:$0x7EF] =	sst s10  }
0x34: {  	s3 =	sadd.s32 $0x1A00, s3;
	s12 =	simm.s32 $0xA00;
	[smem:$0x7F0] =	sst s11  }
0x35: {  	s1 =	ssub.s32 $0x2, s1;
	[smem:$0x7F1] =	sst s12;
	s14 =	simm.s32 $0xA80  }
0x36: {  	s15 =	sshrl.u32 s1, $0x1;
	s16 =	simm.s32 $0xB00;
	[smem:$0x7F2] =	sst s14  }
0x37: {  	s17 =	simm.s32 $0xB80;
	s18 =	simm.s32 $0xC00;
	[smem:$0x7F3] =	sst s16  }
0x38: {  	s19 =	simm.s32 $0xC80;
	s6 =	simm.s32 $0x80;
	[smem:$0x7F4] =	sst s17  }
0x39: {  	s20 =	simm.s32 $0xD00;
	s4 =	simm.s32 $0x1900;
	[smem:$0x7F5] =	sst s18  }
0x3a: {  	s21 =	simm.s32 $0xD80;
	s10 =	simm.s32 $0x5900;
	[smem:$0x7F6] =	sst s19  }
0x3b: {  	s22 =	simm.s32 $0xE00;
	s9 =	simm.s32 $0x9900;
	[smem:$0x7F7] =	sst s20  }
0x3c: {  	s23 =	simm.s32 $0xE80;
	s12 =	simm.s32 $0xD900;
	[smem:$0x7F8] =	sst s21  }
0x3d: {  	s24 =	simm.s32 $0xF00;
	s7 =	simm.s32 $0x1;
	[smem:$0x7F9] =	sst s22  }
0x3e: {  	s25 =	simm.s32 $0xF80;
	s5 =	simm.s32 $0x3;
	[smem:$0x7FA] =	sst s23  }
0x3f: {  	s26 =	simm.s32 $0x1000;
	s1 =	ssub.s32 s1, s15;
	[smem:$0x7FB] =	sst s24  }
0x40: {  	s11 =	simm.s32 $0x2;
	[smem:$0x7FC] =	sst s25;
	s1 =	smax.u32 s1, $0x1  }
0x41: {  	s8 =	simm.s32 $0x4;
	[smem:$0x7FD] =	sst s26;
	p1 =	sne.s32 s1, $0x1  }
.Ltmp0:
0x42: {  	s20 =	simm.s32 $0x1080;
	s26 =	simm.s32 $0x1200;
	(pc) =	sbr.rel @!p1 .LBB2_1-.Ltmp0, $4  }
0x43: {  	s24 =	simm.s32 $0x1300;
	s25 =	simm.s32 $0x1380;
	s22 =	simm.s32 $0x1400  }
0x44: {  	s23 =	simm.s32 $0x1480;
	s21 =	simm.s32 $0x1580;
	s18 =	simm.s32 $0x1600  }
0x45: {  	s19 =	simm.s32 $0x1680;
	s16 =	simm.s32 $0x1700;
	s17 =	simm.s32 $0x1780  }
0x46: {  	s14 =	simm.s32 $0x1800;
	s15 =	simm.s32 $0x1880;
	s1 =	sadd.s32 $0xFFFFFFFF, s1  }
0x47: {  	[tilespmem:s2], [sflag:$0x5] =	stream.linear.gather [hbm4b:s0+s2], $0x1900, $0x38;
	[tilespmem:$0x11900] =	vst v63  }
0x48: {  	_ =	swait.ge [sflag:s31], $0x1900  }
0x49: {  	[sflag:s31] =	ssyncset.done $0x0  }
0x4a: {  	[sflag:s31] =	ssyncadd.s32 $0xFFFFE700  }
0x4b: {  	[tilespmem:s4], [sflag:$0x1] =	stream.indirect.gather [hbm4b:s3+s6], $0x80, s2, s6, $0xb8;
	[tilespmem:$0x11900] =	vst v63  }
0x4c: {  	_ = 	snop  }
0x4d: {  	[tilespmem:s10], [sflag:$0x1] =	stream.indirect.gather [hbm4b:s3+s6], $0x80, s6, s6, $0xb8;
	[tilespmem:$0x11900] =	vst v63  }
0x4e: {  	s0 =	rddreg [dreg:$0x1d]  }
0x4f: {  	[tilespmem:s9], [sflag:$0x2] =	stream.indirect.gather [hbm4b:s3+s6], $0x80, s0, s6, $0xb8;
	[tilespmem:$0x11900] =	vst v63  }
0x50: {  	s13 =	smov.u32 s1;
	s1 =	rddreg [dreg:$0x1e]  }
0x51: {  	[tilespmem:s12], [sflag:$0x2] =	stream.indirect.gather [hbm4b:s3+s6], $0x80, s1, s6, $0xb8;
	[tilespmem:$0x11900] =	vst v63  }
0x52: {  	_ =	swait.ge [sflag:s7], $0x4000  }
0x53: {  	[sflag:s7] =	ssyncset.done $0x0  }
0x54: {  	[sflag:s7] =	ssyncadd.s32 $0xFFFFC000  }
0x55: {  	_ =	swait.ge [sflag:s7], $0x4000  }
0x56: {  	[sflag:s7] =	ssyncset.done $0x0  }
0x57: {  	s1 =	rddreg [dreg:$0x4];
	[sflag:s7] =	ssyncadd.s32 $0xFFFFC000  }
0x58: {  	[hbm4b:s1+s2] =	stream.linear.scatter [tilespmem:s4], [sflag:$0x3], $0x8000, $0x38;
	[tilespmem:$0x11900] =	vst v63  }
0x59: {  	_ =	swait.ge [sflag:s5], $0x8000  }
0x5a: {  	s0 =	rddreg [dreg:$0x1f];
	[sflag:s5] =	ssyncset.done $0x0  }
0x5b: {  	s1 =	sld [smem:$0x7E2];
	[sflag:s5] =	ssyncadd.s32 $0xFFFF8000  }
0x5c: {  	[tilespmem:s4], [sflag:$0x1] =	stream.indirect.gather [hbm4b:s3+s6], $0x80, s0, s6, $0xb8;
	[tilespmem:$0x11900] =	vst v63  }
0x5d: {  	_ = 	snop  }
0x5e: {  	[tilespmem:s10], [sflag:$0x1] =	stream.indirect.gather [hbm4b:s3+s6], $0x80, s1, s6, $0xb8;
	[tilespmem:$0x11900] =	vst v63  }
0x5f: {  	_ =	swait.ge [sflag:s11], $0x4000  }
0x60: {  	[sflag:s11] =	ssyncset.done $0x0  }
0x61: {  	[sflag:s11] =	ssyncadd.s32 $0xFFFFC000  }
0x62: {  	_ =	swait.ge [sflag:s11], $0x4000  }
0x63: {  	[sflag:s11] =	ssyncset.done $0x0  }
0x64: {  	s1 =	rddreg [dreg:$0x5];
	[sflag:s11] =	ssyncadd.s32 $0xFFFFC000  }
0x65: {  	[hbm4b:s1+s2] =	stream.linear.scatter [tilespmem:s9], [sflag:$0x4], $0x8000, $0x38;
	[tilespmem:$0x11900] =	vst v63  }
0x66: {  	_ =	swait.ge [sflag:s8], $0x8000  }
0x67: {  	s0 =	sld [smem:$0x7E3]  }
0x68: {  	[sflag:s8] =	ssyncset.done $0x0  }
0x69: {  	s1 =	sld [smem:$0x7E4];
	[sflag:s8] =	ssyncadd.s32 $0xFFFF8000  }
0x6a: {  	[tilespmem:s9], [sflag:$0x2] =	stream.indirect.gather [hbm4b:s3+s6], $0x80, s0, s6, $0xb8;
	[tilespmem:$0x11900] =	vst v63  }
0x6b: {  	_ = 	snop  }
0x6c: {  	[tilespmem:s12], [sflag:$0x2] =	stream.indirect.gather [hbm4b:s3+s6], $0x80, s1, s6, $0xb8;
	[tilespmem:$0x11900] =	vst v63  }
0x6d: {  	_ =	swait.ge [sflag:s7], $0x4000  }
0x6e: {  	[sflag:s7] =	ssyncset.done $0x0  }
0x6f: {  	[sflag:s7] =	ssyncadd.s32 $0xFFFFC000  }
0x70: {  	_ =	swait.ge [sflag:s7], $0x4000  }
0x71: {  	[sflag:s7] =	ssyncset.done $0x0  }
0x72: {  	s1 =	rddreg [dreg:$0x6];
	[sflag:s7] =	ssyncadd.s32 $0xFFFFC000  }
0x73: {  	[hbm4b:s1+s2] =	stream.linear.scatter [tilespmem:s4], [sflag:$0x3], $0x8000, $0x38;
	[tilespmem:$0x11900] =	vst v63  }
0x74: {  	_ =	swait.ge [sflag:s5], $0x8000  }
0x75: {  	s0 =	sld [smem:$0x7E5]  }
0x76: {  	[sflag:s5] =	ssyncset.done $0x0  }
0x77: {  	s1 =	sld [smem:$0x7E6];
	[sflag:s5] =	ssyncadd.s32 $0xFFFF8000  }
0x78: {  	[tilespmem:s4], [sflag:$0x1] =	stream.indirect.gather [hbm4b:s3+s6], $0x80, s0, s6, $0xb8;
	[tilespmem:$0x11900] =	vst v63  }
0x79: {  	_ = 	snop  }
0x7a: {  	[tilespmem:s10], [sflag:$0x1] =	stream.indirect.gather [hbm4b:s3+s6], $0x80, s1, s6, $0xb8;
	[tilespmem:$0x11900] =	vst v63  }
0x7b: {  	_ =	swait.ge [sflag:s11], $0x4000  }
0x7c: {  	[sflag:s11] =	ssyncset.done $0x0  }
0x7d: {  	[sflag:s11] =	ssyncadd.s32 $0xFFFFC000  }
0x7e: {  	_ =	swait.ge [sflag:s11], $0x4000  }
0x7f: {  	[sflag:s11] =	ssyncset.done $0x0  }
0x80: {  	s1 =	rddreg [dreg:$0x7];
	[sflag:s11] =	ssyncadd.s32 $0xFFFFC000  }
0x81: {  	[hbm4b:s1+s2] =	stream.linear.scatter [tilespmem:s9], [sflag:$0x4], $0x8000, $0x38;
	[tilespmem:$0x11900] =	vst v63  }
0x82: {  	_ =	swait.ge [sflag:s8], $0x8000  }
0x83: {  	s0 =	sld [smem:$0x7E7]  }
0x84: {  	[sflag:s8] =	ssyncset.done $0x0  }
0x85: {  	s1 =	sld [smem:$0x7E8];
	[sflag:s8] =	ssyncadd.s32 $0xFFFF8000  }
0x86: {  	[tilespmem:s9], [sflag:$0x2] =	stream.indirect.gather [hbm4b:s3+s6], $0x80, s0, s6, $0xb8;
	[tilespmem:$0x11900] =	vst v63  }
0x87: {  	_ = 	snop  }
0x88: {  	[tilespmem:s12], [sflag:$0x2] =	stream.indirect.gather [hbm4b:s3+s6], $0x80, s1, s6, $0xb8;
	[tilespmem:$0x11900] =	vst v63  }
0x89: {  	_ =	swait.ge [sflag:s7], $0x4000  }
0x8a: {  	[sflag:s7] =	ssyncset.done $0x0  }
0x8b: {  	[sflag:s7] =	ssyncadd.s32 $0xFFFFC000  }
0x8c: {  	_ =	swait.ge [sflag:s7], $0x4000  }
0x8d: {  	[sflag:s7] =	ssyncset.done $0x0  }
0x8e: {  	s1 =	rddreg [dreg:$0x8];
	[sflag:s7] =	ssyncadd.s32 $0xFFFFC000  }
0x8f: {  	[hbm4b:s1+s2] =	stream.linear.scatter [tilespmem:s4], [sflag:$0x3], $0x8000, $0x38;
	[tilespmem:$0x11900] =	vst v63  }
0x90: {  	_ =	swait.ge [sflag:s5], $0x8000  }
0x91: {  	s0 =	sld [smem:$0x7E9]  }
0x92: {  	[sflag:s5] =	ssyncset.done $0x0  }
0x93: {  	s1 =	sld [smem:$0x7EA];
	[sflag:s5] =	ssyncadd.s32 $0xFFFF8000  }
0x94: {  	[tilespmem:s4], [sflag:$0x1] =	stream.indirect.gather [hbm4b:s3+s6], $0x80, s0, s6, $0xb8;
	[tilespmem:$0x11900] =	vst v63  }
0x95: {  	_ = 	snop  }
0x96: {  	[tilespmem:s10], [sflag:$0x1] =	stream.indirect.gather [hbm4b:s3+s6], $0x80, s1, s6, $0xb8;
	[tilespmem:$0x11900] =	vst v63  }
0x97: {  	_ =	swait.ge [sflag:s11], $0x4000  }
0x98: {  	[sflag:s11] =	ssyncset.done $0x0  }
0x99: {  	[sflag:s11] =	ssyncadd.s32 $0xFFFFC000  }
0x9a: {  	_ =	swait.ge [sflag:s11], $0x4000  }
0x9b: {  	[sflag:s11] =	ssyncset.done $0x0  }
0x9c: {  	s1 =	rddreg [dreg:$0x9];
	[sflag:s11] =	ssyncadd.s32 $0xFFFFC000  }
0x9d: {  	[hbm4b:s1+s2] =	stream.linear.scatter [tilespmem:s9], [sflag:$0x4], $0x8000, $0x38;
	[tilespmem:$0x11900] =	vst v63  }
0x9e: {  	_ =	swait.ge [sflag:s8], $0x8000  }
0x9f: {  	s0 =	sld [smem:$0x7EB]  }
0xa0: {  	[sflag:s8] =	ssyncset.done $0x0  }
0xa1: {  	s1 =	sld [smem:$0x7EC];
	[sflag:s8] =	ssyncadd.s32 $0xFFFF8000  }
0xa2: {  	[tilespmem:s9], [sflag:$0x2] =	stream.indirect.gather [hbm4b:s3+s6], $0x80, s0, s6, $0xb8;
	[tilespmem:$0x11900] =	vst v63  }
0xa3: {  	_ = 	snop  }
0xa4: {  	[tilespmem:s12], [sflag:$0x2] =	stream.indirect.gather [hbm4b:s3+s6], $0x80, s1, s6, $0xb8;
	[tilespmem:$0x11900] =	vst v63  }
0xa5: {  	_ =	swait.ge [sflag:s7], $0x4000  }
0xa6: {  	[sflag:s7] =	ssyncset.done $0x0  }
0xa7: {  	[sflag:s7] =	ssyncadd.s32 $0xFFFFC000  }
0xa8: {  	_ =	swait.ge [sflag:s7], $0x4000  }
0xa9: {  	[sflag:s7] =	ssyncset.done $0x0  }
0xaa: {  	s1 =	rddreg [dreg:$0xa];
	[sflag:s7] =	ssyncadd.s32 $0xFFFFC000  }
0xab: {  	[hbm4b:s1+s2] =	stream.linear.scatter [tilespmem:s4], [sflag:$0x3], $0x8000, $0x38;
	[tilespmem:$0x11900] =	vst v63  }
0xac: {  	_ =	swait.ge [sflag:s5], $0x8000  }
0xad: {  	s0 =	sld [smem:$0x7ED]  }
0xae: {  	[sflag:s5] =	ssyncset.done $0x0  }
0xaf: {  	s1 =	sld [smem:$0x7EE];
	[sflag:s5] =	ssyncadd.s32 $0xFFFF8000  }
0xb0: {  	[tilespmem:s4], [sflag:$0x1] =	stream.indirect.gather [hbm4b:s3+s6], $0x80, s0, s6, $0xb8;
	[tilespmem:$0x11900] =	vst v63  }
0xb1: {  	_ = 	snop  }
0xb2: {  	[tilespmem:s10], [sflag:$0x1] =	stream.indirect.gather [hbm4b:s3+s6], $0x80, s1, s6, $0xb8;
	[tilespmem:$0x11900] =	vst v63  }
0xb3: {  	_ =	swait.ge [sflag:s11], $0x4000  }
0xb4: {  	[sflag:s11] =	ssyncset.done $0x0  }
0xb5: {  	[sflag:s11] =	ssyncadd.s32 $0xFFFFC000  }
0xb6: {  	_ =	swait.ge [sflag:s11], $0x4000  }
0xb7: {  	[sflag:s11] =	ssyncset.done $0x0  }
0xb8: {  	s1 =	rddreg [dreg:$0xb];
	[sflag:s11] =	ssyncadd.s32 $0xFFFFC000  }
0xb9: {  	[hbm4b:s1+s2] =	stream.linear.scatter [tilespmem:s9], [sflag:$0x4], $0x8000, $0x38;
	[tilespmem:$0x11900] =	vst v63  }
0xba: {  	_ =	swait.ge [sflag:s8], $0x8000  }
0xbb: {  	s0 =	sld [smem:$0x7EF]  }
0xbc: {  	[sflag:s8] =	ssyncset.done $0x0  }
0xbd: {  	s1 =	sld [smem:$0x7F0];
	[sflag:s8] =	ssyncadd.s32 $0xFFFF8000  }
0xbe: {  	[tilespmem:s9], [sflag:$0x2] =	stream.indirect.gather [hbm4b:s3+s6], $0x80, s0, s6, $0xb8;
	[tilespmem:$0x11900] =	vst v63  }
0xbf: {  	_ = 	snop  }
0xc0: {  	[tilespmem:s12], [sflag:$0x2] =	stream.indirect.gather [hbm4b:s3+s6], $0x80, s1, s6, $0xb8;
	[tilespmem:$0x11900] =	vst v63  }
0xc1: {  	_ =	swait.ge [sflag:s7], $0x4000  }
0xc2: {  	[sflag:s7] =	ssyncset.done $0x0  }
0xc3: {  	[sflag:s7] =	ssyncadd.s32 $0xFFFFC000  }
0xc4: {  	_ =	swait.ge [sflag:s7], $0x4000  }
0xc5: {  	[sflag:s7] =	ssyncset.done $0x0  }
0xc6: {  	s1 =	rddreg [dreg:$0xc];
	[sflag:s7] =	ssyncadd.s32 $0xFFFFC000  }
0xc7: {  	[hbm4b:s1+s2] =	stream.linear.scatter [tilespmem:s4], [sflag:$0x3], $0x8000, $0x38;
	[tilespmem:$0x11900] =	vst v63  }
0xc8: {  	_ =	swait.ge [sflag:s5], $0x8000  }
0xc9: {  	s0 =	sld [smem:$0x7F1]  }
0xca: {  	[sflag:s5] =	ssyncset.done $0x0  }
0xcb: {  	s1 =	sld [smem:$0x7F2];
	[sflag:s5] =	ssyncadd.s32 $0xFFFF8000  }
0xcc: {  	[tilespmem:s4], [sflag:$0x1] =	stream.indirect.gather [hbm4b:s3+s6], $0x80, s0, s6, $0xb8;
	[tilespmem:$0x11900] =	vst v63  }
0xcd: {  	_ = 	snop  }
0xce: {  	[tilespmem:s10], [sflag:$0x1] =	stream.indirect.gather [hbm4b:s3+s6], $0x80, s1, s6, $0xb8;
	[tilespmem:$0x11900] =	vst v63  }
0xcf: {  	_ =	swait.ge [sflag:s11], $0x4000  }
0xd0: {  	[sflag:s11] =	ssyncset.done $0x0  }
0xd1: {  	[sflag:s11] =	ssyncadd.s32 $0xFFFFC000  }
0xd2: {  	_ =	swait.ge [sflag:s11], $0x4000  }
0xd3: {  	[sflag:s11] =	ssyncset.done $0x0  }
0xd4: {  	s1 =	rddreg [dreg:$0xd];
	[sflag:s11] =	ssyncadd.s32 $0xFFFFC000  }
0xd5: {  	[hbm4b:s1+s2] =	stream.linear.scatter [tilespmem:s9], [sflag:$0x4], $0x8000, $0x38;
	[tilespmem:$0x11900] =	vst v63  }
0xd6: {  	_ =	swait.ge [sflag:s8], $0x8000  }
0xd7: {  	s0 =	sld [smem:$0x7F3]  }
0xd8: {  	[sflag:s8] =	ssyncset.done $0x0  }
0xd9: {  	s1 =	sld [smem:$0x7F4];
	[sflag:s8] =	ssyncadd.s32 $0xFFFF8000  }
0xda: {  	[tilespmem:s9], [sflag:$0x2] =	stream.indirect.gather [hbm4b:s3+s6], $0x80, s0, s6, $0xb8;
	[tilespmem:$0x11900] =	vst v63  }
0xdb: {  	_ = 	snop  }
0xdc: {  	[tilespmem:s12], [sflag:$0x2] =	stream.indirect.gather [hbm4b:s3+s6], $0x80, s1, s6, $0xb8;
	[tilespmem:$0x11900] =	vst v63  }
0xdd: {  	_ =	swait.ge [sflag:s7], $0x4000  }
0xde: {  	[sflag:s7] =	ssyncset.done $0x0  }
0xdf: {  	[sflag:s7] =	ssyncadd.s32 $0xFFFFC000  }
0xe0: {  	_ =	swait.ge [sflag:s7], $0x4000  }
0xe1: {  	[sflag:s7] =	ssyncset.done $0x0  }
0xe2: {  	s1 =	rddreg [dreg:$0xe];
	[sflag:s7] =	ssyncadd.s32 $0xFFFFC000  }
0xe3: {  	[hbm4b:s1+s2] =	stream.linear.scatter [tilespmem:s4], [sflag:$0x3], $0x8000, $0x38;
	[tilespmem:$0x11900] =	vst v63  }
0xe4: {  	_ =	swait.ge [sflag:s5], $0x8000  }
0xe5: {  	s0 =	sld [smem:$0x7F5]  }
0xe6: {  	[sflag:s5] =	ssyncset.done $0x0  }
0xe7: {  	s1 =	sld [smem:$0x7F6];
	[sflag:s5] =	ssyncadd.s32 $0xFFFF8000  }
0xe8: {  	[tilespmem:s4], [sflag:$0x1] =	stream.indirect.gather [hbm4b:s3+s6], $0x80, s0, s6, $0xb8;
	[tilespmem:$0x11900] =	vst v63  }
0xe9: {  	_ = 	snop  }
0xea: {  	[tilespmem:s10], [sflag:$0x1] =	stream.indirect.gather [hbm4b:s3+s6], $0x80, s1, s6, $0xb8;
	[tilespmem:$0x11900] =	vst v63  }
0xeb: {  	_ =	swait.ge [sflag:s11], $0x4000  }
0xec: {  	[sflag:s11] =	ssyncset.done $0x0  }
0xed: {  	[sflag:s11] =	ssyncadd.s32 $0xFFFFC000  }
0xee: {  	_ =	swait.ge [sflag:s11], $0x4000  }
0xef: {  	[sflag:s11] =	ssyncset.done $0x0  }
0xf0: {  	s1 =	rddreg [dreg:$0xf];
	[sflag:s11] =	ssyncadd.s32 $0xFFFFC000  }
0xf1: {  	[hbm4b:s1+s2] =	stream.linear.scatter [tilespmem:s9], [sflag:$0x4], $0x8000, $0x38;
	[tilespmem:$0x11900] =	vst v63  }
0xf2: {  	_ =	swait.ge [sflag:s8], $0x8000  }
0xf3: {  	s0 =	sld [smem:$0x7F7]  }
0xf4: {  	[sflag:s8] =	ssyncset.done $0x0  }
0xf5: {  	s1 =	sld [smem:$0x7F8];
	[sflag:s8] =	ssyncadd.s32 $0xFFFF8000  }
0xf6: {  	[tilespmem:s9], [sflag:$0x2] =	stream.indirect.gather [hbm4b:s3+s6], $0x80, s0, s6, $0xb8;
	[tilespmem:$0x11900] =	vst v63  }
0xf7: {  	_ = 	snop  }
0xf8: {  	[tilespmem:s12], [sflag:$0x2] =	stream.indirect.gather [hbm4b:s3+s6], $0x80, s1, s6, $0xb8;
	[tilespmem:$0x11900] =	vst v63  }
0xf9: {  	_ =	swait.ge [sflag:s7], $0x4000  }
0xfa: {  	[sflag:s7] =	ssyncset.done $0x0  }
0xfb: {  	[sflag:s7] =	ssyncadd.s32 $0xFFFFC000  }
0xfc: {  	_ =	swait.ge [sflag:s7], $0x4000  }
0xfd: {  	[sflag:s7] =	ssyncset.done $0x0  }
0xfe: {  	s1 =	rddreg [dreg:$0x10];
	[sflag:s7] =	ssyncadd.s32 $0xFFFFC000  }
0xff: {  	[hbm4b:s1+s2] =	stream.linear.scatter [tilespmem:s4], [sflag:$0x3], $0x8000, $0x38;
	[tilespmem:$0x11900] =	vst v63  }
0x100: {  	_ =	swait.ge [sflag:s5], $0x8000  }
0x101: {  	s0 =	sld [smem:$0x7F9]  }
0x102: {  	[sflag:s5] =	ssyncset.done $0x0  }
0x103: {  	s1 =	sld [smem:$0x7FA];
	[sflag:s5] =	ssyncadd.s32 $0xFFFF8000  }
0x104: {  	[tilespmem:s4], [sflag:$0x1] =	stream.indirect.gather [hbm4b:s3+s6], $0x80, s0, s6, $0xb8;
	[tilespmem:$0x11900] =	vst v63  }
0x105: {  	_ = 	snop  }
0x106: {  	[tilespmem:s10], [sflag:$0x1] =	stream.indirect.gather [hbm4b:s3+s6], $0x80, s1, s6, $0xb8;
	[tilespmem:$0x11900] =	vst v63  }
0x107: {  	_ =	swait.ge [sflag:s11], $0x4000  }
0x108: {  	[sflag:s11] =	ssyncset.done $0x0  }
0x109: {  	[sflag:s11] =	ssyncadd.s32 $0xFFFFC000  }
0x10a: {  	_ =	swait.ge [sflag:s11], $0x4000  }
0x10b: {  	[sflag:s11] =	ssyncset.done $0x0  }
0x10c: {  	s1 =	rddreg [dreg:$0x11];
	[sflag:s11] =	ssyncadd.s32 $0xFFFFC000  }
0x10d: {  	[hbm4b:s1+s2] =	stream.linear.scatter [tilespmem:s9], [sflag:$0x4], $0x8000, $0x38;
	[tilespmem:$0x11900] =	vst v63  }
0x10e: {  	_ =	swait.ge [sflag:s8], $0x8000  }
0x10f: {  	s0 =	sld [smem:$0x7FB]  }
0x110: {  	[sflag:s8] =	ssyncset.done $0x0  }
0x111: {  	s1 =	sld [smem:$0x7FC];
	[sflag:s8] =	ssyncadd.s32 $0xFFFF8000  }
0x112: {  	[tilespmem:s9], [sflag:$0x2] =	stream.indirect.gather [hbm4b:s3+s6], $0x80, s0, s6, $0xb8;
	[tilespmem:$0x11900] =	vst v63  }
0x113: {  	_ = 	snop  }
0x114: {  	[tilespmem:s12], [sflag:$0x2] =	stream.indirect.gather [hbm4b:s3+s6], $0x80, s1, s6, $0xb8;
	[tilespmem:$0x11900] =	vst v63  }
0x115: {  	_ =	swait.ge [sflag:s7], $0x4000  }
0x116: {  	[sflag:s7] =	ssyncset.done $0x0  }
0x117: {  	[sflag:s7] =	ssyncadd.s32 $0xFFFFC000  }
0x118: {  	_ =	swait.ge [sflag:s7], $0x4000  }
0x119: {  	[sflag:s7] =	ssyncset.done $0x0  }
0x11a: {  	s1 =	rddreg [dreg:$0x12];
	[sflag:s7] =	ssyncadd.s32 $0xFFFFC000  }
0x11b: {  	[hbm4b:s1+s2] =	stream.linear.scatter [tilespmem:s4], [sflag:$0x3], $0x8000, $0x38;
	[tilespmem:$0x11900] =	vst v63  }
0x11c: {  	_ =	swait.ge [sflag:s5], $0x8000  }
0x11d: {  	s1 =	sld [smem:$0x7FD]  }
0x11e: {  	[sflag:s5] =	ssyncset.done $0x0  }
0x11f: {  	[sflag:s5] =	ssyncadd.s32 $0xFFFF8000  }
0x120: {  	[tilespmem:s4], [sflag:$0x1] =	stream.indirect.gather [hbm4b:s3+s6], $0x80, s1, s6, $0xb8;
	[tilespmem:$0x11900] =	vst v63  }
0x121: {  	_ = 	snop  }
0x122: {  	[tilespmem:s10], [sflag:$0x1] =	stream.indirect.gather [hbm4b:s3+s6], $0x80, s20, s6, $0xb8;
	[tilespmem:$0x11900] =	vst v63  }
0x123: {  	_ =	swait.ge [sflag:s11], $0x4000  }
0x124: {  	[sflag:s11] =	ssyncset.done $0x0  }
0x125: {  	[sflag:s11] =	ssyncadd.s32 $0xFFFFC000  }
0x126: {  	_ =	swait.ge [sflag:s11], $0x4000  }
0x127: {  	[sflag:s11] =	ssyncset.done $0x0  }
0x128: {  	s1 =	rddreg [dreg:$0x13];
	[sflag:s11] =	ssyncadd.s32 $0xFFFFC000  }
0x129: {  	[hbm4b:s1+s2] =	stream.linear.scatter [tilespmem:s9], [sflag:$0x4], $0x8000, $0x38;
	[tilespmem:$0x11900] =	vst v63  }
0x12a: {  	_ =	swait.ge [sflag:s8], $0x8000  }
0x12b: {  	[sflag:s8] =	ssyncset.done $0x0  }
0x12c: {  	[sflag:s8] =	ssyncadd.s32 $0xFFFF8000  }
0x12d: {  	[tilespmem:s9], [sflag:$0x2] =	stream.indirect.gather [hbm4b:s3+s6], $0x80, s29, s6, $0xb8;
	[tilespmem:$0x11900] =	vst v63  }
0x12e: {  	_ = 	snop  }
0x12f: {  	[tilespmem:s12], [sflag:$0x2] =	stream.indirect.gather [hbm4b:s3+s6], $0x80, s30, s6, $0xb8;
	[tilespmem:$0x11900] =	vst v63  }
0x130: {  	_ =	swait.ge [sflag:s7], $0x4000  }
0x131: {  	[sflag:s7] =	ssyncset.done $0x0  }
0x132: {  	[sflag:s7] =	ssyncadd.s32 $0xFFFFC000  }
0x133: {  	_ =	swait.ge [sflag:s7], $0x4000  }
0x134: {  	[sflag:s7] =	ssyncset.done $0x0  }
0x135: {  	s1 =	rddreg [dreg:$0x14];
	[sflag:s7] =	ssyncadd.s32 $0xFFFFC000  }
0x136: {  	[hbm4b:s1+s2] =	stream.linear.scatter [tilespmem:s4], [sflag:$0x3], $0x8000, $0x38;
	[tilespmem:$0x11900] =	vst v63  }
0x137: {  	_ =	swait.ge [sflag:s5], $0x8000  }
0x138: {  	[sflag:s5] =	ssyncset.done $0x0  }
0x139: {  	[sflag:s5] =	ssyncadd.s32 $0xFFFF8000  }
0x13a: {  	[tilespmem:s4], [sflag:$0x1] =	stream.indirect.gather [hbm4b:s3+s6], $0x80, s26, s6, $0xb8;
	[tilespmem:$0x11900] =	vst v63  }
0x13b: {  	_ = 	snop  }
0x13c: {  	[tilespmem:s10], [sflag:$0x1] =	stream.indirect.gather [hbm4b:s3+s6], $0x80, s28, s6, $0xb8;
	[tilespmem:$0x11900] =	vst v63  }
0x13d: {  	_ =	swait.ge [sflag:s11], $0x4000  }
0x13e: {  	[sflag:s11] =	ssyncset.done $0x0  }
0x13f: {  	[sflag:s11] =	ssyncadd.s32 $0xFFFFC000  }
0x140: {  	_ =	swait.ge [sflag:s11], $0x4000  }
0x141: {  	[sflag:s11] =	ssyncset.done $0x0  }
0x142: {  	s1 =	rddreg [dreg:$0x15];
	[sflag:s11] =	ssyncadd.s32 $0xFFFFC000  }
0x143: {  	[hbm4b:s1+s2] =	stream.linear.scatter [tilespmem:s9], [sflag:$0x4], $0x8000, $0x38;
	[tilespmem:$0x11900] =	vst v63  }
0x144: {  	_ =	swait.ge [sflag:s8], $0x8000  }
0x145: {  	[sflag:s8] =	ssyncset.done $0x0  }
0x146: {  	[sflag:s8] =	ssyncadd.s32 $0xFFFF8000  }
0x147: {  	[tilespmem:s9], [sflag:$0x2] =	stream.indirect.gather [hbm4b:s3+s6], $0x80, s24, s6, $0xb8;
	[tilespmem:$0x11900] =	vst v63  }
0x148: {  	_ = 	snop  }
0x149: {  	[tilespmem:s12], [sflag:$0x2] =	stream.indirect.gather [hbm4b:s3+s6], $0x80, s25, s6, $0xb8;
	[tilespmem:$0x11900] =	vst v63  }
0x14a: {  	_ =	swait.ge [sflag:s7], $0x4000  }
0x14b: {  	[sflag:s7] =	ssyncset.done $0x0  }
0x14c: {  	[sflag:s7] =	ssyncadd.s32 $0xFFFFC000  }
0x14d: {  	_ =	swait.ge [sflag:s7], $0x4000  }
0x14e: {  	[sflag:s7] =	ssyncset.done $0x0  }
0x14f: {  	s1 =	rddreg [dreg:$0x16];
	[sflag:s7] =	ssyncadd.s32 $0xFFFFC000  }
0x150: {  	[hbm4b:s1+s2] =	stream.linear.scatter [tilespmem:s4], [sflag:$0x3], $0x8000, $0x38;
	[tilespmem:$0x11900] =	vst v63  }
0x151: {  	_ =	swait.ge [sflag:s5], $0x8000  }
0x152: {  	[sflag:s5] =	ssyncset.done $0x0  }
0x153: {  	[sflag:s5] =	ssyncadd.s32 $0xFFFF8000  }
0x154: {  	[tilespmem:s4], [sflag:$0x1] =	stream.indirect.gather [hbm4b:s3+s6], $0x80, s22, s6, $0xb8;
	[tilespmem:$0x11900] =	vst v63  }
0x155: {  	_ = 	snop  }
0x156: {  	[tilespmem:s10], [sflag:$0x1] =	stream.indirect.gather [hbm4b:s3+s6], $0x80, s23, s6, $0xb8;
	[tilespmem:$0x11900] =	vst v63  }
0x157: {  	_ =	swait.ge [sflag:s11], $0x4000  }
0x158: {  	[sflag:s11] =	ssyncset.done $0x0  }
0x159: {  	[sflag:s11] =	ssyncadd.s32 $0xFFFFC000  }
0x15a: {  	_ =	swait.ge [sflag:s11], $0x4000  }
0x15b: {  	[sflag:s11] =	ssyncset.done $0x0  }
0x15c: {  	s1 =	rddreg [dreg:$0x17];
	[sflag:s11] =	ssyncadd.s32 $0xFFFFC000  }
0x15d: {  	[hbm4b:s1+s2] =	stream.linear.scatter [tilespmem:s9], [sflag:$0x4], $0x8000, $0x38;
	[tilespmem:$0x11900] =	vst v63  }
0x15e: {  	_ =	swait.ge [sflag:s8], $0x8000  }
0x15f: {  	[sflag:s8] =	ssyncset.done $0x0  }
0x160: {  	s1 =	simm.s32 $0x1500;
	[sflag:s8] =	ssyncadd.s32 $0xFFFF8000  }
0x161: {  	[tilespmem:s9], [sflag:$0x2] =	stream.indirect.gather [hbm4b:s3+s6], $0x80, s1, s6, $0xb8;
	[tilespmem:$0x11900] =	vst v63  }
0x162: {  	_ = 	snop  }
0x163: {  	[tilespmem:s12], [sflag:$0x2] =	stream.indirect.gather [hbm4b:s3+s6], $0x80, s21, s6, $0xb8;
	[tilespmem:$0x11900] =	vst v63  }
0x164: {  	_ =	swait.ge [sflag:s7], $0x4000  }
0x165: {  	[sflag:s7] =	ssyncset.done $0x0  }
0x166: {  	[sflag:s7] =	ssyncadd.s32 $0xFFFFC000  }
0x167: {  	_ =	swait.ge [sflag:s7], $0x4000  }
0x168: {  	[sflag:s7] =	ssyncset.done $0x0  }
0x169: {  	s1 =	rddreg [dreg:$0x18];
	[sflag:s7] =	ssyncadd.s32 $0xFFFFC000  }
0x16a: {  	[hbm4b:s1+s2] =	stream.linear.scatter [tilespmem:s4], [sflag:$0x3], $0x8000, $0x38;
	[tilespmem:$0x11900] =	vst v63  }
0x16b: {  	_ =	swait.ge [sflag:s5], $0x8000  }
0x16c: {  	[sflag:s5] =	ssyncset.done $0x0  }
0x16d: {  	[sflag:s5] =	ssyncadd.s32 $0xFFFF8000  }
0x16e: {  	[tilespmem:s4], [sflag:$0x1] =	stream.indirect.gather [hbm4b:s3+s6], $0x80, s18, s6, $0xb8;
	[tilespmem:$0x11900] =	vst v63  }
0x16f: {  	_ = 	snop  }
0x170: {  	[tilespmem:s10], [sflag:$0x1] =	stream.indirect.gather [hbm4b:s3+s6], $0x80, s19, s6, $0xb8;
	[tilespmem:$0x11900] =	vst v63  }
0x171: {  	_ =	swait.ge [sflag:s11], $0x4000  }
0x172: {  	[sflag:s11] =	ssyncset.done $0x0  }
0x173: {  	[sflag:s11] =	ssyncadd.s32 $0xFFFFC000  }
0x174: {  	_ =	swait.ge [sflag:s11], $0x4000  }
0x175: {  	[sflag:s11] =	ssyncset.done $0x0  }
0x176: {  	s1 =	rddreg [dreg:$0x19];
	[sflag:s11] =	ssyncadd.s32 $0xFFFFC000  }
0x177: {  	[hbm4b:s1+s2] =	stream.linear.scatter [tilespmem:s9], [sflag:$0x4], $0x8000, $0x38;
	[tilespmem:$0x11900] =	vst v63  }
0x178: {  	_ =	swait.ge [sflag:s8], $0x8000  }
0x179: {  	[sflag:s8] =	ssyncset.done $0x0  }
0x17a: {  	[sflag:s8] =	ssyncadd.s32 $0xFFFF8000  }
0x17b: {  	[tilespmem:s9], [sflag:$0x2] =	stream.indirect.gather [hbm4b:s3+s6], $0x80, s16, s6, $0xb8;
	[tilespmem:$0x11900] =	vst v63  }
0x17c: {  	_ = 	snop  }
0x17d: {  	[tilespmem:s12], [sflag:$0x2] =	stream.indirect.gather [hbm4b:s3+s6], $0x80, s17, s6, $0xb8;
	[tilespmem:$0x11900] =	vst v63  }
0x17e: {  	_ =	swait.ge [sflag:s7], $0x4000  }
0x17f: {  	[sflag:s7] =	ssyncset.done $0x0  }
0x180: {  	[sflag:s7] =	ssyncadd.s32 $0xFFFFC000  }
0x181: {  	_ =	swait.ge [sflag:s7], $0x4000  }
0x182: {  	[sflag:s7] =	ssyncset.done $0x0  }
0x183: {  	s1 =	rddreg [dreg:$0x1a];
	[sflag:s7] =	ssyncadd.s32 $0xFFFFC000  }
0x184: {  	[hbm4b:s1+s2] =	stream.linear.scatter [tilespmem:s4], [sflag:$0x3], $0x8000, $0x38;
	[tilespmem:$0x11900] =	vst v63  }
0x185: {  	_ =	swait.ge [sflag:s5], $0x8000  }
0x186: {  	[sflag:s5] =	ssyncset.done $0x0  }
0x187: {  	[sflag:s5] =	ssyncadd.s32 $0xFFFF8000  }
0x188: {  	[tilespmem:s4], [sflag:$0x1] =	stream.indirect.gather [hbm4b:s3+s6], $0x80, s14, s6, $0xb8;
	[tilespmem:$0x11900] =	vst v63  }
0x189: {  	_ = 	snop  }
0x18a: {  	[tilespmem:s10], [sflag:$0x1] =	stream.indirect.gather [hbm4b:s3+s6], $0x80, s15, s6, $0xb8;
	[tilespmem:$0x11900] =	vst v63  }
0x18b: {  	_ =	swait.ge [sflag:s11], $0x4000  }
0x18c: {  	[sflag:s11] =	ssyncset.done $0x0  }
0x18d: {  	[sflag:s11] =	ssyncadd.s32 $0xFFFFC000  }
0x18e: {  	_ =	swait.ge [sflag:s11], $0x4000  }
0x18f: {  	[sflag:s11] =	ssyncset.done $0x0  }
0x190: {  	s1 =	rddreg [dreg:$0x1b];
	[sflag:s11] =	ssyncadd.s32 $0xFFFFC000  }
0x191: {  	[hbm4b:s1+s2] =	stream.linear.scatter [tilespmem:s9], [sflag:$0x4], $0x8000, $0x38;
	[tilespmem:$0x11900] =	vst v63  }
0x192: {  	_ =	swait.ge [sflag:s7], $0x4000  }
0x193: {  	[sflag:s7] =	ssyncset.done $0x0  }
0x194: {  	[sflag:s7] =	ssyncadd.s32 $0xFFFFC000  }
0x195: {  	_ =	swait.ge [sflag:s7], $0x4000  }
0x196: {  	[sflag:s7] =	ssyncset.done $0x0  }
0x197: {  	p1 =	sne.s32 s13, $0x1;
	s1 =	rddreg [dreg:$0x1c];
	[sflag:s7] =	ssyncadd.s32 $0xFFFFC000  }
0x198: {  	[hbm4b:s1+s2] =	stream.linear.scatter [tilespmem:s4], [sflag:$0x3], $0x8000, $0x38;
	[tilespmem:$0x11900] =	vst v63  }
.Ltmp1:
0x199: {  	_ =	swait.ge [sflag:s5], $0x8000;
	(pc) =	sbr.rel @!p1 .LBB2_3-.Ltmp1, $4  }
0x19a: {  	[sflag:s5] =	ssyncset.done $0x0  }
0x19b: {  	[sflag:s5] =	ssyncadd.s32 $0xFFFF8000  }
0x19c: {  	p0 =	por $0x1, $0x1;
	_ =	swait.ge [sflag:s8], $0x8000  }
0x19d: {  	s1 =	sadd.s32 $0xFFFFFFFF, s13;
	s0 =	rddreg [dreg:$0x3];
	[sflag:s8] =	ssyncset.done $0x0  }
.LBB2_4:
0x19e: {  	[sflag:s8] =	ssyncadd.s32 $0xFFFF8000  }
0x19f: {  	[tilespmem:s2], [sflag:$0x5] =	stream.linear.gather [hbm4b:s0+s2], $0x1900, $0x38;
	[tilespmem:$0x11900] =	vst v63  }
0x1a0: {  	_ =	swait.ge [sflag:s31], $0x1900  }
0x1a1: {  	[sflag:s31] =	ssyncset.done $0x0  }
0x1a2: {  	[sflag:s31] =	ssyncadd.s32 $0xFFFFE700  }
0x1a3: {  	[tilespmem:s4], [sflag:$0x1] =	stream.indirect.gather [hbm4b:s3+s6], $0x80, s2, s6, $0xb8;
	[tilespmem:$0x11900] =	vst v63  }
0x1a4: {  	_ = 	snop  }
0x1a5: {  	[tilespmem:s10], [sflag:$0x1] =	stream.indirect.gather [hbm4b:s3+s6], $0x80, s6, s6, $0xb8;
	[tilespmem:$0x11900] =	vst v63  }
0x1a6: {  	s0 =	rddreg [dreg:$0x1d]  }
0x1a7: {  	[tilespmem:s9], [sflag:$0x2] =	stream.indirect.gather [hbm4b:s3+s6], $0x80, s0, s6, $0xb8;
	[tilespmem:$0x11900] =	vst v63  }
0x1a8: {  	s13 =	rddreg [dreg:$0x1e]  }
0x1a9: {  	[tilespmem:s12], [sflag:$0x2] =	stream.indirect.gather [hbm4b:s3+s6], $0x80, s13, s6, $0xb8;
	[tilespmem:$0x11900] =	vst v63  }
0x1aa: {  	_ =	swait.ge [sflag:s7], $0x4000  }
0x1ab: {  	[sflag:s7] =	ssyncset.done $0x0  }
0x1ac: {  	[sflag:s7] =	ssyncadd.s32 $0xFFFFC000  }
0x1ad: {  	_ =	swait.ge [sflag:s7], $0x4000  }
0x1ae: {  	[sflag:s7] =	ssyncset.done $0x0  }
0x1af: {  	s13 =	rddreg [dreg:$0x4];
	[sflag:s7] =	ssyncadd.s32 $0xFFFFC000  }
0x1b0: {  	[hbm4b:s13+s2] =	stream.linear.scatter [tilespmem:s4], [sflag:$0x3], $0x8000, $0x38;
	[tilespmem:$0x11900] =	vst v63  }
0x1b1: {  	_ =	swait.ge [sflag:s5], $0x8000  }
0x1b2: {  	s0 =	rddreg [dreg:$0x1f];
	[sflag:s5] =	ssyncset.done $0x0  }
0x1b3: {  	s13 =	sld [smem:$0x7E2];
	[sflag:s5] =	ssyncadd.s32 $0xFFFF8000  }
0x1b4: {  	[tilespmem:s4], [sflag:$0x1] =	stream.indirect.gather [hbm4b:s3+s6], $0x80, s0, s6, $0xb8;
	[tilespmem:$0x11900] =	vst v63  }
0x1b5: {  	_ = 	snop  }
0x1b6: {  	[tilespmem:s10], [sflag:$0x1] =	stream.indirect.gather [hbm4b:s3+s6], $0x80, s13, s6, $0xb8;
	[tilespmem:$0x11900] =	vst v63  }
0x1b7: {  	_ =	swait.ge [sflag:s11], $0x4000  }
0x1b8: {  	[sflag:s11] =	ssyncset.done $0x0  }
0x1b9: {  	[sflag:s11] =	ssyncadd.s32 $0xFFFFC000  }
0x1ba: {  	_ =	swait.ge [sflag:s11], $0x4000  }
0x1bb: {  	[sflag:s11] =	ssyncset.done $0x0  }
0x1bc: {  	s13 =	rddreg [dreg:$0x5];
	[sflag:s11] =	ssyncadd.s32 $0xFFFFC000  }
0x1bd: {  	[hbm4b:s13+s2] =	stream.linear.scatter [tilespmem:s9], [sflag:$0x4], $0x8000, $0x38;
	[tilespmem:$0x11900] =	vst v63  }
0x1be: {  	_ =	swait.ge [sflag:s8], $0x8000  }
0x1bf: {  	s0 =	sld [smem:$0x7E3]  }
0x1c0: {  	[sflag:s8] =	ssyncset.done $0x0  }
0x1c1: {  	s13 =	sld [smem:$0x7E4];
	[sflag:s8] =	ssyncadd.s32 $0xFFFF8000  }
0x1c2: {  	[tilespmem:s9], [sflag:$0x2] =	stream.indirect.gather [hbm4b:s3+s6], $0x80, s0, s6, $0xb8;
	[tilespmem:$0x11900] =	vst v63  }
0x1c3: {  	_ = 	snop  }
0x1c4: {  	[tilespmem:s12], [sflag:$0x2] =	stream.indirect.gather [hbm4b:s3+s6], $0x80, s13, s6, $0xb8;
	[tilespmem:$0x11900] =	vst v63  }
0x1c5: {  	_ =	swait.ge [sflag:s7], $0x4000  }
0x1c6: {  	[sflag:s7] =	ssyncset.done $0x0  }
0x1c7: {  	[sflag:s7] =	ssyncadd.s32 $0xFFFFC000  }
0x1c8: {  	_ =	swait.ge [sflag:s7], $0x4000  }
0x1c9: {  	[sflag:s7] =	ssyncset.done $0x0  }
0x1ca: {  	s13 =	rddreg [dreg:$0x6];
	[sflag:s7] =	ssyncadd.s32 $0xFFFFC000  }
0x1cb: {  	[hbm4b:s13+s2] =	stream.linear.scatter [tilespmem:s4], [sflag:$0x3], $0x8000, $0x38;
	[tilespmem:$0x11900] =	vst v63  }
0x1cc: {  	_ =	swait.ge [sflag:s5], $0x8000  }
0x1cd: {  	s0 =	sld [smem:$0x7E5]  }
0x1ce: {  	[sflag:s5] =	ssyncset.done $0x0  }
0x1cf: {  	s13 =	sld [smem:$0x7E6];
	[sflag:s5] =	ssyncadd.s32 $0xFFFF8000  }
0x1d0: {  	[tilespmem:s4], [sflag:$0x1] =	stream.indirect.gather [hbm4b:s3+s6], $0x80, s0, s6, $0xb8;
	[tilespmem:$0x11900] =	vst v63  }
0x1d1: {  	_ = 	snop  }
0x1d2: {  	[tilespmem:s10], [sflag:$0x1] =	stream.indirect.gather [hbm4b:s3+s6], $0x80, s13, s6, $0xb8;
	[tilespmem:$0x11900] =	vst v63  }
0x1d3: {  	_ =	swait.ge [sflag:s11], $0x4000  }
0x1d4: {  	[sflag:s11] =	ssyncset.done $0x0  }
0x1d5: {  	[sflag:s11] =	ssyncadd.s32 $0xFFFFC000  }
0x1d6: {  	_ =	swait.ge [sflag:s11], $0x4000  }
0x1d7: {  	[sflag:s11] =	ssyncset.done $0x0  }
0x1d8: {  	s13 =	rddreg [dreg:$0x7];
	[sflag:s11] =	ssyncadd.s32 $0xFFFFC000  }
0x1d9: {  	[hbm4b:s13+s2] =	stream.linear.scatter [tilespmem:s9], [sflag:$0x4], $0x8000, $0x38;
	[tilespmem:$0x11900] =	vst v63  }
0x1da: {  	_ =	swait.ge [sflag:s8], $0x8000  }
0x1db: {  	s0 =	sld [smem:$0x7E7]  }
0x1dc: {  	[sflag:s8] =	ssyncset.done $0x0  }
0x1dd: {  	s13 =	sld [smem:$0x7E8];
	[sflag:s8] =	ssyncadd.s32 $0xFFFF8000  }
0x1de: {  	[tilespmem:s9], [sflag:$0x2] =	stream.indirect.gather [hbm4b:s3+s6], $0x80, s0, s6, $0xb8;
	[tilespmem:$0x11900] =	vst v63  }
0x1df: {  	_ = 	snop  }
0x1e0: {  	[tilespmem:s12], [sflag:$0x2] =	stream.indirect.gather [hbm4b:s3+s6], $0x80, s13, s6, $0xb8;
	[tilespmem:$0x11900] =	vst v63  }
0x1e1: {  	_ =	swait.ge [sflag:s7], $0x4000  }
0x1e2: {  	[sflag:s7] =	ssyncset.done $0x0  }
0x1e3: {  	[sflag:s7] =	ssyncadd.s32 $0xFFFFC000  }
0x1e4: {  	_ =	swait.ge [sflag:s7], $0x4000  }
0x1e5: {  	[sflag:s7] =	ssyncset.done $0x0  }
0x1e6: {  	s13 =	rddreg [dreg:$0x8];
	[sflag:s7] =	ssyncadd.s32 $0xFFFFC000  }
0x1e7: {  	[hbm4b:s13+s2] =	stream.linear.scatter [tilespmem:s4], [sflag:$0x3], $0x8000, $0x38;
	[tilespmem:$0x11900] =	vst v63  }
0x1e8: {  	_ =	swait.ge [sflag:s5], $0x8000  }
0x1e9: {  	s0 =	sld [smem:$0x7E9]  }
0x1ea: {  	[sflag:s5] =	ssyncset.done $0x0  }
0x1eb: {  	s13 =	sld [smem:$0x7EA];
	[sflag:s5] =	ssyncadd.s32 $0xFFFF8000  }
0x1ec: {  	[tilespmem:s4], [sflag:$0x1] =	stream.indirect.gather [hbm4b:s3+s6], $0x80, s0, s6, $0xb8;
	[tilespmem:$0x11900] =	vst v63  }
0x1ed: {  	_ = 	snop  }
0x1ee: {  	[tilespmem:s10], [sflag:$0x1] =	stream.indirect.gather [hbm4b:s3+s6], $0x80, s13, s6, $0xb8;
	[tilespmem:$0x11900] =	vst v63  }
0x1ef: {  	_ =	swait.ge [sflag:s11], $0x4000  }
0x1f0: {  	[sflag:s11] =	ssyncset.done $0x0  }
0x1f1: {  	[sflag:s11] =	ssyncadd.s32 $0xFFFFC000  }
0x1f2: {  	_ =	swait.ge [sflag:s11], $0x4000  }
0x1f3: {  	[sflag:s11] =	ssyncset.done $0x0  }
0x1f4: {  	s13 =	rddreg [dreg:$0x9];
	[sflag:s11] =	ssyncadd.s32 $0xFFFFC000  }
0x1f5: {  	[hbm4b:s13+s2] =	stream.linear.scatter [tilespmem:s9], [sflag:$0x4], $0x8000, $0x38;
	[tilespmem:$0x11900] =	vst v63  }
0x1f6: {  	_ =	swait.ge [sflag:s8], $0x8000  }
0x1f7: {  	s0 =	sld [smem:$0x7EB]  }
0x1f8: {  	[sflag:s8] =	ssyncset.done $0x0  }
0x1f9: {  	s13 =	sld [smem:$0x7EC];
	[sflag:s8] =	ssyncadd.s32 $0xFFFF8000  }
0x1fa: {  	[tilespmem:s9], [sflag:$0x2] =	stream.indirect.gather [hbm4b:s3+s6], $0x80, s0, s6, $0xb8;
	[tilespmem:$0x11900] =	vst v63  }
0x1fb: {  	_ = 	snop  }
0x1fc: {  	[tilespmem:s12], [sflag:$0x2] =	stream.indirect.gather [hbm4b:s3+s6], $0x80, s13, s6, $0xb8;
	[tilespmem:$0x11900] =	vst v63  }
0x1fd: {  	_ =	swait.ge [sflag:s7], $0x4000  }
0x1fe: {  	[sflag:s7] =	ssyncset.done $0x0  }
0x1ff: {  	[sflag:s7] =	ssyncadd.s32 $0xFFFFC000  }
0x200: {  	_ =	swait.ge [sflag:s7], $0x4000  }
0x201: {  	[sflag:s7] =	ssyncset.done $0x0  }
0x202: {  	s13 =	rddreg [dreg:$0xa];
	[sflag:s7] =	ssyncadd.s32 $0xFFFFC000  }
0x203: {  	[hbm4b:s13+s2] =	stream.linear.scatter [tilespmem:s4], [sflag:$0x3], $0x8000, $0x38;
	[tilespmem:$0x11900] =	vst v63  }
0x204: {  	_ =	swait.ge [sflag:s5], $0x8000  }
0x205: {  	s0 =	sld [smem:$0x7ED]  }
0x206: {  	[sflag:s5] =	ssyncset.done $0x0  }
0x207: {  	s13 =	sld [smem:$0x7EE];
	[sflag:s5] =	ssyncadd.s32 $0xFFFF8000  }
0x208: {  	[tilespmem:s4], [sflag:$0x1] =	stream.indirect.gather [hbm4b:s3+s6], $0x80, s0, s6, $0xb8;
	[tilespmem:$0x11900] =	vst v63  }
0x209: {  	_ = 	snop  }
0x20a: {  	[tilespmem:s10], [sflag:$0x1] =	stream.indirect.gather [hbm4b:s3+s6], $0x80, s13, s6, $0xb8;
	[tilespmem:$0x11900] =	vst v63  }
0x20b: {  	_ =	swait.ge [sflag:s11], $0x4000  }
0x20c: {  	[sflag:s11] =	ssyncset.done $0x0  }
0x20d: {  	[sflag:s11] =	ssyncadd.s32 $0xFFFFC000  }
0x20e: {  	_ =	swait.ge [sflag:s11], $0x4000  }
0x20f: {  	[sflag:s11] =	ssyncset.done $0x0  }
0x210: {  	s13 =	rddreg [dreg:$0xb];
	[sflag:s11] =	ssyncadd.s32 $0xFFFFC000  }
0x211: {  	[hbm4b:s13+s2] =	stream.linear.scatter [tilespmem:s9], [sflag:$0x4], $0x8000, $0x38;
	[tilespmem:$0x11900] =	vst v63  }
0x212: {  	_ =	swait.ge [sflag:s8], $0x8000  }
0x213: {  	s0 =	sld [smem:$0x7EF]  }
0x214: {  	[sflag:s8] =	ssyncset.done $0x0  }
0x215: {  	s13 =	sld [smem:$0x7F0];
	[sflag:s8] =	ssyncadd.s32 $0xFFFF8000  }
0x216: {  	[tilespmem:s9], [sflag:$0x2] =	stream.indirect.gather [hbm4b:s3+s6], $0x80, s0, s6, $0xb8;
	[tilespmem:$0x11900] =	vst v63  }
0x217: {  	_ = 	snop  }
0x218: {  	[tilespmem:s12], [sflag:$0x2] =	stream.indirect.gather [hbm4b:s3+s6], $0x80, s13, s6, $0xb8;
	[tilespmem:$0x11900] =	vst v63  }
0x219: {  	_ =	swait.ge [sflag:s7], $0x4000  }
0x21a: {  	[sflag:s7] =	ssyncset.done $0x0  }
0x21b: {  	[sflag:s7] =	ssyncadd.s32 $0xFFFFC000  }
0x21c: {  	_ =	swait.ge [sflag:s7], $0x4000  }
0x21d: {  	[sflag:s7] =	ssyncset.done $0x0  }
0x21e: {  	s13 =	rddreg [dreg:$0xc];
	[sflag:s7] =	ssyncadd.s32 $0xFFFFC000  }
0x21f: {  	[hbm4b:s13+s2] =	stream.linear.scatter [tilespmem:s4], [sflag:$0x3], $0x8000, $0x38;
	[tilespmem:$0x11900] =	vst v63  }
0x220: {  	_ =	swait.ge [sflag:s5], $0x8000  }
0x221: {  	s0 =	sld [smem:$0x7F1]  }
0x222: {  	[sflag:s5] =	ssyncset.done $0x0  }
0x223: {  	s13 =	sld [smem:$0x7F2];
	[sflag:s5] =	ssyncadd.s32 $0xFFFF8000  }
0x224: {  	[tilespmem:s4], [sflag:$0x1] =	stream.indirect.gather [hbm4b:s3+s6], $0x80, s0, s6, $0xb8;
	[tilespmem:$0x11900] =	vst v63  }
0x225: {  	_ = 	snop  }
0x226: {  	[tilespmem:s10], [sflag:$0x1] =	stream.indirect.gather [hbm4b:s3+s6], $0x80, s13, s6, $0xb8;
	[tilespmem:$0x11900] =	vst v63  }
0x227: {  	_ =	swait.ge [sflag:s11], $0x4000  }
0x228: {  	[sflag:s11] =	ssyncset.done $0x0  }
0x229: {  	[sflag:s11] =	ssyncadd.s32 $0xFFFFC000  }
0x22a: {  	_ =	swait.ge [sflag:s11], $0x4000  }
0x22b: {  	[sflag:s11] =	ssyncset.done $0x0  }
0x22c: {  	s13 =	rddreg [dreg:$0xd];
	[sflag:s11] =	ssyncadd.s32 $0xFFFFC000  }
0x22d: {  	[hbm4b:s13+s2] =	stream.linear.scatter [tilespmem:s9], [sflag:$0x4], $0x8000, $0x38;
	[tilespmem:$0x11900] =	vst v63  }
0x22e: {  	_ =	swait.ge [sflag:s8], $0x8000  }
0x22f: {  	s0 =	sld [smem:$0x7F3]  }
0x230: {  	[sflag:s8] =	ssyncset.done $0x0  }
0x231: {  	s13 =	sld [smem:$0x7F4];
	[sflag:s8] =	ssyncadd.s32 $0xFFFF8000  }
0x232: {  	[tilespmem:s9], [sflag:$0x2] =	stream.indirect.gather [hbm4b:s3+s6], $0x80, s0, s6, $0xb8;
	[tilespmem:$0x11900] =	vst v63  }
0x233: {  	_ = 	snop  }
0x234: {  	[tilespmem:s12], [sflag:$0x2] =	stream.indirect.gather [hbm4b:s3+s6], $0x80, s13, s6, $0xb8;
	[tilespmem:$0x11900] =	vst v63  }
0x235: {  	_ =	swait.ge [sflag:s7], $0x4000  }
0x236: {  	[sflag:s7] =	ssyncset.done $0x0  }
0x237: {  	[sflag:s7] =	ssyncadd.s32 $0xFFFFC000  }
0x238: {  	_ =	swait.ge [sflag:s7], $0x4000  }
0x239: {  	[sflag:s7] =	ssyncset.done $0x0  }
0x23a: {  	s13 =	rddreg [dreg:$0xe];
	[sflag:s7] =	ssyncadd.s32 $0xFFFFC000  }
0x23b: {  	[hbm4b:s13+s2] =	stream.linear.scatter [tilespmem:s4], [sflag:$0x3], $0x8000, $0x38;
	[tilespmem:$0x11900] =	vst v63  }
0x23c: {  	_ =	swait.ge [sflag:s5], $0x8000  }
0x23d: {  	s0 =	sld [smem:$0x7F5]  }
0x23e: {  	[sflag:s5] =	ssyncset.done $0x0  }
0x23f: {  	s13 =	sld [smem:$0x7F6];
	[sflag:s5] =	ssyncadd.s32 $0xFFFF8000  }
0x240: {  	[tilespmem:s4], [sflag:$0x1] =	stream.indirect.gather [hbm4b:s3+s6], $0x80, s0, s6, $0xb8;
	[tilespmem:$0x11900] =	vst v63  }
0x241: {  	_ = 	snop  }
0x242: {  	[tilespmem:s10], [sflag:$0x1] =	stream.indirect.gather [hbm4b:s3+s6], $0x80, s13, s6, $0xb8;
	[tilespmem:$0x11900] =	vst v63  }
0x243: {  	_ =	swait.ge [sflag:s11], $0x4000  }
0x244: {  	[sflag:s11] =	ssyncset.done $0x0  }
0x245: {  	[sflag:s11] =	ssyncadd.s32 $0xFFFFC000  }
0x246: {  	_ =	swait.ge [sflag:s11], $0x4000  }
0x247: {  	[sflag:s11] =	ssyncset.done $0x0  }
0x248: {  	s13 =	rddreg [dreg:$0xf];
	[sflag:s11] =	ssyncadd.s32 $0xFFFFC000  }
0x249: {  	[hbm4b:s13+s2] =	stream.linear.scatter [tilespmem:s9], [sflag:$0x4], $0x8000, $0x38;
	[tilespmem:$0x11900] =	vst v63  }
0x24a: {  	_ =	swait.ge [sflag:s8], $0x8000  }
0x24b: {  	s0 =	sld [smem:$0x7F7]  }
0x24c: {  	[sflag:s8] =	ssyncset.done $0x0  }
0x24d: {  	s13 =	sld [smem:$0x7F8];
	[sflag:s8] =	ssyncadd.s32 $0xFFFF8000  }
0x24e: {  	[tilespmem:s9], [sflag:$0x2] =	stream.indirect.gather [hbm4b:s3+s6], $0x80, s0, s6, $0xb8;
	[tilespmem:$0x11900] =	vst v63  }
0x24f: {  	_ = 	snop  }
0x250: {  	[tilespmem:s12], [sflag:$0x2] =	stream.indirect.gather [hbm4b:s3+s6], $0x80, s13, s6, $0xb8;
	[tilespmem:$0x11900] =	vst v63  }
0x251: {  	_ =	swait.ge [sflag:s7], $0x4000  }
0x252: {  	[sflag:s7] =	ssyncset.done $0x0  }
0x253: {  	[sflag:s7] =	ssyncadd.s32 $0xFFFFC000  }
0x254: {  	_ =	swait.ge [sflag:s7], $0x4000  }
0x255: {  	[sflag:s7] =	ssyncset.done $0x0  }
0x256: {  	s13 =	rddreg [dreg:$0x10];
	[sflag:s7] =	ssyncadd.s32 $0xFFFFC000  }
0x257: {  	[hbm4b:s13+s2] =	stream.linear.scatter [tilespmem:s4], [sflag:$0x3], $0x8000, $0x38;
	[tilespmem:$0x11900] =	vst v63  }
0x258: {  	_ =	swait.ge [sflag:s5], $0x8000  }
0x259: {  	s0 =	sld [smem:$0x7F9]  }
0x25a: {  	[sflag:s5] =	ssyncset.done $0x0  }
0x25b: {  	s13 =	sld [smem:$0x7FA];
	[sflag:s5] =	ssyncadd.s32 $0xFFFF8000  }
0x25c: {  	[tilespmem:s4], [sflag:$0x1] =	stream.indirect.gather [hbm4b:s3+s6], $0x80, s0, s6, $0xb8;
	[tilespmem:$0x11900] =	vst v63  }
0x25d: {  	_ = 	snop  }
0x25e: {  	[tilespmem:s10], [sflag:$0x1] =	stream.indirect.gather [hbm4b:s3+s6], $0x80, s13, s6, $0xb8;
	[tilespmem:$0x11900] =	vst v63  }
0x25f: {  	_ =	swait.ge [sflag:s11], $0x4000  }
0x260: {  	[sflag:s11] =	ssyncset.done $0x0  }
0x261: {  	[sflag:s11] =	ssyncadd.s32 $0xFFFFC000  }
0x262: {  	_ =	swait.ge [sflag:s11], $0x4000  }
0x263: {  	[sflag:s11] =	ssyncset.done $0x0  }
0x264: {  	s13 =	rddreg [dreg:$0x11];
	[sflag:s11] =	ssyncadd.s32 $0xFFFFC000  }
0x265: {  	[hbm4b:s13+s2] =	stream.linear.scatter [tilespmem:s9], [sflag:$0x4], $0x8000, $0x38;
	[tilespmem:$0x11900] =	vst v63  }
0x266: {  	_ =	swait.ge [sflag:s8], $0x8000  }
0x267: {  	s0 =	sld [smem:$0x7FB]  }
0x268: {  	[sflag:s8] =	ssyncset.done $0x0  }
0x269: {  	s13 =	sld [smem:$0x7FC];
	[sflag:s8] =	ssyncadd.s32 $0xFFFF8000  }
0x26a: {  	[tilespmem:s9], [sflag:$0x2] =	stream.indirect.gather [hbm4b:s3+s6], $0x80, s0, s6, $0xb8;
	[tilespmem:$0x11900] =	vst v63  }
0x26b: {  	_ = 	snop  }
0x26c: {  	[tilespmem:s12], [sflag:$0x2] =	stream.indirect.gather [hbm4b:s3+s6], $0x80, s13, s6, $0xb8;
	[tilespmem:$0x11900] =	vst v63  }
0x26d: {  	_ =	swait.ge [sflag:s7], $0x4000  }
0x26e: {  	[sflag:s7] =	ssyncset.done $0x0  }
0x26f: {  	[sflag:s7] =	ssyncadd.s32 $0xFFFFC000  }
0x270: {  	_ =	swait.ge [sflag:s7], $0x4000  }
0x271: {  	[sflag:s7] =	ssyncset.done $0x0  }
0x272: {  	s13 =	rddreg [dreg:$0x12];
	[sflag:s7] =	ssyncadd.s32 $0xFFFFC000  }
0x273: {  	[hbm4b:s13+s2] =	stream.linear.scatter [tilespmem:s4], [sflag:$0x3], $0x8000, $0x38;
	[tilespmem:$0x11900] =	vst v63  }
0x274: {  	_ =	swait.ge [sflag:s5], $0x8000  }
0x275: {  	s13 =	sld [smem:$0x7FD]  }
0x276: {  	[sflag:s5] =	ssyncset.done $0x0  }
0x277: {  	[sflag:s5] =	ssyncadd.s32 $0xFFFF8000  }
0x278: {  	[tilespmem:s4], [sflag:$0x1] =	stream.indirect.gather [hbm4b:s3+s6], $0x80, s13, s6, $0xb8;
	[tilespmem:$0x11900] =	vst v63  }
0x279: {  	_ = 	snop  }
0x27a: {  	[tilespmem:s10], [sflag:$0x1] =	stream.indirect.gather [hbm4b:s3+s6], $0x80, s20, s6, $0xb8;
	[tilespmem:$0x11900] =	vst v63  }
0x27b: {  	_ =	swait.ge [sflag:s11], $0x4000  }
0x27c: {  	[sflag:s11] =	ssyncset.done $0x0  }
0x27d: {  	[sflag:s11] =	ssyncadd.s32 $0xFFFFC000  }
0x27e: {  	_ =	swait.ge [sflag:s11], $0x4000  }
0x27f: {  	[sflag:s11] =	ssyncset.done $0x0  }
0x280: {  	s13 =	rddreg [dreg:$0x13];
	[sflag:s11] =	ssyncadd.s32 $0xFFFFC000  }
0x281: {  	[hbm4b:s13+s2] =	stream.linear.scatter [tilespmem:s9], [sflag:$0x4], $0x8000, $0x38;
	[tilespmem:$0x11900] =	vst v63  }
0x282: {  	_ =	swait.ge [sflag:s8], $0x8000  }
0x283: {  	[sflag:s8] =	ssyncset.done $0x0  }
0x284: {  	[sflag:s8] =	ssyncadd.s32 $0xFFFF8000  }
0x285: {  	[tilespmem:s9], [sflag:$0x2] =	stream.indirect.gather [hbm4b:s3+s6], $0x80, s29, s6, $0xb8;
	[tilespmem:$0x11900] =	vst v63  }
0x286: {  	_ = 	snop  }
0x287: {  	[tilespmem:s12], [sflag:$0x2] =	stream.indirect.gather [hbm4b:s3+s6], $0x80, s30, s6, $0xb8;
	[tilespmem:$0x11900] =	vst v63  }
0x288: {  	_ =	swait.ge [sflag:s7], $0x4000  }
0x289: {  	[sflag:s7] =	ssyncset.done $0x0  }
0x28a: {  	[sflag:s7] =	ssyncadd.s32 $0xFFFFC000  }
0x28b: {  	_ =	swait.ge [sflag:s7], $0x4000  }
0x28c: {  	[sflag:s7] =	ssyncset.done $0x0  }
0x28d: {  	s13 =	rddreg [dreg:$0x14];
	[sflag:s7] =	ssyncadd.s32 $0xFFFFC000  }
0x28e: {  	[hbm4b:s13+s2] =	stream.linear.scatter [tilespmem:s4], [sflag:$0x3], $0x8000, $0x38;
	[tilespmem:$0x11900] =	vst v63  }
0x28f: {  	_ =	swait.ge [sflag:s5], $0x8000  }
0x290: {  	[sflag:s5] =	ssyncset.done $0x0  }
0x291: {  	[sflag:s5] =	ssyncadd.s32 $0xFFFF8000  }
0x292: {  	[tilespmem:s4], [sflag:$0x1] =	stream.indirect.gather [hbm4b:s3+s6], $0x80, s26, s6, $0xb8;
	[tilespmem:$0x11900] =	vst v63  }
0x293: {  	_ = 	snop  }
0x294: {  	[tilespmem:s10], [sflag:$0x1] =	stream.indirect.gather [hbm4b:s3+s6], $0x80, s28, s6, $0xb8;
	[tilespmem:$0x11900] =	vst v63  }
0x295: {  	_ =	swait.ge [sflag:s11], $0x4000  }
0x296: {  	[sflag:s11] =	ssyncset.done $0x0  }
0x297: {  	[sflag:s11] =	ssyncadd.s32 $0xFFFFC000  }
0x298: {  	_ =	swait.ge [sflag:s11], $0x4000  }
0x299: {  	[sflag:s11] =	ssyncset.done $0x0  }
0x29a: {  	s13 =	rddreg [dreg:$0x15];
	[sflag:s11] =	ssyncadd.s32 $0xFFFFC000  }
0x29b: {  	[hbm4b:s13+s2] =	stream.linear.scatter [tilespmem:s9], [sflag:$0x4], $0x8000, $0x38;
	[tilespmem:$0x11900] =	vst v63  }
0x29c: {  	_ =	swait.ge [sflag:s8], $0x8000  }
0x29d: {  	[sflag:s8] =	ssyncset.done $0x0  }
0x29e: {  	[sflag:s8] =	ssyncadd.s32 $0xFFFF8000  }
0x29f: {  	[tilespmem:s9], [sflag:$0x2] =	stream.indirect.gather [hbm4b:s3+s6], $0x80, s24, s6, $0xb8;
	[tilespmem:$0x11900] =	vst v63  }
0x2a0: {  	_ = 	snop  }
0x2a1: {  	[tilespmem:s12], [sflag:$0x2] =	stream.indirect.gather [hbm4b:s3+s6], $0x80, s25, s6, $0xb8;
	[tilespmem:$0x11900] =	vst v63  }
0x2a2: {  	_ =	swait.ge [sflag:s7], $0x4000  }
0x2a3: {  	[sflag:s7] =	ssyncset.done $0x0  }
0x2a4: {  	[sflag:s7] =	ssyncadd.s32 $0xFFFFC000  }
0x2a5: {  	_ =	swait.ge [sflag:s7], $0x4000  }
0x2a6: {  	[sflag:s7] =	ssyncset.done $0x0  }
0x2a7: {  	s13 =	rddreg [dreg:$0x16];
	[sflag:s7] =	ssyncadd.s32 $0xFFFFC000  }
0x2a8: {  	[hbm4b:s13+s2] =	stream.linear.scatter [tilespmem:s4], [sflag:$0x3], $0x8000, $0x38;
	[tilespmem:$0x11900] =	vst v63  }
0x2a9: {  	_ =	swait.ge [sflag:s5], $0x8000  }
0x2aa: {  	[sflag:s5] =	ssyncset.done $0x0  }
0x2ab: {  	[sflag:s5] =	ssyncadd.s32 $0xFFFF8000  }
0x2ac: {  	[tilespmem:s4], [sflag:$0x1] =	stream.indirect.gather [hbm4b:s3+s6], $0x80, s22, s6, $0xb8;
	[tilespmem:$0x11900] =	vst v63  }
0x2ad: {  	_ = 	snop  }
0x2ae: {  	[tilespmem:s10], [sflag:$0x1] =	stream.indirect.gather [hbm4b:s3+s6], $0x80, s23, s6, $0xb8;
	[tilespmem:$0x11900] =	vst v63  }
0x2af: {  	_ =	swait.ge [sflag:s11], $0x4000  }
0x2b0: {  	[sflag:s11] =	ssyncset.done $0x0  }
0x2b1: {  	[sflag:s11] =	ssyncadd.s32 $0xFFFFC000  }
0x2b2: {  	_ =	swait.ge [sflag:s11], $0x4000  }
0x2b3: {  	[sflag:s11] =	ssyncset.done $0x0  }
0x2b4: {  	s13 =	rddreg [dreg:$0x17];
	[sflag:s11] =	ssyncadd.s32 $0xFFFFC000  }
0x2b5: {  	[hbm4b:s13+s2] =	stream.linear.scatter [tilespmem:s9], [sflag:$0x4], $0x8000, $0x38;
	[tilespmem:$0x11900] =	vst v63  }
0x2b6: {  	_ =	swait.ge [sflag:s8], $0x8000  }
0x2b7: {  	[sflag:s8] =	ssyncset.done $0x0  }
0x2b8: {  	s13 =	simm.s32 $0x1500;
	[sflag:s8] =	ssyncadd.s32 $0xFFFF8000  }
0x2b9: {  	[tilespmem:s9], [sflag:$0x2] =	stream.indirect.gather [hbm4b:s3+s6], $0x80, s13, s6, $0xb8;
	[tilespmem:$0x11900] =	vst v63  }
0x2ba: {  	_ = 	snop  }
0x2bb: {  	[tilespmem:s12], [sflag:$0x2] =	stream.indirect.gather [hbm4b:s3+s6], $0x80, s21, s6, $0xb8;
	[tilespmem:$0x11900] =	vst v63  }
0x2bc: {  	_ =	swait.ge [sflag:s7], $0x4000  }
0x2bd: {  	[sflag:s7] =	ssyncset.done $0x0  }
0x2be: {  	[sflag:s7] =	ssyncadd.s32 $0xFFFFC000  }
0x2bf: {  	_ =	swait.ge [sflag:s7], $0x4000  }
0x2c0: {  	[sflag:s7] =	ssyncset.done $0x0  }
0x2c1: {  	s13 =	rddreg [dreg:$0x18];
	[sflag:s7] =	ssyncadd.s32 $0xFFFFC000  }
0x2c2: {  	[hbm4b:s13+s2] =	stream.linear.scatter [tilespmem:s4], [sflag:$0x3], $0x8000, $0x38;
	[tilespmem:$0x11900] =	vst v63  }
0x2c3: {  	_ =	swait.ge [sflag:s5], $0x8000  }
0x2c4: {  	[sflag:s5] =	ssyncset.done $0x0  }
0x2c5: {  	[sflag:s5] =	ssyncadd.s32 $0xFFFF8000  }
0x2c6: {  	[tilespmem:s4], [sflag:$0x1] =	stream.indirect.gather [hbm4b:s3+s6], $0x80, s18, s6, $0xb8;
	[tilespmem:$0x11900] =	vst v63  }
0x2c7: {  	_ = 	snop  }
0x2c8: {  	[tilespmem:s10], [sflag:$0x1] =	stream.indirect.gather [hbm4b:s3+s6], $0x80, s19, s6, $0xb8;
	[tilespmem:$0x11900] =	vst v63  }
0x2c9: {  	_ =	swait.ge [sflag:s11], $0x4000  }
0x2ca: {  	[sflag:s11] =	ssyncset.done $0x0  }
0x2cb: {  	[sflag:s11] =	ssyncadd.s32 $0xFFFFC000  }
0x2cc: {  	_ =	swait.ge [sflag:s11], $0x4000  }
0x2cd: {  	[sflag:s11] =	ssyncset.done $0x0  }
0x2ce: {  	s13 =	rddreg [dreg:$0x19];
	[sflag:s11] =	ssyncadd.s32 $0xFFFFC000  }
0x2cf: {  	[hbm4b:s13+s2] =	stream.linear.scatter [tilespmem:s9], [sflag:$0x4], $0x8000, $0x38;
	[tilespmem:$0x11900] =	vst v63  }
0x2d0: {  	_ =	swait.ge [sflag:s8], $0x8000  }
0x2d1: {  	[sflag:s8] =	ssyncset.done $0x0  }
0x2d2: {  	[sflag:s8] =	ssyncadd.s32 $0xFFFF8000  }
0x2d3: {  	[tilespmem:s9], [sflag:$0x2] =	stream.indirect.gather [hbm4b:s3+s6], $0x80, s16, s6, $0xb8;
	[tilespmem:$0x11900] =	vst v63  }
0x2d4: {  	_ = 	snop  }
0x2d5: {  	[tilespmem:s12], [sflag:$0x2] =	stream.indirect.gather [hbm4b:s3+s6], $0x80, s17, s6, $0xb8;
	[tilespmem:$0x11900] =	vst v63  }
0x2d6: {  	_ =	swait.ge [sflag:s7], $0x4000  }
0x2d7: {  	[sflag:s7] =	ssyncset.done $0x0  }
0x2d8: {  	[sflag:s7] =	ssyncadd.s32 $0xFFFFC000  }
0x2d9: {  	_ =	swait.ge [sflag:s7], $0x4000  }
0x2da: {  	[sflag:s7] =	ssyncset.done $0x0  }
0x2db: {  	s13 =	rddreg [dreg:$0x1a];
	[sflag:s7] =	ssyncadd.s32 $0xFFFFC000  }
0x2dc: {  	[hbm4b:s13+s2] =	stream.linear.scatter [tilespmem:s4], [sflag:$0x3], $0x8000, $0x38;
	[tilespmem:$0x11900] =	vst v63  }
0x2dd: {  	_ =	swait.ge [sflag:s5], $0x8000  }
0x2de: {  	[sflag:s5] =	ssyncset.done $0x0  }
0x2df: {  	[sflag:s5] =	ssyncadd.s32 $0xFFFF8000  }
0x2e0: {  	[tilespmem:s4], [sflag:$0x1] =	stream.indirect.gather [hbm4b:s3+s6], $0x80, s14, s6, $0xb8;
	[tilespmem:$0x11900] =	vst v63  }
0x2e1: {  	_ = 	snop  }
0x2e2: {  	[tilespmem:s10], [sflag:$0x1] =	stream.indirect.gather [hbm4b:s3+s6], $0x80, s15, s6, $0xb8;
	[tilespmem:$0x11900] =	vst v63  }
0x2e3: {  	_ =	swait.ge [sflag:s11], $0x4000  }
0x2e4: {  	[sflag:s11] =	ssyncset.done $0x0  }
0x2e5: {  	[sflag:s11] =	ssyncadd.s32 $0xFFFFC000  }
0x2e6: {  	_ =	swait.ge [sflag:s11], $0x4000  }
0x2e7: {  	[sflag:s11] =	ssyncset.done $0x0  }
0x2e8: {  	s13 =	rddreg [dreg:$0x1b];
	[sflag:s11] =	ssyncadd.s32 $0xFFFFC000  }
0x2e9: {  	[hbm4b:s13+s2] =	stream.linear.scatter [tilespmem:s9], [sflag:$0x4], $0x8000, $0x38;
	[tilespmem:$0x11900] =	vst v63  }
0x2ea: {  	_ =	swait.ge [sflag:s7], $0x4000  }
0x2eb: {  	[sflag:s7] =	ssyncset.done $0x0  }
0x2ec: {  	[sflag:s7] =	ssyncadd.s32 $0xFFFFC000  }
0x2ed: {  	_ =	swait.ge [sflag:s7], $0x4000  }
0x2ee: {  	[sflag:s7] =	ssyncset.done $0x0  }
0x2ef: {  	p1 =	sne.s32 s1, $0x1;
	s13 =	rddreg [dreg:$0x1c];
	[sflag:s7] =	ssyncadd.s32 $0xFFFFC000  }
0x2f0: {  	[hbm4b:s13+s2] =	stream.linear.scatter [tilespmem:s4], [sflag:$0x3], $0x8000, $0x38;
	[tilespmem:$0x11900] =	vst v63  }
.Ltmp2:
0x2f1: {  	_ =	swait.ge [sflag:s5], $0x8000;
	(pc) =	sbr.rel @p1 .LBB2_4-.Ltmp2, $4  }
0x2f2: {  	[sflag:s5] =	ssyncset.done $0x0  }
0x2f3: {  	[sflag:s5] =	ssyncadd.s32 $0xFFFF8000  }
0x2f4: {  	_ =	swait.ge [sflag:s8], $0x8000  }
0x2f5: {  	s1 =	sadd.s32 $0xFFFFFFFF, s1;
	s0 =	rddreg [dreg:$0x3];
	[sflag:s8] =	ssyncset.done $0x0  }
0x2f6: {  	s15 =	simm.s32 $0x1080;
	s30 =	simm.s32 $0x1180  }
0x2f7: {  	s29 =	simm.s32 $0x1100;
	s28 =	simm.s32 $0x1280;
	s26 =	simm.s32 $0x1200  }
0x2f8: {  	s25 =	simm.s32 $0x1380;
	s24 =	simm.s32 $0x1300;
	s23 =	simm.s32 $0x1480  }
0x2f9: {  	s22 =	simm.s32 $0x1400;
	s21 =	simm.s32 $0x1580;
	s20 =	simm.s32 $0x1500  }
0x2fa: {  	s19 =	simm.s32 $0x1680;
	s18 =	simm.s32 $0x1600;
	s17 =	simm.s32 $0x1780  }
0x2fb: {  	s16 =	simm.s32 $0x1700;
	s14 =	simm.s32 $0x1800;
	s13 =	stileid.u32  }
.LBB2_6:
0x2fc: {  	[sflag:s8] =	ssyncadd.s32 @p0 $0xFFFF8000  }
0x2fd: {  	[tilespmem:s2], [sflag:$0x5] =	stream.linear.gather [hbm4b:s0+s2], $0x1900, $0x38;
	[tilespmem:$0x11900] =	vst v63  }
0x2fe: {  	_ =	swait.ge [sflag:s31], $0x1900  }
0x2ff: {  	[sflag:s31] =	ssyncset.done $0x0  }
0x300: {  	[sflag:s31] =	ssyncadd.s32 $0xFFFFE700  }
0x301: {  	[tilespmem:s4], [sflag:$0x1] =	stream.indirect.gather [hbm4b:s3+s6], $0x80, s2, s6, $0xb8;
	[tilespmem:$0x11900] =	vst v63  }
0x302: {  	_ = 	snop  }
0x303: {  	[tilespmem:s10], [sflag:$0x1] =	stream.indirect.gather [hbm4b:s3+s6], $0x80, s6, s6, $0xb8;
	[tilespmem:$0x11900] =	vst v63  }
0x304: {  	s31 =	rddreg [dreg:$0x1d]  }
0x305: {  	[tilespmem:s9], [sflag:$0x2] =	stream.indirect.gather [hbm4b:s3+s6], $0x80, s31, s6, $0xb8;
	[tilespmem:$0x11900] =	vst v63  }
0x306: {  	s1 =	rddreg [dreg:$0x1e]  }
0x307: {  	[tilespmem:s12], [sflag:$0x2] =	stream.indirect.gather [hbm4b:s3+s6], $0x80, s1, s6, $0xb8;
	[tilespmem:$0x11900] =	vst v63  }
0x308: {  	_ =	swait.ge [sflag:s7], $0x4000  }
0x309: {  	[sflag:s7] =	ssyncset.done $0x0  }
0x30a: {  	[sflag:s7] =	ssyncadd.s32 $0xFFFFC000  }
0x30b: {  	_ =	swait.ge [sflag:s7], $0x4000  }
0x30c: {  	[sflag:s7] =	ssyncset.done $0x0  }
0x30d: {  	s31 =	rddreg [dreg:$0x4];
	[sflag:s7] =	ssyncadd.s32 $0xFFFFC000  }
0x30e: {  	[hbm4b:s31+s2] =	stream.linear.scatter [tilespmem:s4], [sflag:$0x3], $0x8000, $0x38;
	[tilespmem:$0x11900] =	vst v63  }
0x30f: {  	_ =	swait.ge [sflag:s5], $0x8000  }
0x310: {  	s1 =	rddreg [dreg:$0x1f];
	[sflag:s5] =	ssyncset.done $0x0  }
0x311: {  	s31 =	sld [smem:$0x7E2];
	[sflag:s5] =	ssyncadd.s32 $0xFFFF8000  }
0x312: {  	[tilespmem:s4], [sflag:$0x1] =	stream.indirect.gather [hbm4b:s3+s6], $0x80, s1, s6, $0xb8;
	[tilespmem:$0x11900] =	vst v63  }
0x313: {  	_ = 	snop  }
0x314: {  	[tilespmem:s10], [sflag:$0x1] =	stream.indirect.gather [hbm4b:s3+s6], $0x80, s31, s6, $0xb8;
	[tilespmem:$0x11900] =	vst v63  }
0x315: {  	_ =	swait.ge [sflag:s11], $0x4000  }
0x316: {  	[sflag:s11] =	ssyncset.done $0x0  }
0x317: {  	[sflag:s11] =	ssyncadd.s32 $0xFFFFC000  }
0x318: {  	_ =	swait.ge [sflag:s11], $0x4000  }
0x319: {  	[sflag:s11] =	ssyncset.done $0x0  }
0x31a: {  	s31 =	rddreg [dreg:$0x5];
	[sflag:s11] =	ssyncadd.s32 $0xFFFFC000  }
0x31b: {  	[hbm4b:s31+s2] =	stream.linear.scatter [tilespmem:s9], [sflag:$0x4], $0x8000, $0x38;
	[tilespmem:$0x11900] =	vst v63  }
0x31c: {  	_ =	swait.ge [sflag:s8], $0x8000  }
0x31d: {  	s1 =	sld [smem:$0x7E3]  }
0x31e: {  	[sflag:s8] =	ssyncset.done $0x0  }
0x31f: {  	s31 =	sld [smem:$0x7E4];
	[sflag:s8] =	ssyncadd.s32 $0xFFFF8000  }
0x320: {  	[tilespmem:s9], [sflag:$0x2] =	stream.indirect.gather [hbm4b:s3+s6], $0x80, s1, s6, $0xb8;
	[tilespmem:$0x11900] =	vst v63  }
0x321: {  	_ = 	snop  }
0x322: {  	[tilespmem:s12], [sflag:$0x2] =	stream.indirect.gather [hbm4b:s3+s6], $0x80, s31, s6, $0xb8;
	[tilespmem:$0x11900] =	vst v63  }
0x323: {  	_ =	swait.ge [sflag:s7], $0x4000  }
0x324: {  	[sflag:s7] =	ssyncset.done $0x0  }
0x325: {  	[sflag:s7] =	ssyncadd.s32 $0xFFFFC000  }
0x326: {  	_ =	swait.ge [sflag:s7], $0x4000  }
0x327: {  	[sflag:s7] =	ssyncset.done $0x0  }
0x328: {  	s31 =	rddreg [dreg:$0x6];
	[sflag:s7] =	ssyncadd.s32 $0xFFFFC000  }
0x329: {  	[hbm4b:s31+s2] =	stream.linear.scatter [tilespmem:s4], [sflag:$0x3], $0x8000, $0x38;
	[tilespmem:$0x11900] =	vst v63  }
0x32a: {  	_ =	swait.ge [sflag:s5], $0x8000  }
0x32b: {  	s1 =	sld [smem:$0x7E5]  }
0x32c: {  	[sflag:s5] =	ssyncset.done $0x0  }
0x32d: {  	s31 =	sld [smem:$0x7E6];
	[sflag:s5] =	ssyncadd.s32 $0xFFFF8000  }
0x32e: {  	[tilespmem:s4], [sflag:$0x1] =	stream.indirect.gather [hbm4b:s3+s6], $0x80, s1, s6, $0xb8;
	[tilespmem:$0x11900] =	vst v63  }
0x32f: {  	_ = 	snop  }
0x330: {  	[tilespmem:s10], [sflag:$0x1] =	stream.indirect.gather [hbm4b:s3+s6], $0x80, s31, s6, $0xb8;
	[tilespmem:$0x11900] =	vst v63  }
0x331: {  	_ =	swait.ge [sflag:s11], $0x4000  }
0x332: {  	[sflag:s11] =	ssyncset.done $0x0  }
0x333: {  	[sflag:s11] =	ssyncadd.s32 $0xFFFFC000  }
0x334: {  	_ =	swait.ge [sflag:s11], $0x4000  }
0x335: {  	[sflag:s11] =	ssyncset.done $0x0  }
0x336: {  	s31 =	rddreg [dreg:$0x7];
	[sflag:s11] =	ssyncadd.s32 $0xFFFFC000  }
0x337: {  	[hbm4b:s31+s2] =	stream.linear.scatter [tilespmem:s9], [sflag:$0x4], $0x8000, $0x38;
	[tilespmem:$0x11900] =	vst v63  }
0x338: {  	_ =	swait.ge [sflag:s8], $0x8000  }
0x339: {  	s1 =	sld [smem:$0x7E7]  }
0x33a: {  	[sflag:s8] =	ssyncset.done $0x0  }
0x33b: {  	s31 =	sld [smem:$0x7E8];
	[sflag:s8] =	ssyncadd.s32 $0xFFFF8000  }
0x33c: {  	[tilespmem:s9], [sflag:$0x2] =	stream.indirect.gather [hbm4b:s3+s6], $0x80, s1, s6, $0xb8;
	[tilespmem:$0x11900] =	vst v63  }
0x33d: {  	_ = 	snop  }
0x33e: {  	[tilespmem:s12], [sflag:$0x2] =	stream.indirect.gather [hbm4b:s3+s6], $0x80, s31, s6, $0xb8;
	[tilespmem:$0x11900] =	vst v63  }
0x33f: {  	_ =	swait.ge [sflag:s7], $0x4000  }
0x340: {  	[sflag:s7] =	ssyncset.done $0x0  }
0x341: {  	[sflag:s7] =	ssyncadd.s32 $0xFFFFC000  }
0x342: {  	_ =	swait.ge [sflag:s7], $0x4000  }
0x343: {  	[sflag:s7] =	ssyncset.done $0x0  }
0x344: {  	s31 =	rddreg [dreg:$0x8];
	[sflag:s7] =	ssyncadd.s32 $0xFFFFC000  }
0x345: {  	[hbm4b:s31+s2] =	stream.linear.scatter [tilespmem:s4], [sflag:$0x3], $0x8000, $0x38;
	[tilespmem:$0x11900] =	vst v63  }
0x346: {  	_ =	swait.ge [sflag:s5], $0x8000  }
0x347: {  	s1 =	sld [smem:$0x7E9]  }
0x348: {  	[sflag:s5] =	ssyncset.done $0x0  }
0x349: {  	s31 =	sld [smem:$0x7EA];
	[sflag:s5] =	ssyncadd.s32 $0xFFFF8000  }
0x34a: {  	[tilespmem:s4], [sflag:$0x1] =	stream.indirect.gather [hbm4b:s3+s6], $0x80, s1, s6, $0xb8;
	[tilespmem:$0x11900] =	vst v63  }
0x34b: {  	_ = 	snop  }
0x34c: {  	[tilespmem:s10], [sflag:$0x1] =	stream.indirect.gather [hbm4b:s3+s6], $0x80, s31, s6, $0xb8;
	[tilespmem:$0x11900] =	vst v63  }
0x34d: {  	_ =	swait.ge [sflag:s11], $0x4000  }
0x34e: {  	[sflag:s11] =	ssyncset.done $0x0  }
0x34f: {  	[sflag:s11] =	ssyncadd.s32 $0xFFFFC000  }
0x350: {  	_ =	swait.ge [sflag:s11], $0x4000  }
0x351: {  	[sflag:s11] =	ssyncset.done $0x0  }
0x352: {  	s31 =	rddreg [dreg:$0x9];
	[sflag:s11] =	ssyncadd.s32 $0xFFFFC000  }
0x353: {  	[hbm4b:s31+s2] =	stream.linear.scatter [tilespmem:s9], [sflag:$0x4], $0x8000, $0x38;
	[tilespmem:$0x11900] =	vst v63  }
0x354: {  	_ =	swait.ge [sflag:s8], $0x8000  }
0x355: {  	s1 =	sld [smem:$0x7EB]  }
0x356: {  	[sflag:s8] =	ssyncset.done $0x0  }
0x357: {  	s31 =	sld [smem:$0x7EC];
	[sflag:s8] =	ssyncadd.s32 $0xFFFF8000  }
0x358: {  	[tilespmem:s9], [sflag:$0x2] =	stream.indirect.gather [hbm4b:s3+s6], $0x80, s1, s6, $0xb8;
	[tilespmem:$0x11900] =	vst v63  }
0x359: {  	_ = 	snop  }
0x35a: {  	[tilespmem:s12], [sflag:$0x2] =	stream.indirect.gather [hbm4b:s3+s6], $0x80, s31, s6, $0xb8;
	[tilespmem:$0x11900] =	vst v63  }
0x35b: {  	_ =	swait.ge [sflag:s7], $0x4000  }
0x35c: {  	[sflag:s7] =	ssyncset.done $0x0  }
0x35d: {  	[sflag:s7] =	ssyncadd.s32 $0xFFFFC000  }
0x35e: {  	_ =	swait.ge [sflag:s7], $0x4000  }
0x35f: {  	[sflag:s7] =	ssyncset.done $0x0  }
0x360: {  	s31 =	rddreg [dreg:$0xa];
	[sflag:s7] =	ssyncadd.s32 $0xFFFFC000  }
0x361: {  	[hbm4b:s31+s2] =	stream.linear.scatter [tilespmem:s4], [sflag:$0x3], $0x8000, $0x38;
	[tilespmem:$0x11900] =	vst v63  }
0x362: {  	_ =	swait.ge [sflag:s5], $0x8000  }
0x363: {  	s1 =	sld [smem:$0x7ED]  }
0x364: {  	[sflag:s5] =	ssyncset.done $0x0  }
0x365: {  	s31 =	sld [smem:$0x7EE];
	[sflag:s5] =	ssyncadd.s32 $0xFFFF8000  }
0x366: {  	[tilespmem:s4], [sflag:$0x1] =	stream.indirect.gather [hbm4b:s3+s6], $0x80, s1, s6, $0xb8;
	[tilespmem:$0x11900] =	vst v63  }
0x367: {  	_ = 	snop  }
0x368: {  	[tilespmem:s10], [sflag:$0x1] =	stream.indirect.gather [hbm4b:s3+s6], $0x80, s31, s6, $0xb8;
	[tilespmem:$0x11900] =	vst v63  }
0x369: {  	_ =	swait.ge [sflag:s11], $0x4000  }
0x36a: {  	[sflag:s11] =	ssyncset.done $0x0  }
0x36b: {  	[sflag:s11] =	ssyncadd.s32 $0xFFFFC000  }
0x36c: {  	_ =	swait.ge [sflag:s11], $0x4000  }
0x36d: {  	[sflag:s11] =	ssyncset.done $0x0  }
0x36e: {  	s31 =	rddreg [dreg:$0xb];
	[sflag:s11] =	ssyncadd.s32 $0xFFFFC000  }
0x36f: {  	[hbm4b:s31+s2] =	stream.linear.scatter [tilespmem:s9], [sflag:$0x4], $0x8000, $0x38;
	[tilespmem:$0x11900] =	vst v63  }
0x370: {  	_ =	swait.ge [sflag:s8], $0x8000  }
0x371: {  	s1 =	sld [smem:$0x7EF]  }
0x372: {  	[sflag:s8] =	ssyncset.done $0x0  }
0x373: {  	s31 =	sld [smem:$0x7F0];
	[sflag:s8] =	ssyncadd.s32 $0xFFFF8000  }
0x374: {  	[tilespmem:s9], [sflag:$0x2] =	stream.indirect.gather [hbm4b:s3+s6], $0x80, s1, s6, $0xb8;
	[tilespmem:$0x11900] =	vst v63  }
0x375: {  	_ = 	snop  }
0x376: {  	[tilespmem:s12], [sflag:$0x2] =	stream.indirect.gather [hbm4b:s3+s6], $0x80, s31, s6, $0xb8;
	[tilespmem:$0x11900] =	vst v63  }
0x377: {  	_ =	swait.ge [sflag:s7], $0x4000  }
0x378: {  	[sflag:s7] =	ssyncset.done $0x0  }
0x379: {  	[sflag:s7] =	ssyncadd.s32 $0xFFFFC000  }
0x37a: {  	_ =	swait.ge [sflag:s7], $0x4000  }
0x37b: {  	[sflag:s7] =	ssyncset.done $0x0  }
0x37c: {  	s31 =	rddreg [dreg:$0xc];
	[sflag:s7] =	ssyncadd.s32 $0xFFFFC000  }
0x37d: {  	[hbm4b:s31+s2] =	stream.linear.scatter [tilespmem:s4], [sflag:$0x3], $0x8000, $0x38;
	[tilespmem:$0x11900] =	vst v63  }
0x37e: {  	_ =	swait.ge [sflag:s5], $0x8000  }
0x37f: {  	s1 =	sld [smem:$0x7F1]  }
0x380: {  	[sflag:s5] =	ssyncset.done $0x0  }
0x381: {  	s31 =	sld [smem:$0x7F2];
	[sflag:s5] =	ssyncadd.s32 $0xFFFF8000  }
0x382: {  	[tilespmem:s4], [sflag:$0x1] =	stream.indirect.gather [hbm4b:s3+s6], $0x80, s1, s6, $0xb8;
	[tilespmem:$0x11900] =	vst v63  }
0x383: {  	_ = 	snop  }
0x384: {  	[tilespmem:s10], [sflag:$0x1] =	stream.indirect.gather [hbm4b:s3+s6], $0x80, s31, s6, $0xb8;
	[tilespmem:$0x11900] =	vst v63  }
0x385: {  	_ =	swait.ge [sflag:s11], $0x4000  }
0x386: {  	[sflag:s11] =	ssyncset.done $0x0  }
0x387: {  	[sflag:s11] =	ssyncadd.s32 $0xFFFFC000  }
0x388: {  	_ =	swait.ge [sflag:s11], $0x4000  }
0x389: {  	[sflag:s11] =	ssyncset.done $0x0  }
0x38a: {  	s31 =	rddreg [dreg:$0xd];
	[sflag:s11] =	ssyncadd.s32 $0xFFFFC000  }
0x38b: {  	[hbm4b:s31+s2] =	stream.linear.scatter [tilespmem:s9], [sflag:$0x4], $0x8000, $0x38;
	[tilespmem:$0x11900] =	vst v63  }
0x38c: {  	_ =	swait.ge [sflag:s8], $0x8000  }
0x38d: {  	s1 =	sld [smem:$0x7F3]  }
0x38e: {  	[sflag:s8] =	ssyncset.done $0x0  }
0x38f: {  	s31 =	sld [smem:$0x7F4];
	[sflag:s8] =	ssyncadd.s32 $0xFFFF8000  }
0x390: {  	[tilespmem:s9], [sflag:$0x2] =	stream.indirect.gather [hbm4b:s3+s6], $0x80, s1, s6, $0xb8;
	[tilespmem:$0x11900] =	vst v63  }
0x391: {  	_ = 	snop  }
0x392: {  	[tilespmem:s12], [sflag:$0x2] =	stream.indirect.gather [hbm4b:s3+s6], $0x80, s31, s6, $0xb8;
	[tilespmem:$0x11900] =	vst v63  }
0x393: {  	_ =	swait.ge [sflag:s7], $0x4000  }
0x394: {  	[sflag:s7] =	ssyncset.done $0x0  }
0x395: {  	[sflag:s7] =	ssyncadd.s32 $0xFFFFC000  }
0x396: {  	_ =	swait.ge [sflag:s7], $0x4000  }
0x397: {  	[sflag:s7] =	ssyncset.done $0x0  }
0x398: {  	s31 =	rddreg [dreg:$0xe];
	[sflag:s7] =	ssyncadd.s32 $0xFFFFC000  }
0x399: {  	[hbm4b:s31+s2] =	stream.linear.scatter [tilespmem:s4], [sflag:$0x3], $0x8000, $0x38;
	[tilespmem:$0x11900] =	vst v63  }
0x39a: {  	_ =	swait.ge [sflag:s5], $0x8000  }
0x39b: {  	s1 =	sld [smem:$0x7F5]  }
0x39c: {  	[sflag:s5] =	ssyncset.done $0x0  }
0x39d: {  	s31 =	sld [smem:$0x7F6];
	[sflag:s5] =	ssyncadd.s32 $0xFFFF8000  }
0x39e: {  	[tilespmem:s4], [sflag:$0x1] =	stream.indirect.gather [hbm4b:s3+s6], $0x80, s1, s6, $0xb8;
	[tilespmem:$0x11900] =	vst v63  }
0x39f: {  	_ = 	snop  }
0x3a0: {  	[tilespmem:s10], [sflag:$0x1] =	stream.indirect.gather [hbm4b:s3+s6], $0x80, s31, s6, $0xb8;
	[tilespmem:$0x11900] =	vst v63  }
0x3a1: {  	_ =	swait.ge [sflag:s11], $0x4000  }
0x3a2: {  	[sflag:s11] =	ssyncset.done $0x0  }
0x3a3: {  	[sflag:s11] =	ssyncadd.s32 $0xFFFFC000  }
0x3a4: {  	_ =	swait.ge [sflag:s11], $0x4000  }
0x3a5: {  	[sflag:s11] =	ssyncset.done $0x0  }
0x3a6: {  	s31 =	rddreg [dreg:$0xf];
	[sflag:s11] =	ssyncadd.s32 $0xFFFFC000  }
0x3a7: {  	[hbm4b:s31+s2] =	stream.linear.scatter [tilespmem:s9], [sflag:$0x4], $0x8000, $0x38;
	[tilespmem:$0x11900] =	vst v63  }
0x3a8: {  	_ =	swait.ge [sflag:s8], $0x8000  }
0x3a9: {  	s1 =	sld [smem:$0x7F7]  }
0x3aa: {  	[sflag:s8] =	ssyncset.done $0x0  }
0x3ab: {  	s31 =	sld [smem:$0x7F8];
	[sflag:s8] =	ssyncadd.s32 $0xFFFF8000  }
0x3ac: {  	[tilespmem:s9], [sflag:$0x2] =	stream.indirect.gather [hbm4b:s3+s6], $0x80, s1, s6, $0xb8;
	[tilespmem:$0x11900] =	vst v63  }
0x3ad: {  	_ = 	snop  }
0x3ae: {  	[tilespmem:s12], [sflag:$0x2] =	stream.indirect.gather [hbm4b:s3+s6], $0x80, s31, s6, $0xb8;
	[tilespmem:$0x11900] =	vst v63  }
0x3af: {  	_ =	swait.ge [sflag:s7], $0x4000  }
0x3b0: {  	[sflag:s7] =	ssyncset.done $0x0  }
0x3b1: {  	[sflag:s7] =	ssyncadd.s32 $0xFFFFC000  }
0x3b2: {  	_ =	swait.ge [sflag:s7], $0x4000  }
0x3b3: {  	[sflag:s7] =	ssyncset.done $0x0  }
0x3b4: {  	s31 =	rddreg [dreg:$0x10];
	[sflag:s7] =	ssyncadd.s32 $0xFFFFC000  }
0x3b5: {  	[hbm4b:s31+s2] =	stream.linear.scatter [tilespmem:s4], [sflag:$0x3], $0x8000, $0x38;
	[tilespmem:$0x11900] =	vst v63  }
0x3b6: {  	_ =	swait.ge [sflag:s5], $0x8000  }
0x3b7: {  	s1 =	sld [smem:$0x7F9]  }
0x3b8: {  	[sflag:s5] =	ssyncset.done $0x0  }
0x3b9: {  	s31 =	sld [smem:$0x7FA];
	[sflag:s5] =	ssyncadd.s32 $0xFFFF8000  }
0x3ba: {  	[tilespmem:s4], [sflag:$0x1] =	stream.indirect.gather [hbm4b:s3+s6], $0x80, s1, s6, $0xb8;
	[tilespmem:$0x11900] =	vst v63  }
0x3bb: {  	_ = 	snop  }
0x3bc: {  	[tilespmem:s10], [sflag:$0x1] =	stream.indirect.gather [hbm4b:s3+s6], $0x80, s31, s6, $0xb8;
	[tilespmem:$0x11900] =	vst v63  }
0x3bd: {  	_ =	swait.ge [sflag:s11], $0x4000  }
0x3be: {  	[sflag:s11] =	ssyncset.done $0x0  }
0x3bf: {  	[sflag:s11] =	ssyncadd.s32 $0xFFFFC000  }
0x3c0: {  	_ =	swait.ge [sflag:s11], $0x4000  }
0x3c1: {  	[sflag:s11] =	ssyncset.done $0x0  }
0x3c2: {  	s31 =	rddreg [dreg:$0x11];
	[sflag:s11] =	ssyncadd.s32 $0xFFFFC000  }
0x3c3: {  	[hbm4b:s31+s2] =	stream.linear.scatter [tilespmem:s9], [sflag:$0x4], $0x8000, $0x38;
	[tilespmem:$0x11900] =	vst v63  }
0x3c4: {  	_ =	swait.ge [sflag:s8], $0x8000  }
0x3c5: {  	s1 =	sld [smem:$0x7FB]  }
0x3c6: {  	[sflag:s8] =	ssyncset.done $0x0  }
0x3c7: {  	s31 =	sld [smem:$0x7FC];
	[sflag:s8] =	ssyncadd.s32 $0xFFFF8000  }
0x3c8: {  	[tilespmem:s9], [sflag:$0x2] =	stream.indirect.gather [hbm4b:s3+s6], $0x80, s1, s6, $0xb8;
	[tilespmem:$0x11900] =	vst v63  }
0x3c9: {  	_ = 	snop  }
0x3ca: {  	[tilespmem:s12], [sflag:$0x2] =	stream.indirect.gather [hbm4b:s3+s6], $0x80, s31, s6, $0xb8;
	[tilespmem:$0x11900] =	vst v63  }
0x3cb: {  	_ =	swait.ge [sflag:s7], $0x4000  }
0x3cc: {  	[sflag:s7] =	ssyncset.done $0x0  }
0x3cd: {  	[sflag:s7] =	ssyncadd.s32 $0xFFFFC000  }
0x3ce: {  	_ =	swait.ge [sflag:s7], $0x4000  }
0x3cf: {  	[sflag:s7] =	ssyncset.done $0x0  }
0x3d0: {  	s31 =	rddreg [dreg:$0x12];
	[sflag:s7] =	ssyncadd.s32 $0xFFFFC000  }
0x3d1: {  	[hbm4b:s31+s2] =	stream.linear.scatter [tilespmem:s4], [sflag:$0x3], $0x8000, $0x38;
	[tilespmem:$0x11900] =	vst v63  }
0x3d2: {  	_ =	swait.ge [sflag:s5], $0x8000  }
0x3d3: {  	s1 =	sld [smem:$0x7FD]  }
0x3d4: {  	[sflag:s5] =	ssyncset.done $0x0  }
0x3d5: {  	[sflag:s5] =	ssyncadd.s32 $0xFFFF8000  }
0x3d6: {  	[tilespmem:s4], [sflag:$0x1] =	stream.indirect.gather [hbm4b:s3+s6], $0x80, s1, s6, $0xb8;
	[tilespmem:$0x11900] =	vst v63  }
0x3d7: {  	_ = 	snop  }
0x3d8: {  	[tilespmem:s10], [sflag:$0x1] =	stream.indirect.gather [hbm4b:s3+s6], $0x80, s15, s6, $0xb8;
	[tilespmem:$0x11900] =	vst v63  }
0x3d9: {  	_ =	swait.ge [sflag:s11], $0x4000  }
0x3da: {  	[sflag:s11] =	ssyncset.done $0x0  }
0x3db: {  	[sflag:s11] =	ssyncadd.s32 $0xFFFFC000  }
0x3dc: {  	_ =	swait.ge [sflag:s11], $0x4000  }
0x3dd: {  	[sflag:s11] =	ssyncset.done $0x0  }
0x3de: {  	s15 =	rddreg [dreg:$0x13];
	[sflag:s11] =	ssyncadd.s32 $0xFFFFC000  }
0x3df: {  	[hbm4b:s15+s2] =	stream.linear.scatter [tilespmem:s9], [sflag:$0x4], $0x8000, $0x38;
	[tilespmem:$0x11900] =	vst v63  }
0x3e0: {  	_ =	swait.ge [sflag:s8], $0x8000  }
0x3e1: {  	[sflag:s8] =	ssyncset.done $0x0  }
0x3e2: {  	[sflag:s8] =	ssyncadd.s32 $0xFFFF8000  }
0x3e3: {  	[tilespmem:s9], [sflag:$0x2] =	stream.indirect.gather [hbm4b:s3+s6], $0x80, s29, s6, $0xb8;
	[tilespmem:$0x11900] =	vst v63  }
0x3e4: {  	_ = 	snop  }
0x3e5: {  	[tilespmem:s12], [sflag:$0x2] =	stream.indirect.gather [hbm4b:s3+s6], $0x80, s30, s6, $0xb8;
	[tilespmem:$0x11900] =	vst v63  }
0x3e6: {  	_ =	swait.ge [sflag:s7], $0x4000  }
0x3e7: {  	[sflag:s7] =	ssyncset.done $0x0  }
0x3e8: {  	[sflag:s7] =	ssyncadd.s32 $0xFFFFC000  }
0x3e9: {  	_ =	swait.ge [sflag:s7], $0x4000  }
0x3ea: {  	[sflag:s7] =	ssyncset.done $0x0  }
0x3eb: {  	s31 =	rddreg [dreg:$0x14];
	[sflag:s7] =	ssyncadd.s32 $0xFFFFC000  }
0x3ec: {  	[hbm4b:s31+s2] =	stream.linear.scatter [tilespmem:s4], [sflag:$0x3], $0x8000, $0x38;
	[tilespmem:$0x11900] =	vst v63  }
0x3ed: {  	_ =	swait.ge [sflag:s5], $0x8000  }
0x3ee: {  	[sflag:s5] =	ssyncset.done $0x0  }
0x3ef: {  	[sflag:s5] =	ssyncadd.s32 $0xFFFF8000  }
0x3f0: {  	[tilespmem:s4], [sflag:$0x1] =	stream.indirect.gather [hbm4b:s3+s6], $0x80, s26, s6, $0xb8;
	[tilespmem:$0x11900] =	vst v63  }
0x3f1: {  	_ = 	snop  }
0x3f2: {  	[tilespmem:s10], [sflag:$0x1] =	stream.indirect.gather [hbm4b:s3+s6], $0x80, s28, s6, $0xb8;
	[tilespmem:$0x11900] =	vst v63  }
0x3f3: {  	_ =	swait.ge [sflag:s11], $0x4000  }
0x3f4: {  	[sflag:s11] =	ssyncset.done $0x0  }
0x3f5: {  	[sflag:s11] =	ssyncadd.s32 $0xFFFFC000  }
0x3f6: {  	_ =	swait.ge [sflag:s11], $0x4000  }
0x3f7: {  	[sflag:s11] =	ssyncset.done $0x0  }
0x3f8: {  	s1 =	rddreg [dreg:$0x15];
	[sflag:s11] =	ssyncadd.s32 $0xFFFFC000  }
0x3f9: {  	[hbm4b:s1+s2] =	stream.linear.scatter [tilespmem:s9], [sflag:$0x4], $0x8000, $0x38;
	[tilespmem:$0x11900] =	vst v63  }
0x3fa: {  	_ =	swait.ge [sflag:s8], $0x8000  }
0x3fb: {  	[sflag:s8] =	ssyncset.done $0x0  }
0x3fc: {  	[sflag:s8] =	ssyncadd.s32 $0xFFFF8000  }
0x3fd: {  	[tilespmem:s9], [sflag:$0x2] =	stream.indirect.gather [hbm4b:s3+s6], $0x80, s24, s6, $0xb8;
	[tilespmem:$0x11900] =	vst v63  }
0x3fe: {  	_ = 	snop  }
0x3ff: {  	[tilespmem:s12], [sflag:$0x2] =	stream.indirect.gather [hbm4b:s3+s6], $0x80, s25, s6, $0xb8;
	[tilespmem:$0x11900] =	vst v63  }
0x400: {  	_ =	swait.ge [sflag:s7], $0x4000  }
0x401: {  	[sflag:s7] =	ssyncset.done $0x0  }
0x402: {  	[sflag:s7] =	ssyncadd.s32 $0xFFFFC000  }
0x403: {  	_ =	swait.ge [sflag:s7], $0x4000  }
0x404: {  	[sflag:s7] =	ssyncset.done $0x0  }
0x405: {  	s15 =	rddreg [dreg:$0x16];
	[sflag:s7] =	ssyncadd.s32 $0xFFFFC000  }
0x406: {  	[hbm4b:s15+s2] =	stream.linear.scatter [tilespmem:s4], [sflag:$0x3], $0x8000, $0x38;
	[tilespmem:$0x11900] =	vst v63  }
0x407: {  	_ =	swait.ge [sflag:s5], $0x8000  }
0x408: {  	[sflag:s5] =	ssyncset.done $0x0  }
0x409: {  	[sflag:s5] =	ssyncadd.s32 $0xFFFF8000  }
0x40a: {  	[tilespmem:s4], [sflag:$0x1] =	stream.indirect.gather [hbm4b:s3+s6], $0x80, s22, s6, $0xb8;
	[tilespmem:$0x11900] =	vst v63  }
0x40b: {  	_ = 	snop  }
0x40c: {  	[tilespmem:s10], [sflag:$0x1] =	stream.indirect.gather [hbm4b:s3+s6], $0x80, s23, s6, $0xb8;
	[tilespmem:$0x11900] =	vst v63  }
0x40d: {  	_ =	swait.ge [sflag:s11], $0x4000  }
0x40e: {  	[sflag:s11] =	ssyncset.done $0x0  }
0x40f: {  	[sflag:s11] =	ssyncadd.s32 $0xFFFFC000  }
0x410: {  	_ =	swait.ge [sflag:s11], $0x4000  }
0x411: {  	[sflag:s11] =	ssyncset.done $0x0  }
0x412: {  	s24 =	rddreg [dreg:$0x17];
	[sflag:s11] =	ssyncadd.s32 $0xFFFFC000  }
0x413: {  	[hbm4b:s24+s2] =	stream.linear.scatter [tilespmem:s9], [sflag:$0x4], $0x8000, $0x38;
	[tilespmem:$0x11900] =	vst v63  }
0x414: {  	_ =	swait.ge [sflag:s8], $0x8000  }
0x415: {  	[sflag:s8] =	ssyncset.done $0x0  }
0x416: {  	[sflag:s8] =	ssyncadd.s32 $0xFFFF8000  }
0x417: {  	[tilespmem:s9], [sflag:$0x2] =	stream.indirect.gather [hbm4b:s3+s6], $0x80, s20, s6, $0xb8;
	[tilespmem:$0x11900] =	vst v63  }
0x418: {  	_ = 	snop  }
0x419: {  	[tilespmem:s12], [sflag:$0x2] =	stream.indirect.gather [hbm4b:s3+s6], $0x80, s21, s6, $0xb8;
	[tilespmem:$0x11900] =	vst v63  }
0x41a: {  	_ =	swait.ge [sflag:s7], $0x4000  }
0x41b: {  	[sflag:s7] =	ssyncset.done $0x0  }
0x41c: {  	[sflag:s7] =	ssyncadd.s32 $0xFFFFC000  }
0x41d: {  	_ =	swait.ge [sflag:s7], $0x4000  }
0x41e: {  	[sflag:s7] =	ssyncset.done $0x0  }
0x41f: {  	s25 =	rddreg [dreg:$0x18];
	[sflag:s7] =	ssyncadd.s32 $0xFFFFC000  }
0x420: {  	[hbm4b:s25+s2] =	stream.linear.scatter [tilespmem:s4], [sflag:$0x3], $0x8000, $0x38;
	[tilespmem:$0x11900] =	vst v63  }
0x421: {  	_ =	swait.ge [sflag:s5], $0x8000  }
0x422: {  	[sflag:s5] =	ssyncset.done $0x0  }
0x423: {  	[sflag:s5] =	ssyncadd.s32 $0xFFFF8000  }
0x424: {  	[tilespmem:s4], [sflag:$0x1] =	stream.indirect.gather [hbm4b:s3+s6], $0x80, s18, s6, $0xb8;
	[tilespmem:$0x11900] =	vst v63  }
0x425: {  	_ = 	snop  }
0x426: {  	[tilespmem:s10], [sflag:$0x1] =	stream.indirect.gather [hbm4b:s3+s6], $0x80, s19, s6, $0xb8;
	[tilespmem:$0x11900] =	vst v63  }
0x427: {  	_ =	swait.ge [sflag:s11], $0x4000  }
0x428: {  	[sflag:s11] =	ssyncset.done $0x0  }
0x429: {  	[sflag:s11] =	ssyncadd.s32 $0xFFFFC000  }
0x42a: {  	_ =	swait.ge [sflag:s11], $0x4000  }
0x42b: {  	[sflag:s11] =	ssyncset.done $0x0  }
0x42c: {  	s26 =	rddreg [dreg:$0x19];
	[sflag:s11] =	ssyncadd.s32 $0xFFFFC000  }
0x42d: {  	[hbm4b:s26+s2] =	stream.linear.scatter [tilespmem:s9], [sflag:$0x4], $0x8000, $0x38;
	[tilespmem:$0x11900] =	vst v63  }
0x42e: {  	_ =	swait.ge [sflag:s8], $0x8000  }
0x42f: {  	[sflag:s8] =	ssyncset.done $0x0  }
0x430: {  	[sflag:s8] =	ssyncadd.s32 $0xFFFF8000  }
0x431: {  	[tilespmem:s9], [sflag:$0x2] =	stream.indirect.gather [hbm4b:s3+s6], $0x80, s16, s6, $0xb8;
	[tilespmem:$0x11900] =	vst v63  }
0x432: {  	_ = 	snop  }
0x433: {  	[tilespmem:s12], [sflag:$0x2] =	stream.indirect.gather [hbm4b:s3+s6], $0x80, s17, s6, $0xb8;
	[tilespmem:$0x11900] =	vst v63  }
0x434: {  	_ =	swait.ge [sflag:s7], $0x4000  }
0x435: {  	[sflag:s7] =	ssyncset.done $0x0  }
0x436: {  	[sflag:s7] =	ssyncadd.s32 $0xFFFFC000  }
0x437: {  	_ =	swait.ge [sflag:s7], $0x4000  }
0x438: {  	[sflag:s7] =	ssyncset.done $0x0  }
0x439: {  	s28 =	rddreg [dreg:$0x1a];
	[sflag:s7] =	ssyncadd.s32 $0xFFFFC000  }
0x43a: {  	[hbm4b:s28+s2] =	stream.linear.scatter [tilespmem:s4], [sflag:$0x3], $0x8000, $0x38;
	[tilespmem:$0x11900] =	vst v63  }
0x43b: {  	_ =	swait.ge [sflag:s5], $0x8000  }
0x43c: {  	[sflag:s5] =	ssyncset.done $0x0  }
0x43d: {  	[sflag:s5] =	ssyncadd.s32 $0xFFFF8000  }
0x43e: {  	[tilespmem:s4], [sflag:$0x1] =	stream.indirect.gather [hbm4b:s3+s6], $0x80, s14, s6, $0xb8;
	[tilespmem:$0x11900] =	vst v63  }
0x43f: {  	s29 =	simm.s32 $0x1880  }
0x440: {  	[tilespmem:s10], [sflag:$0x1] =	stream.indirect.gather [hbm4b:s3+s6], $0x80, s29, s6, $0xb8;
	[tilespmem:$0x11900] =	vst v63  }
0x441: {  	_ =	swait.ge [sflag:s11], $0x4000  }
0x442: {  	[sflag:s11] =	ssyncset.done $0x0  }
0x443: {  	[sflag:s11] =	ssyncadd.s32 $0xFFFFC000  }
0x444: {  	_ =	swait.ge [sflag:s11], $0x4000  }
0x445: {  	[sflag:s11] =	ssyncset.done $0x0  }
0x446: {  	s30 =	rddreg [dreg:$0x1b];
	[sflag:s11] =	ssyncadd.s32 $0xFFFFC000  }
0x447: {  	[hbm4b:s30+s2] =	stream.linear.scatter [tilespmem:s9], [sflag:$0x4], $0x8000, $0x38;
	[tilespmem:$0x11900] =	vst v63  }
0x448: {  	_ =	swait.ge [sflag:s7], $0x4000  }
0x449: {  	[sflag:s7] =	ssyncset.done $0x0  }
0x44a: {  	[sflag:s7] =	ssyncadd.s32 $0xFFFFC000  }
0x44b: {  	_ =	swait.ge [sflag:s7], $0x4000  }
0x44c: {  	[sflag:s7] =	ssyncset.done $0x0  }
0x44d: {  	s31 =	rddreg [dreg:$0x1c];
	[sflag:s7] =	ssyncadd.s32 $0xFFFFC000  }
0x44e: {  	[hbm4b:s31+s2] =	stream.linear.scatter [tilespmem:s4], [sflag:$0x3], $0x8000, $0x38;
	[tilespmem:$0x11900] =	vst v63  }
0x44f: {  	_ =	swait.ge [sflag:s5], $0x8000  }
0x450: {  	[sflag:s5] =	ssyncset.done $0x0  }
0x451: {  	[sflag:s5] =	ssyncadd.s32 $0xFFFF8000  }
0x452: {  	_ =	swait.ge [sflag:s8], $0x8000  }
0x453: {  	[sflag:s8] =	ssyncset.done $0x0  }
0x454: {  	[sflag:s8] =	ssyncadd.s32 $0xFFFF8000  }
0x455: {  	_ =	sfence.sel $0x180000  }
0x456: {  	[bflag:$0x0] =	sbarrier.arrive $0xFFFF  }
0x457: {  	_ =	strace $0x90000047  }
0x458: {  	[bflag:$0x2] =	sbarrier.arrive $0xFFFF  }
0x459: {  	p0 =	sne.s32 s13, $0x0;
	s0 =	rddreg [dreg:$0x2]  }
0x45a: {  	s0 =	sadd.s32 @!p0 $0x100000, s0  }
0x45b: {  	[sflag:s0] =	ssyncadd.tile.s32 @!p0 $0x1;
	_ =	shalt  }
.LBB2_1:
0x45c: {  	s15 =	simm.s32 $0x1080;
	s30 =	simm.s32 $0x1180  }
.Ltmp3:
0x45d: {  	s29 =	simm.s32 $0x1100;
	s28 =	simm.s32 $0x1280;
	(pc) =	sbr.rel .LBB2_6-.Ltmp3, $4  }
0x45e: {  	s26 =	simm.s32 $0x1200;
	s25 =	simm.s32 $0x1380;
	s24 =	simm.s32 $0x1300  }
0x45f: {  	s23 =	simm.s32 $0x1480;
	s22 =	simm.s32 $0x1400;
	s21 =	simm.s32 $0x1580  }
0x460: {  	s20 =	simm.s32 $0x1500;
	s19 =	simm.s32 $0x1680;
	s18 =	simm.s32 $0x1600  }
0x461: {  	s17 =	simm.s32 $0x1780;
	s16 =	simm.s32 $0x1700;
	s14 =	simm.s32 $0x1800  }
.LBB2_3:
0x462: {  	s15 =	simm.s32 $0x1080;
	s30 =	simm.s32 $0x1180;
	s29 =	simm.s32 $0x1100  }
.Ltmp4:
0x463: {  	s28 =	simm.s32 $0x1280;
	s26 =	simm.s32 $0x1200;
	(pc) =	sbr.rel .LBB2_6-.Ltmp4, $4  }
0x464: {  	s25 =	simm.s32 $0x1380;
	s24 =	simm.s32 $0x1300;
	s23 =	simm.s32 $0x1480  }
0x465: {  	s22 =	simm.s32 $0x1400;
	s21 =	simm.s32 $0x1580;
	s20 =	simm.s32 $0x1500  }
0x466: {  	s19 =	simm.s32 $0x1680;
	s18 =	simm.s32 $0x1600;
	s17 =	simm.s32 $0x1780  }
0x467: {  	s16 =	simm.s32 $0x1700;
	s14 =	simm.s32 $0x1800;
	s13 =	stileid.u32  }
.Lfunc_end2:
_tile_overlayer_lowered:
.L_overlay_start_2:
0x468: {  	(tag) =	ssettag $0x2  }
0x469: {  	s0 =	rddreg [dreg:$0x0];
	s2 =	stileid.u32  }
0x46a: {  	s1 =	rddreg [dreg:$0x1];
	p0 =	sne.s32 s2, $0x0  }
0x46b: {  	s3 =	rddreg [dreg:$0x2];
	[bflag:$0x3] =	sbarrier.arrive $0xFFFF;
	s2 =	simm.s32 @!p0 $0x1C05  }
0x46c: {  	[timem:s3], [sflag:s2] =	dma.local @!p0 [hbm:s0], s1  }
0x46d: {  	s0 =	simm.s32 @!p0 $0x5  }
0x46e: {  	_ =	swait.ge @!p0 [sflag:s0], s1  }
0x46f: {  	s1 =	ssub.s32 @!p0 $0x0, s1;
	[sflag:s0] =	ssyncset.done @!p0 $0x0  }
0x470: {  	[sflag:s0] =	ssyncadd.s32 @!p0 s1  }
0x471: {  	[bflag:$0x3] =	sbarrier.arrive $0xFFFF  }
0x472: {  	_ =	shalt  }

</sc_bundles>
